<compile_context>
chip_gen: v7x
topology: tpu7x:2x2x1
jax: 0.10.2.dev20260603
libtpu: 0.0.44.dev20260713+nightly
codegen_flags: <defaults>
</compile_context>

<pallas_src>
import functools

import jax
import jax.numpy as jnp
from jax import lax
from jax.experimental import pallas as pl
from jax.experimental.pallas import tpu as pltpu
from jax.experimental.pallas import tpu_sc as plsc

B = 16384
L = 200
V = 512
D = 128
NLANG = 10
T = B * L

NC = 2
NS = 16
NW = NC * NS
TPW = T // NW
RPW = B // NW
CHUNK = L
NCHUNK = TPW // CHUNK
CPAD = 208
R = 3


def _table_body(emb_ref, lang_ref, wt_ref, wb_ref, b_ref, out_ref):
    ft = jnp.dot(emb_ref[...], wt_ref[...],
                 preferred_element_type=jnp.float32,
                 precision=lax.Precision.HIGHEST)
    lb = jnp.dot(lang_ref[...], wb_ref[...],
                 preferred_element_type=jnp.float32,
                 precision=lax.Precision.HIGHEST) + b_ref[...]
    out_ref[...] = ft[None, :, :] + lb[:, None, :]


def _combined_table(emb_table, lang_table, w_top, w_bot, bias_row):
    return pl.pallas_call(
        _table_body,
        out_shape=jax.ShapeDtypeStruct((NLANG, V, D), jnp.float32),
    )(emb_table, lang_table, w_top, w_bot, bias_row)


_GSPLIT = [(0, 104), (104, 96)]


def _sc_gather_body(tab_hbm, chars_hbm, lang_hbm, out_hbm,
                    chars_v0, chars_v1, chars_v2,
                    idx_v0, idx_v1, idx_v2,
                    rows_v0, rows_v1, rows_v2,
                    lang_v, tab_sp, isem, gsem, osem):
    chars_v = (chars_v0, chars_v1, chars_v2)
    idx_v = (idx_v0, idx_v1, idx_v2)
    rows_v = (rows_v0, rows_v1, rows_v2)
    c = lax.axis_index("c")
    s = lax.axis_index("s")
    wid = s * NC + c

    base = wid * TPW

    def chars_start(g, p):
        pltpu.make_async_copy(
            chars_hbm.at[pl.ds(base + g * CHUNK, CHUNK)],
            chars_v[p].at[pl.ds(0, CHUNK)], isem.at[p],
        ).start()

    def gather_start(g, p):
        pltpu.make_async_copy(
            chars_hbm.at[pl.ds(base, CHUNK)], chars_v[p].at[pl.ds(0, CHUNK)],
            isem.at[p],
        ).wait()

        @pl.when(g + 1 < NCHUNK)
        def _prefetch():
            chars_start(g + 1, (p + 1) % R)

        lwin = lang_v[pl.ds(g, 16)]
        off0 = lwin[0] * V
        for k in range(CPAD // 16):
            c16 = chars_v[p][pl.ds(k * 16, 16)]
            idx_v[p][pl.ds(k * 16, 16)] = c16 + off0

        for j0, jn in _GSPLIT:
            pltpu.make_async_copy(
                tab_sp.at[idx_v[p].at[pl.ds(j0, jn)]],
                rows_v[p].at[pl.ds(j0, jn)],
                gsem.at[p],
            ).start()

    def gather_wait(p):
        pltpu.make_async_copy(
            tab_hbm.at[pl.ds(0, CHUNK)], rows_v[p], gsem.at[p]
        ).wait()

    def out_start(g, p):
        pltpu.make_async_copy(
            rows_v[p], out_hbm.at[pl.ds(base + g * CHUNK, CHUNK)], osem.at[p]
        ).start()

    def out_wait(g, p):
        pltpu.make_async_copy(
            rows_v[p], out_hbm.at[pl.ds(base + g * CHUNK, CHUNK)], osem.at[p]
        ).wait()

    def step(g, pg):
        pn = (pg + 1) % R
        out_wait(g + 1 - R, pn)
        gather_start(g + 1, pn)
        gather_wait(pg)
        out_start(g, pg)

    chars_start(0, 0)
    pltpu.sync_copy(lang_hbm.at[pl.ds(wid * RPW, RPW)], lang_v.at[pl.ds(0, RPW)])
    srows = (NLANG * V) // NS
    pltpu.sync_copy(tab_hbm.at[pl.ds(s * srows, srows)],
                    tab_sp.at[pl.ds(s * srows, srows)])
    plsc.subcore_barrier()

    gather_start(0, 0)
    for q in range(1, R):
        gather_wait(q - 1)
        out_start(q - 1, q - 1)
        gather_start(q, q)

    nbody = (NCHUNK - R) // R
    def ring_body(i, carry):
        for q in range(R):
            step(R - 1 + i * R + q, (R - 1 + q) % R)
        return carry

    lax.fori_loop(0, nbody, ring_body, 0)

    for g in range(R - 1 + nbody * R, NCHUNK - 1):
        step(g, g % R)
    g_last = NCHUNK - 1
    p_last = g_last % R
    gather_wait(p_last)
    out_start(g_last, p_last)
    for q in range(R):
        out_wait(g_last - (R - 1) + q, (p_last + 1 + q) % R)


_sc_gather = functools.partial(
    pl.kernel,
    mesh=plsc.VectorSubcoreMesh(core_axis_name="c", subcore_axis_name="s"),
    out_type=jax.ShapeDtypeStruct((T, D), jnp.float32),
    scratch_types=(
        [pltpu.VMEM((CPAD,), jnp.int32)] * 3
        + [pltpu.VMEM((CPAD,), jnp.int32)] * 3
        + [pltpu.VMEM((CHUNK, D), jnp.float32)] * 3
        + [
            pltpu.VMEM((RPW + 16,), jnp.int32),
            pltpu.VMEM_SHARED((NLANG * V, D), jnp.float32),
            pltpu.SemaphoreType.DMA((R,)),
            pltpu.SemaphoreType.DMA((R,)),
            pltpu.SemaphoreType.DMA((R,)),
        ]
    ),
)(_sc_gather_body)


def kernel(chars, lang_id, emb_table, lang_table, proj_W, proj_b):
    w_top = proj_W[:D]
    w_bot = proj_W[D:]
    combined = _combined_table(emb_table, lang_table, w_top, w_bot,
                               proj_b.reshape(1, D))
    combined = combined.reshape(NLANG * V, D)
    out = _sc_gather(combined, chars.astype(jnp.int32).reshape(T),
                     lang_id.astype(jnp.int32))
    return out.reshape(B, L, D)

# --- scband reference (transcript-rebuilt; emitter-appended) ---
"""Pipeline reference for scband-character-embedding-55327768708507 (READ-ONLY COPY).

The authoritative reference and input builder live on the scoring server;
editing this copy changes nothing except your own understanding.
"""

import jax, jax.numpy as jnp
import numpy as np


def setup_inputs(seed: int = 0) -> dict:
    key = jax.random.key(seed)
    k1, k2, k3, k4, k5, k6 = jax.random.split(key, 6)
    chars = jax.random.randint(k1, (16384, 200), 0, 512)
    lang_id = jax.random.randint(k2, (16384,), 0, 10)
    emb_table = jax.random.normal(k3, (512, 128), dtype=jnp.float32)
    # padding_idx=0 row is zero-initialized in nn.Embedding
    emb_table = emb_table.at[0].set(0.0)
    lang_table = jax.random.normal(k4, (10, 4), dtype=jnp.float32)
    proj_W = jax.random.normal(k5, (132, 128), dtype=jnp.float32) * 0.05
    proj_b = jax.random.normal(k6, (128,), dtype=jnp.float32) * 0.05
    return {"chars": chars, "lang_id": lang_id, "emb_table": emb_table,
            "lang_table": lang_table, "proj_W": proj_W, "proj_b": proj_b}


def reference(chars, lang_id, emb_table, lang_table, proj_W, proj_b):
    # x = self.embedding(chars)  -> gather rows
    x = jnp.take(emb_table, chars, axis=0)              # [B, L, D]
    # lang_emb = self.lang_embedding(lang_id)
    lang_emb = jnp.take(lang_table, lang_id, axis=0)    # [B, 4]
    # unsqueeze(1).expand(-1, L, -1)
    lang_emb = jnp.broadcast_to(lang_emb[:, None, :], (x.shape[0], x.shape[1], lang_emb.shape[-1]))
    # cat + linear proj
    x = jnp.concatenate([x, lang_emb], axis=-1)         # [B, L, D+4]
    x = x @ proj_W + proj_b                             # [B, L, D]
    return x

if __name__ == "__main__":
    import jax
    _d = setup_inputs()
    print(jax.jit(kernel)(*tuple(_d.values())))

</pallas_src>

<mosaic_0001>
#map = affine_map<(d0, d1) -> (0, 0)>
#map1 = affine_map<(d0, d1) -> (0)>
module attributes {stable_mosaic.version = 14 : i64} {
  func.func @_sc_gather_body(%arg0: i32, %arg1: i32, %arg2: memref<5120x128xf32, #tpu.memory_space<hbm>>, %arg3: memref<3276800xi32, #tpu.memory_space<hbm>>, %arg4: memref<16384xi32, #tpu.memory_space<hbm>>, %arg5: memref<3276800x128xf32, #tpu.memory_space<hbm>>, %arg6: memref<208xi32, #tpu.memory_space<vmem>>, %arg7: memref<208xi32, #tpu.memory_space<vmem>>, %arg8: memref<208xi32, #tpu.memory_space<vmem>>, %arg9: memref<208xi32, #tpu.memory_space<vmem>>, %arg10: memref<208xi32, #tpu.memory_space<vmem>>, %arg11: memref<208xi32, #tpu.memory_space<vmem>>, %arg12: memref<200x128xf32, #tpu.memory_space<vmem>>, %arg13: memref<200x128xf32, #tpu.memory_space<vmem>>, %arg14: memref<200x128xf32, #tpu.memory_space<vmem>>, %arg15: memref<528xi32, #tpu.memory_space<vmem>>, %arg16: memref<5120x128xf32, #tpu.memory_space<vmem_shared>>, %arg17: memref<3x!tpu.dma_semaphore, #tpu.memory_space<semaphore_mem>>, %arg18: memref<3x!tpu.dma_semaphore, #tpu.memory_space<semaphore_mem>>, %arg19: memref<3x!tpu.dma_semaphore, #tpu.memory_space<semaphore_mem>>) attributes {dimension_semantics = [#tpu.dimension_semantics<core_parallel>, #tpu.dimension_semantics<subcore_parallel>], iteration_bounds = array<i64: 2, 16>, scalar_prefetch = 0 : i64, scratch_operands = 14 : i64, tpu.core_type = #tpu.core_type<sc_vector_subcore>, window_params = [{transform_indices = #map}, {transform_indices = #map1}, {transform_indices = #map1}, {transform_indices = #map}]} {
    %mul3A = arith.constant 2 : i32
    %mul3A_0 = arith.muli %arg1, %mul3A : i32
    %add3A = arith.addi %mul3A_0, %arg0 : i32
    %mul3A_1 = arith.constant 102400 : i32
    %mul3A_2 = arith.muli %add3A, %mul3A_1 : i32
    %add3A_3 = arith.constant 0 : i32
    %add3A_4 = arith.addi %mul3A_2, %add3A_3 : i32
    %dma_start3A = arith.constant 0 : i32
    %dma_start3A_5 = arith.constant 0 : i32
    %dma_start3A_6 = tpu.memref_slice %arg6[%dma_start3A_5] : memref<208xi32, #tpu.memory_space<vmem>> -> memref<200xi32, #tpu.memory_space<vmem>>
    %dma_start3A_7 = tpu.memref_slice %arg3[%add3A_4] : memref<3276800xi32, #tpu.memory_space<hbm>> -> memref<200xi32, #tpu.memory_space<hbm>>
    %dma_start3A_8 = tpu.memref_slice %arg17[%dma_start3A] : memref<3x!tpu.dma_semaphore, #tpu.memory_space<semaphore_mem>> -> memref<1x!tpu.dma_semaphore, #tpu.memory_space<semaphore_mem>>
    %dma_start3A_9 = tpu.memref_squeeze %dma_start3A_8 : memref<1x!tpu.dma_semaphore, #tpu.memory_space<semaphore_mem>> -> memref<!tpu.dma_semaphore, #tpu.memory_space<semaphore_mem>>
    %dma_start3A_10 = arith.constant 0 : i32
    %dma_start3A_11 = tpu.memref_slice %arg6[%dma_start3A_10] : memref<208xi32, #tpu.memory_space<vmem>> -> memref<200xi32, #tpu.memory_space<vmem>>
    %dma_start3A_12 = tpu.memref_slice %arg3[%add3A_4] : memref<3276800xi32, #tpu.memory_space<hbm>> -> memref<200xi32, #tpu.memory_space<hbm>>
    tpu.enqueue_dma source(%dma_start3A_12 : memref<200xi32, #tpu.memory_space<hbm>>) target(%dma_start3A_11 : memref<200xi32, #tpu.memory_space<vmem>>) target_semaphore(%dma_start3A_9 : memref<!tpu.dma_semaphore, #tpu.memory_space<semaphore_mem>>)
    %mul3A_13 = arith.constant 512 : i32
    %mul3A_14 = arith.muli %add3A, %mul3A_13 : i32
    "tpu.region"() ({
      %run_scoped3A = tpu.sem_alloc : memref<!tpu.dma_semaphore, #tpu.memory_space<semaphore_mem>>
      %dma_start3A_973 = arith.constant 0 : i32
      %dma_start3A_974 = tpu.memref_slice %arg15[%dma_start3A_973] : memref<528xi32, #tpu.memory_space<vmem>> -> memref<512xi32, #tpu.memory_space<vmem>>
      %dma_start3A_975 = tpu.memref_slice %arg4[%mul3A_14] : memref<16384xi32, #tpu.memory_space<hbm>> -> memref<512xi32, #tpu.memory_space<hbm>>
      %dma_start3A_976 = arith.constant 0 : i32
      %dma_start3A_977 = tpu.memref_slice %arg15[%dma_start3A_976] : memref<528xi32, #tpu.memory_space<vmem>> -> memref<512xi32, #tpu.memory_space<vmem>>
      %dma_start3A_978 = tpu.memref_slice %arg4[%mul3A_14] : memref<16384xi32, #tpu.memory_space<hbm>> -> memref<512xi32, #tpu.memory_space<hbm>>
      tpu.enqueue_dma source(%dma_start3A_978 : memref<512xi32, #tpu.memory_space<hbm>>) target(%dma_start3A_977 : memref<512xi32, #tpu.memory_space<vmem>>) target_semaphore(%run_scoped3A : memref<!tpu.dma_semaphore, #tpu.memory_space<semaphore_mem>>)
      %dma_wait3A_979 = arith.constant 0 : i32
      %dma_wait3A_980 = tpu.memref_slice %arg15[%dma_wait3A_979] : memref<528xi32, #tpu.memory_space<vmem>> -> memref<512xi32, #tpu.memory_space<vmem>>
      %dma_wait3A_981 = tpu.memref_slice %arg4[%mul3A_14] : memref<16384xi32, #tpu.memory_space<hbm>> -> memref<512xi32, #tpu.memory_space<hbm>>
      %dma_wait3A_982 = arith.constant 0 : i32
      %dma_wait3A_983 = tpu.memref_slice %arg15[%dma_wait3A_982] : memref<528xi32, #tpu.memory_space<vmem>> -> memref<512xi32, #tpu.memory_space<vmem>>
      %dma_wait3A_984 = tpu.memref_slice %arg4[%mul3A_14] : memref<16384xi32, #tpu.memory_space<hbm>> -> memref<512xi32, #tpu.memory_space<hbm>>
      tpu.wait_dma2 semaphore(%run_scoped3A : memref<!tpu.dma_semaphore, #tpu.memory_space<semaphore_mem>>) src(%dma_wait3A_984 : memref<512xi32, #tpu.memory_space<hbm>>) dst(%dma_wait3A_983 : memref<512xi32, #tpu.memory_space<vmem>>)
      tpu.yield
    }) : () -> ()
    %mul3A_15 = arith.constant 320 : i32
    %mul3A_16 = arith.muli %arg1, %mul3A_15 : i32
    %mul3A_17 = arith.constant 320 : i32
    %mul3A_18 = arith.muli %arg1, %mul3A_17 : i32
    "tpu.region"() ({
      %run_scoped3A = tpu.sem_alloc : memref<!tpu.dma_semaphore, #tpu.memory_space<semaphore_mem>>
      %dma_start3A_973 = arith.constant 0 : i32
      %dma_start3A_974 = tpu.memref_slice %arg16[%mul3A_18, %dma_start3A_973] : memref<5120x128xf32, #tpu.memory_space<vmem_shared>> -> memref<320x128xf32, #tpu.memory_space<vmem_shared>>
      %dma_start3A_975 = arith.constant 0 : i32
      %dma_start3A_976 = tpu.memref_slice %arg2[%mul3A_16, %dma_start3A_975] : memref<5120x128xf32, #tpu.memory_space<hbm>> -> memref<320x128xf32, #tpu.memory_space<hbm>>
      tpu.enqueue_dma source(%dma_start3A_976 : memref<320x128xf32, #tpu.memory_space<hbm>>) target(%dma_start3A_974 : memref<320x128xf32, #tpu.memory_space<vmem_shared>>) target_semaphore(%run_scoped3A : memref<!tpu.dma_semaphore, #tpu.memory_space<semaphore_mem>>)
      %dma_wait3A_977 = arith.constant 0 : i32
      %dma_wait3A_978 = tpu.memref_slice %arg16[%mul3A_18, %dma_wait3A_977] : memref<5120x128xf32, #tpu.memory_space<vmem_shared>> -> memref<320x128xf32, #tpu.memory_space<vmem_shared>>
      %dma_wait3A_979 = arith.constant 0 : i32
      %dma_wait3A_980 = tpu.memref_slice %arg2[%mul3A_16, %dma_wait3A_979] : memref<5120x128xf32, #tpu.memory_space<hbm>> -> memref<320x128xf32, #tpu.memory_space<hbm>>
      tpu.wait_dma2 semaphore(%run_scoped3A : memref<!tpu.dma_semaphore, #tpu.memory_space<semaphore_mem>>) src(%dma_wait3A_980 : memref<320x128xf32, #tpu.memory_space<hbm>>) dst(%dma_wait3A_978 : memref<320x128xf32, #tpu.memory_space<vmem_shared>>)
      tpu.yield
    }) : () -> ()
    %barrier3A = arith.constant 0 : index
    tpu.barrier barrier_id(%barrier3A)
    %dma_wait3A = arith.constant 0 : i32
    %dma_wait3A_19 = arith.constant 0 : i32
    %dma_wait3A_20 = tpu.memref_slice %arg6[%dma_wait3A_19] : memref<208xi32, #tpu.memory_space<vmem>> -> memref<200xi32, #tpu.memory_space<vmem>>
    %dma_wait3A_21 = tpu.memref_slice %arg3[%mul3A_2] : memref<3276800xi32, #tpu.memory_space<hbm>> -> memref<200xi32, #tpu.memory_space<hbm>>
    %dma_wait3A_22 = tpu.memref_slice %arg17[%dma_wait3A] : memref<3x!tpu.dma_semaphore, #tpu.memory_space<semaphore_mem>> -> memref<1x!tpu.dma_semaphore, #tpu.memory_space<semaphore_mem>>
    %dma_wait3A_23 = tpu.memref_squeeze %dma_wait3A_22 : memref<1x!tpu.dma_semaphore, #tpu.memory_space<semaphore_mem>> -> memref<!tpu.dma_semaphore, #tpu.memory_space<semaphore_mem>>
    %dma_wait3A_24 = arith.constant 0 : i32
    %dma_wait3A_25 = tpu.memref_slice %arg6[%dma_wait3A_24] : memref<208xi32, #tpu.memory_space<vmem>> -> memref<200xi32, #tpu.memory_space<vmem>>
    %dma_wait3A_26 = tpu.memref_slice %arg3[%mul3A_2] : memref<3276800xi32, #tpu.memory_space<hbm>> -> memref<200xi32, #tpu.memory_space<hbm>>
    tpu.wait_dma2 semaphore(%dma_wait3A_23 : memref<!tpu.dma_semaphore, #tpu.memory_space<semaphore_mem>>) src(%dma_wait3A_26 : memref<200xi32, #tpu.memory_space<hbm>>) dst(%dma_wait3A_25 : memref<200xi32, #tpu.memory_space<vmem>>)
    %add3A_27 = arith.constant 200 : i32
    %add3A_28 = arith.addi %mul3A_2, %add3A_27 : i32
    %dma_start3A_29 = arith.constant 1 : i32
    %dma_start3A_30 = arith.constant 0 : i32
    %dma_start3A_31 = tpu.memref_slice %arg7[%dma_start3A_30] : memref<208xi32, #tpu.memory_space<vmem>> -> memref<200xi32, #tpu.memory_space<vmem>>
    %dma_start3A_32 = tpu.memref_slice %arg3[%add3A_28] : memref<3276800xi32, #tpu.memory_space<hbm>> -> memref<200xi32, #tpu.memory_space<hbm>>
    %dma_start3A_33 = tpu.memref_slice %arg17[%dma_start3A_29] : memref<3x!tpu.dma_semaphore, #tpu.memory_space<semaphore_mem>> -> memref<1x!tpu.dma_semaphore, #tpu.memory_space<semaphore_mem>>
    %dma_start3A_34 = tpu.memref_squeeze %dma_start3A_33 : memref<1x!tpu.dma_semaphore, #tpu.memory_space<semaphore_mem>> -> memref<!tpu.dma_semaphore, #tpu.memory_space<semaphore_mem>>
    %dma_start3A_35 = arith.constant 0 : i32
    %dma_start3A_36 = tpu.memref_slice %arg7[%dma_start3A_35] : memref<208xi32, #tpu.memory_space<vmem>> -> memref<200xi32, #tpu.memory_space<vmem>>
    %dma_start3A_37 = tpu.memref_slice %arg3[%add3A_28] : memref<3276800xi32, #tpu.memory_space<hbm>> -> memref<200xi32, #tpu.memory_space<hbm>>
    tpu.enqueue_dma source(%dma_start3A_37 : memref<200xi32, #tpu.memory_space<hbm>>) target(%dma_start3A_36 : memref<200xi32, #tpu.memory_space<vmem>>) target_semaphore(%dma_start3A_34 : memref<!tpu.dma_semaphore, #tpu.memory_space<semaphore_mem>>)
    %get3A = arith.constant 0 : index
    %get3A_38 = tpu.vector_load %arg15[%get3A] {strides = array<i32>} : memref<528xi32, #tpu.memory_space<vmem>>, vector<16xi32>,
    %get3A_39 = vector.shape_cast %get3A_38 : vector<16xi32> to vector<16xi32>
    %slice3A = vector.extract_strided_slice %get3A_39 {offsets = [0], sizes = [1], strides = [1]} : vector<16xi32> to vector<1xi32>
    %squeeze3A = vector.extract %slice3A[0] : i32 from vector<1xi32>
    %mul3A_40 = arith.constant 512 : i32
    %mul3A_41 = arith.muli %squeeze3A, %mul3A_40 : i32
    %get3A_42 = arith.constant 0 : index
    %get3A_43 = tpu.vector_load %arg6[%get3A_42] {strides = array<i32>} : memref<208xi32, #tpu.memory_space<vmem>>, vector<16xi32>,
    %get3A_44 = vector.shape_cast %get3A_43 : vector<16xi32> to vector<16xi32>
    %add3A_45 = vector.broadcast %mul3A_41 : i32 to vector<16xi32>
    %add3A_46 = arith.addi %get3A_44, %add3A_45 : vector<16xi32>
    %swap3A = arith.constant 0 : index
    %swap3A_47 = tpu.vector_load %arg9[%swap3A] {strides = array<i32>} : memref<208xi32, #tpu.memory_space<vmem>>, vector<16xi32>,
    %swap3A_48 = vector.shape_cast %swap3A_47 : vector<16xi32> to vector<16xi32>
    %swap3A_49 = vector.shape_cast %add3A_46 : vector<16xi32> to vector<16xi32>
    tpu.vector_store %arg9[%swap3A], %swap3A_49 {strides = array<i32>} : memref<208xi32, #tpu.memory_space<vmem>>, vector<16xi32>,
    %get3A_50 = arith.constant 16 : index
    %get3A_51 = tpu.vector_load %arg6[%get3A_50] {strides = array<i32>} : memref<208xi32, #tpu.memory_space<vmem>>, vector<16xi32>,
    %get3A_52 = vector.shape_cast %get3A_51 : vector<16xi32> to vector<16xi32>
    %add3A_53 = vector.broadcast %mul3A_41 : i32 to vector<16xi32>
    %add3A_54 = arith.addi %get3A_52, %add3A_53 : vector<16xi32>
    %swap3A_55 = arith.constant 16 : index
    %swap3A_56 = tpu.vector_load %arg9[%swap3A_55] {strides = array<i32>} : memref<208xi32, #tpu.memory_space<vmem>>, vector<16xi32>,
    %swap3A_57 = vector.shape_cast %swap3A_56 : vector<16xi32> to vector<16xi32>
    %swap3A_58 = vector.shape_cast %add3A_54 : vector<16xi32> to vector<16xi32>
    tpu.vector_store %arg9[%swap3A_55], %swap3A_58 {strides = array<i32>} : memref<208xi32, #tpu.memory_space<vmem>>, vector<16xi32>,
    %get3A_59 = arith.constant 32 : index
    %get3A_60 = tpu.vector_load %arg6[%get3A_59] {strides = array<i32>} : memref<208xi32, #tpu.memory_space<vmem>>, vector<16xi32>,
    %get3A_61 = vector.shape_cast %get3A_60 : vector<16xi32> to vector<16xi32>
    %add3A_62 = vector.broadcast %mul3A_41 : i32 to vector<16xi32>
    %add3A_63 = arith.addi %get3A_61, %add3A_62 : vector<16xi32>
    %swap3A_64 = arith.constant 32 : index
    %swap3A_65 = tpu.vector_load %arg9[%swap3A_64] {strides = array<i32>} : memref<208xi32, #tpu.memory_space<vmem>>, vector<16xi32>,
    %swap3A_66 = vector.shape_cast %swap3A_65 : vector<16xi32> to vector<16xi32>
    %swap3A_67 = vector.shape_cast %add3A_63 : vector<16xi32> to vector<16xi32>
    tpu.vector_store %arg9[%swap3A_64], %swap3A_67 {strides = array<i32>} : memref<208xi32, #tpu.memory_space<vmem>>, vector<16xi32>,
    %get3A_68 = arith.constant 48 : index
    %get3A_69 = tpu.vector_load %arg6[%get3A_68] {strides = array<i32>} : memref<208xi32, #tpu.memory_space<vmem>>, vector<16xi32>,
    %get3A_70 = vector.shape_cast %get3A_69 : vector<16xi32> to vector<16xi32>
    %add3A_71 = vector.broadcast %mul3A_41 : i32 to vector<16xi32>
    %add3A_72 = arith.addi %get3A_70, %add3A_71 : vector<16xi32>
    %swap3A_73 = arith.constant 48 : index
    %swap3A_74 = tpu.vector_load %arg9[%swap3A_73] {strides = array<i32>} : memref<208xi32, #tpu.memory_space<vmem>>, vector<16xi32>,
    %swap3A_75 = vector.shape_cast %swap3A_74 : vector<16xi32> to vector<16xi32>
    %swap3A_76 = vector.shape_cast %add3A_72 : vector<16xi32> to vector<16xi32>
    tpu.vector_store %arg9[%swap3A_73], %swap3A_76 {strides = array<i32>} : memref<208xi32, #tpu.memory_space<vmem>>, vector<16xi32>,
    %get3A_77 = arith.constant 64 : index
    %get3A_78 = tpu.vector_load %arg6[%get3A_77] {strides = array<i32>} : memref<208xi32, #tpu.memory_space<vmem>>, vector<16xi32>,
    %get3A_79 = vector.shape_cast %get3A_78 : vector<16xi32> to vector<16xi32>
    %add3A_80 = vector.broadcast %mul3A_41 : i32 to vector<16xi32>
    %add3A_81 = arith.addi %get3A_79, %add3A_80 : vector<16xi32>
    %swap3A_82 = arith.constant 64 : index
    %swap3A_83 = tpu.vector_load %arg9[%swap3A_82] {strides = array<i32>} : memref<208xi32, #tpu.memory_space<vmem>>, vector<16xi32>,
    %swap3A_84 = vector.shape_cast %swap3A_83 : vector<16xi32> to vector<16xi32>
    %swap3A_85 = vector.shape_cast %add3A_81 : vector<16xi32> to vector<16xi32>
    tpu.vector_store %arg9[%swap3A_82], %swap3A_85 {strides = array<i32>} : memref<208xi32, #tpu.memory_space<vmem>>, vector<16xi32>,
    %get3A_86 = arith.constant 80 : index
    %get3A_87 = tpu.vector_load %arg6[%get3A_86] {strides = array<i32>} : memref<208xi32, #tpu.memory_space<vmem>>, vector<16xi32>,
    %get3A_88 = vector.shape_cast %get3A_87 : vector<16xi32> to vector<16xi32>
    %add3A_89 = vector.broadcast %mul3A_41 : i32 to vector<16xi32>
    %add3A_90 = arith.addi %get3A_88, %add3A_89 : vector<16xi32>
    %swap3A_91 = arith.constant 80 : index
    %swap3A_92 = tpu.vector_load %arg9[%swap3A_91] {strides = array<i32>} : memref<208xi32, #tpu.memory_space<vmem>>, vector<16xi32>,
    %swap3A_93 = vector.shape_cast %swap3A_92 : vector<16xi32> to vector<16xi32>
    %swap3A_94 = vector.shape_cast %add3A_90 : vector<16xi32> to vector<16xi32>
    tpu.vector_store %arg9[%swap3A_91], %swap3A_94 {strides = array<i32>} : memref<208xi32, #tpu.memory_space<vmem>>, vector<16xi32>,
    %get3A_95 = arith.constant 96 : index
    %get3A_96 = tpu.vector_load %arg6[%get3A_95] {strides = array<i32>} : memref<208xi32, #tpu.memory_space<vmem>>, vector<16xi32>,
    %get3A_97 = vector.shape_cast %get3A_96 : vector<16xi32> to vector<16xi32>
    %add3A_98 = vector.broadcast %mul3A_41 : i32 to vector<16xi32>
    %add3A_99 = arith.addi %get3A_97, %add3A_98 : vector<16xi32>
    %swap3A_100 = arith.constant 96 : index
    %swap3A_101 = tpu.vector_load %arg9[%swap3A_100] {strides = array<i32>} : memref<208xi32, #tpu.memory_space<vmem>>, vector<16xi32>,
    %swap3A_102 = vector.shape_cast %swap3A_101 : vector<16xi32> to vector<16xi32>
    %swap3A_103 = vector.shape_cast %add3A_99 : vector<16xi32> to vector<16xi32>
    tpu.vector_store %arg9[%swap3A_100], %swap3A_103 {strides = array<i32>} : memref<208xi32, #tpu.memory_space<vmem>>, vector<16xi32>,
    %get3A_104 = arith.constant 112 : index
    %get3A_105 = tpu.vector_load %arg6[%get3A_104] {strides = array<i32>} : memref<208xi32, #tpu.memory_space<vmem>>, vector<16xi32>,
    %get3A_106 = vector.shape_cast %get3A_105 : vector<16xi32> to vector<16xi32>
    %add3A_107 = vector.broadcast %mul3A_41 : i32 to vector<16xi32>
    %add3A_108 = arith.addi %get3A_106, %add3A_107 : vector<16xi32>
    %swap3A_109 = arith.constant 112 : index
    %swap3A_110 = tpu.vector_load %arg9[%swap3A_109] {strides = array<i32>} : memref<208xi32, #tpu.memory_space<vmem>>, vector<16xi32>,
    %swap3A_111 = vector.shape_cast %swap3A_110 : vector<16xi32> to vector<16xi32>
    %swap3A_112 = vector.shape_cast %add3A_108 : vector<16xi32> to vector<16xi32>
    tpu.vector_store %arg9[%swap3A_109], %swap3A_112 {strides = array<i32>} : memref<208xi32, #tpu.memory_space<vmem>>, vector<16xi32>,
    %get3A_113 = arith.constant 128 : index
    %get3A_114 = tpu.vector_load %arg6[%get3A_113] {strides = array<i32>} : memref<208xi32, #tpu.memory_space<vmem>>, vector<16xi32>,
    %get3A_115 = vector.shape_cast %get3A_114 : vector<16xi32> to vector<16xi32>
    %add3A_116 = vector.broadcast %mul3A_41 : i32 to vector<16xi32>
    %add3A_117 = arith.addi %get3A_115, %add3A_116 : vector<16xi32>
    %swap3A_118 = arith.constant 128 : index
    %swap3A_119 = tpu.vector_load %arg9[%swap3A_118] {strides = array<i32>} : memref<208xi32, #tpu.memory_space<vmem>>, vector<16xi32>,
    %swap3A_120 = vector.shape_cast %swap3A_119 : vector<16xi32> to vector<16xi32>
    %swap3A_121 = vector.shape_cast %add3A_117 : vector<16xi32> to vector<16xi32>
    tpu.vector_store %arg9[%swap3A_118], %swap3A_121 {strides = array<i32>} : memref<208xi32, #tpu.memory_space<vmem>>, vector<16xi32>,
    %get3A_122 = arith.constant 144 : index
    %get3A_123 = tpu.vector_load %arg6[%get3A_122] {strides = array<i32>} : memref<208xi32, #tpu.memory_space<vmem>>, vector<16xi32>,
    %get3A_124 = vector.shape_cast %get3A_123 : vector<16xi32> to vector<16xi32>
    %add3A_125 = vector.broadcast %mul3A_41 : i32 to vector<16xi32>
    %add3A_126 = arith.addi %get3A_124, %add3A_125 : vector<16xi32>
    %swap3A_127 = arith.constant 144 : index
    %swap3A_128 = tpu.vector_load %arg9[%swap3A_127] {strides = array<i32>} : memref<208xi32, #tpu.memory_space<vmem>>, vector<16xi32>,
    %swap3A_129 = vector.shape_cast %swap3A_128 : vector<16xi32> to vector<16xi32>
    %swap3A_130 = vector.shape_cast %add3A_126 : vector<16xi32> to vector<16xi32>
    tpu.vector_store %arg9[%swap3A_127], %swap3A_130 {strides = array<i32>} : memref<208xi32, #tpu.memory_space<vmem>>, vector<16xi32>,
    %get3A_131 = arith.constant 160 : index
    %get3A_132 = tpu.vector_load %arg6[%get3A_131] {strides = array<i32>} : memref<208xi32, #tpu.memory_space<vmem>>, vector<16xi32>,
    %get3A_133 = vector.shape_cast %get3A_132 : vector<16xi32> to vector<16xi32>
    %add3A_134 = vector.broadcast %mul3A_41 : i32 to vector<16xi32>
    %add3A_135 = arith.addi %get3A_133, %add3A_134 : vector<16xi32>
    %swap3A_136 = arith.constant 160 : index
    %swap3A_137 = tpu.vector_load %arg9[%swap3A_136] {strides = array<i32>} : memref<208xi32, #tpu.memory_space<vmem>>, vector<16xi32>,
    %swap3A_138 = vector.shape_cast %swap3A_137 : vector<16xi32> to vector<16xi32>
    %swap3A_139 = vector.shape_cast %add3A_135 : vector<16xi32> to vector<16xi32>
    tpu.vector_store %arg9[%swap3A_136], %swap3A_139 {strides = array<i32>} : memref<208xi32, #tpu.memory_space<vmem>>, vector<16xi32>,
    %get3A_140 = arith.constant 176 : index
    %get3A_141 = tpu.vector_load %arg6[%get3A_140] {strides = array<i32>} : memref<208xi32, #tpu.memory_space<vmem>>, vector<16xi32>,
    %get3A_142 = vector.shape_cast %get3A_141 : vector<16xi32> to vector<16xi32>
    %add3A_143 = vector.broadcast %mul3A_41 : i32 to vector<16xi32>
    %add3A_144 = arith.addi %get3A_142, %add3A_143 : vector<16xi32>
    %swap3A_145 = arith.constant 176 : index
    %swap3A_146 = tpu.vector_load %arg9[%swap3A_145] {strides = array<i32>} : memref<208xi32, #tpu.memory_space<vmem>>, vector<16xi32>,
    %swap3A_147 = vector.shape_cast %swap3A_146 : vector<16xi32> to vector<16xi32>
    %swap3A_148 = vector.shape_cast %add3A_144 : vector<16xi32> to vector<16xi32>
    tpu.vector_store %arg9[%swap3A_145], %swap3A_148 {strides = array<i32>} : memref<208xi32, #tpu.memory_space<vmem>>, vector<16xi32>,
    %get3A_149 = arith.constant 192 : index
    %get3A_150 = tpu.vector_load %arg6[%get3A_149] {strides = array<i32>} : memref<208xi32, #tpu.memory_space<vmem>>, vector<16xi32>,
    %get3A_151 = vector.shape_cast %get3A_150 : vector<16xi32> to vector<16xi32>
    %add3A_152 = vector.broadcast %mul3A_41 : i32 to vector<16xi32>
    %add3A_153 = arith.addi %get3A_151, %add3A_152 : vector<16xi32>
    %swap3A_154 = arith.constant 192 : index
    %swap3A_155 = tpu.vector_load %arg9[%swap3A_154] {strides = array<i32>} : memref<208xi32, #tpu.memory_space<vmem>>, vector<16xi32>,
    %swap3A_156 = vector.shape_cast %swap3A_155 : vector<16xi32> to vector<16xi32>
    %swap3A_157 = vector.shape_cast %add3A_153 : vector<16xi32> to vector<16xi32>
    tpu.vector_store %arg9[%swap3A_154], %swap3A_157 {strides = array<i32>} : memref<208xi32, #tpu.memory_space<vmem>>, vector<16xi32>,
    %dma_start3A_158 = arith.constant 0 : i32
    %dma_start3A_159 = arith.constant 0 : i32
    %dma_start3A_160 = arith.constant 0 : i32
    %dma_start3A_161 = tpu.memref_slice %arg12[%dma_start3A_159, %dma_start3A_160] : memref<200x128xf32, #tpu.memory_space<vmem>> -> memref<104x128xf32, #tpu.memory_space<vmem>>
    %dma_start3A_162 = arith.constant 0 : i32
    %dma_start3A_163 = tpu.memref_slice %arg9[%dma_start3A_162] : memref<208xi32, #tpu.memory_space<vmem>> -> memref<104xi32, #tpu.memory_space<vmem>>
    %dma_start3A_164 = arith.constant 0 : i32
    %dma_start3A_165 = arith.constant 0 : i32
    %dma_start3A_166 = tpu.memref_slice %arg16[%dma_start3A_164, %dma_start3A_165] : memref<5120x128xf32, #tpu.memory_space<vmem_shared>> -> memref<5120x128xf32, #tpu.memory_space<vmem_shared>>
    %dma_start3A_167 = tpu.memref_slice %arg18[%dma_start3A_158] : memref<3x!tpu.dma_semaphore, #tpu.memory_space<semaphore_mem>> -> memref<1x!tpu.dma_semaphore, #tpu.memory_space<semaphore_mem>>
    %dma_start3A_168 = tpu.memref_squeeze %dma_start3A_167 : memref<1x!tpu.dma_semaphore, #tpu.memory_space<semaphore_mem>> -> memref<!tpu.dma_semaphore, #tpu.memory_space<semaphore_mem>>
    tpu.enqueue_indirect_dma source(%dma_start3A_166 : memref<5120x128xf32, #tpu.memory_space<vmem_shared>>) target(%dma_start3A_161 : memref<104x128xf32, #tpu.memory_space<vmem>>) offsets(%dma_start3A_163 : memref<104xi32, #tpu.memory_space<vmem>>) semaphore(%dma_start3A_168 : memref<!tpu.dma_semaphore, #tpu.memory_space<semaphore_mem>>)
    %dma_start3A_169 = arith.constant 0 : i32
    %dma_start3A_170 = arith.constant 104 : i32
    %dma_start3A_171 = arith.constant 0 : i32
    %dma_start3A_172 = tpu.memref_slice %arg12[%dma_start3A_170, %dma_start3A_171] : memref<200x128xf32, #tpu.memory_space<vmem>> -> memref<96x128xf32, #tpu.memory_space<vmem>>
    %dma_start3A_173 = arith.constant 104 : i32
    %dma_start3A_174 = tpu.memref_slice %arg9[%dma_start3A_173] : memref<208xi32, #tpu.memory_space<vmem>> -> memref<96xi32, #tpu.memory_space<vmem>>
    %dma_start3A_175 = arith.constant 0 : i32
    %dma_start3A_176 = arith.constant 0 : i32
    %dma_start3A_177 = tpu.memref_slice %arg16[%dma_start3A_175, %dma_start3A_176] : memref<5120x128xf32, #tpu.memory_space<vmem_shared>> -> memref<5120x128xf32, #tpu.memory_space<vmem_shared>>
    %dma_start3A_178 = tpu.memref_slice %arg18[%dma_start3A_169] : memref<3x!tpu.dma_semaphore, #tpu.memory_space<semaphore_mem>> -> memref<1x!tpu.dma_semaphore, #tpu.memory_space<semaphore_mem>>
    %dma_start3A_179 = tpu.memref_squeeze %dma_start3A_178 : memref<1x!tpu.dma_semaphore, #tpu.memory_space<semaphore_mem>> -> memref<!tpu.dma_semaphore, #tpu.memory_space<semaphore_mem>>
    tpu.enqueue_indirect_dma source(%dma_start3A_177 : memref<5120x128xf32, #tpu.memory_space<vmem_shared>>) target(%dma_start3A_172 : memref<96x128xf32, #tpu.memory_space<vmem>>) offsets(%dma_start3A_174 : memref<96xi32, #tpu.memory_space<vmem>>) semaphore(%dma_start3A_179 : memref<!tpu.dma_semaphore, #tpu.memory_space<semaphore_mem>>)
    %dma_wait3A_180 = arith.constant 0 : i32
    %dma_wait3A_181 = arith.constant 0 : i32
    %dma_wait3A_182 = arith.constant 0 : i32
    %dma_wait3A_183 = tpu.memref_slice %arg2[%dma_wait3A_181, %dma_wait3A_182] : memref<5120x128xf32, #tpu.memory_space<hbm>> -> memref<200x128xf32, #tpu.memory_space<hbm>>
    %dma_wait3A_184 = tpu.memref_slice %arg18[%dma_wait3A_180] : memref<3x!tpu.dma_semaphore, #tpu.memory_space<semaphore_mem>> -> memref<1x!tpu.dma_semaphore, #tpu.memory_space<semaphore_mem>>
    %dma_wait3A_185 = tpu.memref_squeeze %dma_wait3A_184 : memref<1x!tpu.dma_semaphore, #tpu.memory_space<semaphore_mem>> -> memref<!tpu.dma_semaphore, #tpu.memory_space<semaphore_mem>>
    %dma_wait3A_186 = arith.constant 0 : i32
    %dma_wait3A_187 = arith.constant 0 : i32
    %dma_wait3A_188 = tpu.memref_slice %arg2[%dma_wait3A_186, %dma_wait3A_187] : memref<5120x128xf32, #tpu.memory_space<hbm>> -> memref<200x128xf32, #tpu.memory_space<hbm>>
    tpu.wait_dma2 semaphore(%dma_wait3A_185 : memref<!tpu.dma_semaphore, #tpu.memory_space<semaphore_mem>>) src(%dma_wait3A_188 : memref<200x128xf32, #tpu.memory_space<hbm>>) dst(%arg12 : memref<200x128xf32, #tpu.memory_space<vmem>>)
    %add3A_189 = arith.constant 0 : i32
    %add3A_190 = arith.addi %mul3A_2, %add3A_189 : i32
    %dma_start3A_191 = arith.constant 0 : i32
    %dma_start3A_192 = arith.constant 0 : i32
    %dma_start3A_193 = tpu.memref_slice %arg5[%add3A_190, %dma_start3A_192] : memref<3276800x128xf32, #tpu.memory_space<hbm>> -> memref<200x128xf32, #tpu.memory_space<hbm>>
    %dma_start3A_194 = tpu.memref_slice %arg19[%dma_start3A_191] : memref<3x!tpu.dma_semaphore, #tpu.memory_space<semaphore_mem>> -> memref<1x!tpu.dma_semaphore, #tpu.memory_space<semaphore_mem>>
    %dma_start3A_195 = tpu.memref_squeeze %dma_start3A_194 : memref<1x!tpu.dma_semaphore, #tpu.memory_space<semaphore_mem>> -> memref<!tpu.dma_semaphore, #tpu.memory_space<semaphore_mem>>
    %dma_start3A_196 = arith.constant 0 : i32
    %dma_start3A_197 = tpu.memref_slice %arg5[%add3A_190, %dma_start3A_196] : memref<3276800x128xf32, #tpu.memory_space<hbm>> -> memref<200x128xf32, #tpu.memory_space<hbm>>
    tpu.enqueue_dma source(%arg12 : memref<200x128xf32, #tpu.memory_space<vmem>>) target(%dma_start3A_197 : memref<200x128xf32, #tpu.memory_space<hbm>>) target_semaphore(%dma_start3A_195 : memref<!tpu.dma_semaphore, #tpu.memory_space<semaphore_mem>>)
    %dma_wait3A_198 = arith.constant 1 : i32
    %dma_wait3A_199 = arith.constant 0 : i32
    %dma_wait3A_200 = tpu.memref_slice %arg7[%dma_wait3A_199] : memref<208xi32, #tpu.memory_space<vmem>> -> memref<200xi32, #tpu.memory_space<vmem>>
    %dma_wait3A_201 = tpu.memref_slice %arg3[%mul3A_2] : memref<3276800xi32, #tpu.memory_space<hbm>> -> memref<200xi32, #tpu.memory_space<hbm>>
    %dma_wait3A_202 = tpu.memref_slice %arg17[%dma_wait3A_198] : memref<3x!tpu.dma_semaphore, #tpu.memory_space<semaphore_mem>> -> memref<1x!tpu.dma_semaphore, #tpu.memory_space<semaphore_mem>>
    %dma_wait3A_203 = tpu.memref_squeeze %dma_wait3A_202 : memref<1x!tpu.dma_semaphore, #tpu.memory_space<semaphore_mem>> -> memref<!tpu.dma_semaphore, #tpu.memory_space<semaphore_mem>>
    %dma_wait3A_204 = arith.constant 0 : i32
    %dma_wait3A_205 = tpu.memref_slice %arg7[%dma_wait3A_204] : memref<208xi32, #tpu.memory_space<vmem>> -> memref<200xi32, #tpu.memory_space<vmem>>
    %dma_wait3A_206 = tpu.memref_slice %arg3[%mul3A_2] : memref<3276800xi32, #tpu.memory_space<hbm>> -> memref<200xi32, #tpu.memory_space<hbm>>
    tpu.wait_dma2 semaphore(%dma_wait3A_203 : memref<!tpu.dma_semaphore, #tpu.memory_space<semaphore_mem>>) src(%dma_wait3A_206 : memref<200xi32, #tpu.memory_space<hbm>>) dst(%dma_wait3A_205 : memref<200xi32, #tpu.memory_space<vmem>>)
    %add3A_207 = arith.constant 400 : i32
    %add3A_208 = arith.addi %mul3A_2, %add3A_207 : i32
    %dma_start3A_209 = arith.constant 2 : i32
    %dma_start3A_210 = arith.constant 0 : i32
    %dma_start3A_211 = tpu.memref_slice %arg8[%dma_start3A_210] : memref<208xi32, #tpu.memory_space<vmem>> -> memref<200xi32, #tpu.memory_space<vmem>>
    %dma_start3A_212 = tpu.memref_slice %arg3[%add3A_208] : memref<3276800xi32, #tpu.memory_space<hbm>> -> memref<200xi32, #tpu.memory_space<hbm>>
    %dma_start3A_213 = tpu.memref_slice %arg17[%dma_start3A_209] : memref<3x!tpu.dma_semaphore, #tpu.memory_space<semaphore_mem>> -> memref<1x!tpu.dma_semaphore, #tpu.memory_space<semaphore_mem>>
    %dma_start3A_214 = tpu.memref_squeeze %dma_start3A_213 : memref<1x!tpu.dma_semaphore, #tpu.memory_space<semaphore_mem>> -> memref<!tpu.dma_semaphore, #tpu.memory_space<semaphore_mem>>
    %dma_start3A_215 = arith.constant 0 : i32
    %dma_start3A_216 = tpu.memref_slice %arg8[%dma_start3A_215] : memref<208xi32, #tpu.memory_space<vmem>> -> memref<200xi32, #tpu.memory_space<vmem>>
    %dma_start3A_217 = tpu.memref_slice %arg3[%add3A_208] : memref<3276800xi32, #tpu.memory_space<hbm>> -> memref<200xi32, #tpu.memory_space<hbm>>
    tpu.enqueue_dma source(%dma_start3A_217 : memref<200xi32, #tpu.memory_space<hbm>>) target(%dma_start3A_216 : memref<200xi32, #tpu.memory_space<vmem>>) target_semaphore(%dma_start3A_214 : memref<!tpu.dma_semaphore, #tpu.memory_space<semaphore_mem>>)
    %get3A_218 = arith.constant 1 : index
    %get3A_219 = tpu.vector_load %arg15[%get3A_218] {strides = array<i32>} : memref<528xi32, #tpu.memory_space<vmem>>, vector<16xi32>,
    %get3A_220 = vector.shape_cast %get3A_219 : vector<16xi32> to vector<16xi32>
    %slice3A_221 = vector.extract_strided_slice %get3A_220 {offsets = [0], sizes = [1], strides = [1]} : vector<16xi32> to vector<1xi32>
    %squeeze3A_222 = vector.extract %slice3A_221[0] : i32 from vector<1xi32>
    %mul3A_223 = arith.constant 512 : i32
    %mul3A_224 = arith.muli %squeeze3A_222, %mul3A_223 : i32
    %get3A_225 = arith.constant 0 : index
    %get3A_226 = tpu.vector_load %arg7[%get3A_225] {strides = array<i32>} : memref<208xi32, #tpu.memory_space<vmem>>, vector<16xi32>,
    %get3A_227 = vector.shape_cast %get3A_226 : vector<16xi32> to vector<16xi32>
    %add3A_228 = vector.broadcast %mul3A_224 : i32 to vector<16xi32>
    %add3A_229 = arith.addi %get3A_227, %add3A_228 : vector<16xi32>
    %swap3A_230 = arith.constant 0 : index
    %swap3A_231 = tpu.vector_load %arg10[%swap3A_230] {strides = array<i32>} : memref<208xi32, #tpu.memory_space<vmem>>, vector<16xi32>,
    %swap3A_232 = vector.shape_cast %swap3A_231 : vector<16xi32> to vector<16xi32>
    %swap3A_233 = vector.shape_cast %add3A_229 : vector<16xi32> to vector<16xi32>
    tpu.vector_store %arg10[%swap3A_230], %swap3A_233 {strides = array<i32>} : memref<208xi32, #tpu.memory_space<vmem>>, vector<16xi32>,
    %get3A_234 = arith.constant 16 : index
    %get3A_235 = tpu.vector_load %arg7[%get3A_234] {strides = array<i32>} : memref<208xi32, #tpu.memory_space<vmem>>, vector<16xi32>,
    %get3A_236 = vector.shape_cast %get3A_235 : vector<16xi32> to vector<16xi32>
    %add3A_237 = vector.broadcast %mul3A_224 : i32 to vector<16xi32>
    %add3A_238 = arith.addi %get3A_236, %add3A_237 : vector<16xi32>
    %swap3A_239 = arith.constant 16 : index
    %swap3A_240 = tpu.vector_load %arg10[%swap3A_239] {strides = array<i32>} : memref<208xi32, #tpu.memory_space<vmem>>, vector<16xi32>,
    %swap3A_241 = vector.shape_cast %swap3A_240 : vector<16xi32> to vector<16xi32>
    %swap3A_242 = vector.shape_cast %add3A_238 : vector<16xi32> to vector<16xi32>
    tpu.vector_store %arg10[%swap3A_239], %swap3A_242 {strides = array<i32>} : memref<208xi32, #tpu.memory_space<vmem>>, vector<16xi32>,
    %get3A_243 = arith.constant 32 : index
    %get3A_244 = tpu.vector_load %arg7[%get3A_243] {strides = array<i32>} : memref<208xi32, #tpu.memory_space<vmem>>, vector<16xi32>,
    %get3A_245 = vector.shape_cast %get3A_244 : vector<16xi32> to vector<16xi32>
    %add3A_246 = vector.broadcast %mul3A_224 : i32 to vector<16xi32>
    %add3A_247 = arith.addi %get3A_245, %add3A_246 : vector<16xi32>
    %swap3A_248 = arith.constant 32 : index
    %swap3A_249 = tpu.vector_load %arg10[%swap3A_248] {strides = array<i32>} : memref<208xi32, #tpu.memory_space<vmem>>, vector<16xi32>,
    %swap3A_250 = vector.shape_cast %swap3A_249 : vector<16xi32> to vector<16xi32>
    %swap3A_251 = vector.shape_cast %add3A_247 : vector<16xi32> to vector<16xi32>
    tpu.vector_store %arg10[%swap3A_248], %swap3A_251 {strides = array<i32>} : memref<208xi32, #tpu.memory_space<vmem>>, vector<16xi32>,
    %get3A_252 = arith.constant 48 : index
    %get3A_253 = tpu.vector_load %arg7[%get3A_252] {strides = array<i32>} : memref<208xi32, #tpu.memory_space<vmem>>, vector<16xi32>,
    %get3A_254 = vector.shape_cast %get3A_253 : vector<16xi32> to vector<16xi32>
    %add3A_255 = vector.broadcast %mul3A_224 : i32 to vector<16xi32>
    %add3A_256 = arith.addi %get3A_254, %add3A_255 : vector<16xi32>
    %swap3A_257 = arith.constant 48 : index
    %swap3A_258 = tpu.vector_load %arg10[%swap3A_257] {strides = array<i32>} : memref<208xi32, #tpu.memory_space<vmem>>, vector<16xi32>,
    %swap3A_259 = vector.shape_cast %swap3A_258 : vector<16xi32> to vector<16xi32>
    %swap3A_260 = vector.shape_cast %add3A_256 : vector<16xi32> to vector<16xi32>
    tpu.vector_store %arg10[%swap3A_257], %swap3A_260 {strides = array<i32>} : memref<208xi32, #tpu.memory_space<vmem>>, vector<16xi32>,
    %get3A_261 = arith.constant 64 : index
    %get3A_262 = tpu.vector_load %arg7[%get3A_261] {strides = array<i32>} : memref<208xi32, #tpu.memory_space<vmem>>, vector<16xi32>,
    %get3A_263 = vector.shape_cast %get3A_262 : vector<16xi32> to vector<16xi32>
    %add3A_264 = vector.broadcast %mul3A_224 : i32 to vector<16xi32>
    %add3A_265 = arith.addi %get3A_263, %add3A_264 : vector<16xi32>
    %swap3A_266 = arith.constant 64 : index
    %swap3A_267 = tpu.vector_load %arg10[%swap3A_266] {strides = array<i32>} : memref<208xi32, #tpu.memory_space<vmem>>, vector<16xi32>,
    %swap3A_268 = vector.shape_cast %swap3A_267 : vector<16xi32> to vector<16xi32>
    %swap3A_269 = vector.shape_cast %add3A_265 : vector<16xi32> to vector<16xi32>
    tpu.vector_store %arg10[%swap3A_266], %swap3A_269 {strides = array<i32>} : memref<208xi32, #tpu.memory_space<vmem>>, vector<16xi32>,
    %get3A_270 = arith.constant 80 : index
    %get3A_271 = tpu.vector_load %arg7[%get3A_270] {strides = array<i32>} : memref<208xi32, #tpu.memory_space<vmem>>, vector<16xi32>,
    %get3A_272 = vector.shape_cast %get3A_271 : vector<16xi32> to vector<16xi32>
    %add3A_273 = vector.broadcast %mul3A_224 : i32 to vector<16xi32>
    %add3A_274 = arith.addi %get3A_272, %add3A_273 : vector<16xi32>
    %swap3A_275 = arith.constant 80 : index
    %swap3A_276 = tpu.vector_load %arg10[%swap3A_275] {strides = array<i32>} : memref<208xi32, #tpu.memory_space<vmem>>, vector<16xi32>,
    %swap3A_277 = vector.shape_cast %swap3A_276 : vector<16xi32> to vector<16xi32>
    %swap3A_278 = vector.shape_cast %add3A_274 : vector<16xi32> to vector<16xi32>
    tpu.vector_store %arg10[%swap3A_275], %swap3A_278 {strides = array<i32>} : memref<208xi32, #tpu.memory_space<vmem>>, vector<16xi32>,
    %get3A_279 = arith.constant 96 : index
    %get3A_280 = tpu.vector_load %arg7[%get3A_279] {strides = array<i32>} : memref<208xi32, #tpu.memory_space<vmem>>, vector<16xi32>,
    %get3A_281 = vector.shape_cast %get3A_280 : vector<16xi32> to vector<16xi32>
    %add3A_282 = vector.broadcast %mul3A_224 : i32 to vector<16xi32>
    %add3A_283 = arith.addi %get3A_281, %add3A_282 : vector<16xi32>
    %swap3A_284 = arith.constant 96 : index
    %swap3A_285 = tpu.vector_load %arg10[%swap3A_284] {strides = array<i32>} : memref<208xi32, #tpu.memory_space<vmem>>, vector<16xi32>,
    %swap3A_286 = vector.shape_cast %swap3A_285 : vector<16xi32> to vector<16xi32>
    %swap3A_287 = vector.shape_cast %add3A_283 : vector<16xi32> to vector<16xi32>
    tpu.vector_store %arg10[%swap3A_284], %swap3A_287 {strides = array<i32>} : memref<208xi32, #tpu.memory_space<vmem>>, vector<16xi32>,
    %get3A_288 = arith.constant 112 : index
    %get3A_289 = tpu.vector_load %arg7[%get3A_288] {strides = array<i32>} : memref<208xi32, #tpu.memory_space<vmem>>, vector<16xi32>,
    %get3A_290 = vector.shape_cast %get3A_289 : vector<16xi32> to vector<16xi32>
    %add3A_291 = vector.broadcast %mul3A_224 : i32 to vector<16xi32>
    %add3A_292 = arith.addi %get3A_290, %add3A_291 : vector<16xi32>
    %swap3A_293 = arith.constant 112 : index
    %swap3A_294 = tpu.vector_load %arg10[%swap3A_293] {strides = array<i32>} : memref<208xi32, #tpu.memory_space<vmem>>, vector<16xi32>,
    %swap3A_295 = vector.shape_cast %swap3A_294 : vector<16xi32> to vector<16xi32>
    %swap3A_296 = vector.shape_cast %add3A_292 : vector<16xi32> to vector<16xi32>
    tpu.vector_store %arg10[%swap3A_293], %swap3A_296 {strides = array<i32>} : memref<208xi32, #tpu.memory_space<vmem>>, vector<16xi32>,
    %get3A_297 = arith.constant 128 : index
    %get3A_298 = tpu.vector_load %arg7[%get3A_297] {strides = array<i32>} : memref<208xi32, #tpu.memory_space<vmem>>, vector<16xi32>,
    %get3A_299 = vector.shape_cast %get3A_298 : vector<16xi32> to vector<16xi32>
    %add3A_300 = vector.broadcast %mul3A_224 : i32 to vector<16xi32>
    %add3A_301 = arith.addi %get3A_299, %add3A_300 : vector<16xi32>
    %swap3A_302 = arith.constant 128 : index
    %swap3A_303 = tpu.vector_load %arg10[%swap3A_302] {strides = array<i32>} : memref<208xi32, #tpu.memory_space<vmem>>, vector<16xi32>,
    %swap3A_304 = vector.shape_cast %swap3A_303 : vector<16xi32> to vector<16xi32>
    %swap3A_305 = vector.shape_cast %add3A_301 : vector<16xi32> to vector<16xi32>
    tpu.vector_store %arg10[%swap3A_302], %swap3A_305 {strides = array<i32>} : memref<208xi32, #tpu.memory_space<vmem>>, vector<16xi32>,
    %get3A_306 = arith.constant 144 : index
    %get3A_307 = tpu.vector_load %arg7[%get3A_306] {strides = array<i32>} : memref<208xi32, #tpu.memory_space<vmem>>, vector<16xi32>,
    %get3A_308 = vector.shape_cast %get3A_307 : vector<16xi32> to vector<16xi32>
    %add3A_309 = vector.broadcast %mul3A_224 : i32 to vector<16xi32>
    %add3A_310 = arith.addi %get3A_308, %add3A_309 : vector<16xi32>
    %swap3A_311 = arith.constant 144 : index
    %swap3A_312 = tpu.vector_load %arg10[%swap3A_311] {strides = array<i32>} : memref<208xi32, #tpu.memory_space<vmem>>, vector<16xi32>,
    %swap3A_313 = vector.shape_cast %swap3A_312 : vector<16xi32> to vector<16xi32>
    %swap3A_314 = vector.shape_cast %add3A_310 : vector<16xi32> to vector<16xi32>
    tpu.vector_store %arg10[%swap3A_311], %swap3A_314 {strides = array<i32>} : memref<208xi32, #tpu.memory_space<vmem>>, vector<16xi32>,
    %get3A_315 = arith.constant 160 : index
    %get3A_316 = tpu.vector_load %arg7[%get3A_315] {strides = array<i32>} : memref<208xi32, #tpu.memory_space<vmem>>, vector<16xi32>,
    %get3A_317 = vector.shape_cast %get3A_316 : vector<16xi32> to vector<16xi32>
    %add3A_318 = vector.broadcast %mul3A_224 : i32 to vector<16xi32>
    %add3A_319 = arith.addi %get3A_317, %add3A_318 : vector<16xi32>
    %swap3A_320 = arith.constant 160 : index
    %swap3A_321 = tpu.vector_load %arg10[%swap3A_320] {strides = array<i32>} : memref<208xi32, #tpu.memory_space<vmem>>, vector<16xi32>,
    %swap3A_322 = vector.shape_cast %swap3A_321 : vector<16xi32> to vector<16xi32>
    %swap3A_323 = vector.shape_cast %add3A_319 : vector<16xi32> to vector<16xi32>
    tpu.vector_store %arg10[%swap3A_320], %swap3A_323 {strides = array<i32>} : memref<208xi32, #tpu.memory_space<vmem>>, vector<16xi32>,
    %get3A_324 = arith.constant 176 : index
    %get3A_325 = tpu.vector_load %arg7[%get3A_324] {strides = array<i32>} : memref<208xi32, #tpu.memory_space<vmem>>, vector<16xi32>,
    %get3A_326 = vector.shape_cast %get3A_325 : vector<16xi32> to vector<16xi32>
    %add3A_327 = vector.broadcast %mul3A_224 : i32 to vector<16xi32>
    %add3A_328 = arith.addi %get3A_326, %add3A_327 : vector<16xi32>
    %swap3A_329 = arith.constant 176 : index
    %swap3A_330 = tpu.vector_load %arg10[%swap3A_329] {strides = array<i32>} : memref<208xi32, #tpu.memory_space<vmem>>, vector<16xi32>,
    %swap3A_331 = vector.shape_cast %swap3A_330 : vector<16xi32> to vector<16xi32>
    %swap3A_332 = vector.shape_cast %add3A_328 : vector<16xi32> to vector<16xi32>
    tpu.vector_store %arg10[%swap3A_329], %swap3A_332 {strides = array<i32>} : memref<208xi32, #tpu.memory_space<vmem>>, vector<16xi32>,
    %get3A_333 = arith.constant 192 : index
    %get3A_334 = tpu.vector_load %arg7[%get3A_333] {strides = array<i32>} : memref<208xi32, #tpu.memory_space<vmem>>, vector<16xi32>,
    %get3A_335 = vector.shape_cast %get3A_334 : vector<16xi32> to vector<16xi32>
    %add3A_336 = vector.broadcast %mul3A_224 : i32 to vector<16xi32>
    %add3A_337 = arith.addi %get3A_335, %add3A_336 : vector<16xi32>
    %swap3A_338 = arith.constant 192 : index
    %swap3A_339 = tpu.vector_load %arg10[%swap3A_338] {strides = array<i32>} : memref<208xi32, #tpu.memory_space<vmem>>, vector<16xi32>,
    %swap3A_340 = vector.shape_cast %swap3A_339 : vector<16xi32> to vector<16xi32>
    %swap3A_341 = vector.shape_cast %add3A_337 : vector<16xi32> to vector<16xi32>
    tpu.vector_store %arg10[%swap3A_338], %swap3A_341 {strides = array<i32>} : memref<208xi32, #tpu.memory_space<vmem>>, vector<16xi32>,
    %dma_start3A_342 = arith.constant 1 : i32
    %dma_start3A_343 = arith.constant 0 : i32
    %dma_start3A_344 = arith.constant 0 : i32
    %dma_start3A_345 = tpu.memref_slice %arg13[%dma_start3A_343, %dma_start3A_344] : memref<200x128xf32, #tpu.memory_space<vmem>> -> memref<104x128xf32, #tpu.memory_space<vmem>>
    %dma_start3A_346 = arith.constant 0 : i32
    %dma_start3A_347 = tpu.memref_slice %arg10[%dma_start3A_346] : memref<208xi32, #tpu.memory_space<vmem>> -> memref<104xi32, #tpu.memory_space<vmem>>
    %dma_start3A_348 = arith.constant 0 : i32
    %dma_start3A_349 = arith.constant 0 : i32
    %dma_start3A_350 = tpu.memref_slice %arg16[%dma_start3A_348, %dma_start3A_349] : memref<5120x128xf32, #tpu.memory_space<vmem_shared>> -> memref<5120x128xf32, #tpu.memory_space<vmem_shared>>
    %dma_start3A_351 = tpu.memref_slice %arg18[%dma_start3A_342] : memref<3x!tpu.dma_semaphore, #tpu.memory_space<semaphore_mem>> -> memref<1x!tpu.dma_semaphore, #tpu.memory_space<semaphore_mem>>
    %dma_start3A_352 = tpu.memref_squeeze %dma_start3A_351 : memref<1x!tpu.dma_semaphore, #tpu.memory_space<semaphore_mem>> -> memref<!tpu.dma_semaphore, #tpu.memory_space<semaphore_mem>>
    tpu.enqueue_indirect_dma source(%dma_start3A_350 : memref<5120x128xf32, #tpu.memory_space<vmem_shared>>) target(%dma_start3A_345 : memref<104x128xf32, #tpu.memory_space<vmem>>) offsets(%dma_start3A_347 : memref<104xi32, #tpu.memory_space<vmem>>) semaphore(%dma_start3A_352 : memref<!tpu.dma_semaphore, #tpu.memory_space<semaphore_mem>>)
    %dma_start3A_353 = arith.constant 1 : i32
    %dma_start3A_354 = arith.constant 104 : i32
    %dma_start3A_355 = arith.constant 0 : i32
    %dma_start3A_356 = tpu.memref_slice %arg13[%dma_start3A_354, %dma_start3A_355] : memref<200x128xf32, #tpu.memory_space<vmem>> -> memref<96x128xf32, #tpu.memory_space<vmem>>
    %dma_start3A_357 = arith.constant 104 : i32
    %dma_start3A_358 = tpu.memref_slice %arg10[%dma_start3A_357] : memref<208xi32, #tpu.memory_space<vmem>> -> memref<96xi32, #tpu.memory_space<vmem>>
    %dma_start3A_359 = arith.constant 0 : i32
    %dma_start3A_360 = arith.constant 0 : i32
    %dma_start3A_361 = tpu.memref_slice %arg16[%dma_start3A_359, %dma_start3A_360] : memref<5120x128xf32, #tpu.memory_space<vmem_shared>> -> memref<5120x128xf32, #tpu.memory_space<vmem_shared>>
    %dma_start3A_362 = tpu.memref_slice %arg18[%dma_start3A_353] : memref<3x!tpu.dma_semaphore, #tpu.memory_space<semaphore_mem>> -> memref<1x!tpu.dma_semaphore, #tpu.memory_space<semaphore_mem>>
    %dma_start3A_363 = tpu.memref_squeeze %dma_start3A_362 : memref<1x!tpu.dma_semaphore, #tpu.memory_space<semaphore_mem>> -> memref<!tpu.dma_semaphore, #tpu.memory_space<semaphore_mem>>
    tpu.enqueue_indirect_dma source(%dma_start3A_361 : memref<5120x128xf32, #tpu.memory_space<vmem_shared>>) target(%dma_start3A_356 : memref<96x128xf32, #tpu.memory_space<vmem>>) offsets(%dma_start3A_358 : memref<96xi32, #tpu.memory_space<vmem>>) semaphore(%dma_start3A_363 : memref<!tpu.dma_semaphore, #tpu.memory_space<semaphore_mem>>)
    %dma_wait3A_364 = arith.constant 1 : i32
    %dma_wait3A_365 = arith.constant 0 : i32
    %dma_wait3A_366 = arith.constant 0 : i32
    %dma_wait3A_367 = tpu.memref_slice %arg2[%dma_wait3A_365, %dma_wait3A_366] : memref<5120x128xf32, #tpu.memory_space<hbm>> -> memref<200x128xf32, #tpu.memory_space<hbm>>
    %dma_wait3A_368 = tpu.memref_slice %arg18[%dma_wait3A_364] : memref<3x!tpu.dma_semaphore, #tpu.memory_space<semaphore_mem>> -> memref<1x!tpu.dma_semaphore, #tpu.memory_space<semaphore_mem>>
    %dma_wait3A_369 = tpu.memref_squeeze %dma_wait3A_368 : memref<1x!tpu.dma_semaphore, #tpu.memory_space<semaphore_mem>> -> memref<!tpu.dma_semaphore, #tpu.memory_space<semaphore_mem>>
    %dma_wait3A_370 = arith.constant 0 : i32
    %dma_wait3A_371 = arith.constant 0 : i32
    %dma_wait3A_372 = tpu.memref_slice %arg2[%dma_wait3A_370, %dma_wait3A_371] : memref<5120x128xf32, #tpu.memory_space<hbm>> -> memref<200x128xf32, #tpu.memory_space<hbm>>
    tpu.wait_dma2 semaphore(%dma_wait3A_369 : memref<!tpu.dma_semaphore, #tpu.memory_space<semaphore_mem>>) src(%dma_wait3A_372 : memref<200x128xf32, #tpu.memory_space<hbm>>) dst(%arg13 : memref<200x128xf32, #tpu.memory_space<vmem>>)
    %add3A_373 = arith.constant 200 : i32
    %add3A_374 = arith.addi %mul3A_2, %add3A_373 : i32
    %dma_start3A_375 = arith.constant 1 : i32
    %dma_start3A_376 = arith.constant 0 : i32
    %dma_start3A_377 = tpu.memref_slice %arg5[%add3A_374, %dma_start3A_376] : memref<3276800x128xf32, #tpu.memory_space<hbm>> -> memref<200x128xf32, #tpu.memory_space<hbm>>
    %dma_start3A_378 = tpu.memref_slice %arg19[%dma_start3A_375] : memref<3x!tpu.dma_semaphore, #tpu.memory_space<semaphore_mem>> -> memref<1x!tpu.dma_semaphore, #tpu.memory_space<semaphore_mem>>
    %dma_start3A_379 = tpu.memref_squeeze %dma_start3A_378 : memref<1x!tpu.dma_semaphore, #tpu.memory_space<semaphore_mem>> -> memref<!tpu.dma_semaphore, #tpu.memory_space<semaphore_mem>>
    %dma_start3A_380 = arith.constant 0 : i32
    %dma_start3A_381 = tpu.memref_slice %arg5[%add3A_374, %dma_start3A_380] : memref<3276800x128xf32, #tpu.memory_space<hbm>> -> memref<200x128xf32, #tpu.memory_space<hbm>>
    tpu.enqueue_dma source(%arg13 : memref<200x128xf32, #tpu.memory_space<vmem>>) target(%dma_start3A_381 : memref<200x128xf32, #tpu.memory_space<hbm>>) target_semaphore(%dma_start3A_379 : memref<!tpu.dma_semaphore, #tpu.memory_space<semaphore_mem>>)
    %dma_wait3A_382 = arith.constant 2 : i32
    %dma_wait3A_383 = arith.constant 0 : i32
    %dma_wait3A_384 = tpu.memref_slice %arg8[%dma_wait3A_383] : memref<208xi32, #tpu.memory_space<vmem>> -> memref<200xi32, #tpu.memory_space<vmem>>
    %dma_wait3A_385 = tpu.memref_slice %arg3[%mul3A_2] : memref<3276800xi32, #tpu.memory_space<hbm>> -> memref<200xi32, #tpu.memory_space<hbm>>
    %dma_wait3A_386 = tpu.memref_slice %arg17[%dma_wait3A_382] : memref<3x!tpu.dma_semaphore, #tpu.memory_space<semaphore_mem>> -> memref<1x!tpu.dma_semaphore, #tpu.memory_space<semaphore_mem>>
    %dma_wait3A_387 = tpu.memref_squeeze %dma_wait3A_386 : memref<1x!tpu.dma_semaphore, #tpu.memory_space<semaphore_mem>> -> memref<!tpu.dma_semaphore, #tpu.memory_space<semaphore_mem>>
    %dma_wait3A_388 = arith.constant 0 : i32
    %dma_wait3A_389 = tpu.memref_slice %arg8[%dma_wait3A_388] : memref<208xi32, #tpu.memory_space<vmem>> -> memref<200xi32, #tpu.memory_space<vmem>>
    %dma_wait3A_390 = tpu.memref_slice %arg3[%mul3A_2] : memref<3276800xi32, #tpu.memory_space<hbm>> -> memref<200xi32, #tpu.memory_space<hbm>>
    tpu.wait_dma2 semaphore(%dma_wait3A_387 : memref<!tpu.dma_semaphore, #tpu.memory_space<semaphore_mem>>) src(%dma_wait3A_390 : memref<200xi32, #tpu.memory_space<hbm>>) dst(%dma_wait3A_389 : memref<200xi32, #tpu.memory_space<vmem>>)
    %add3A_391 = arith.constant 600 : i32
    %add3A_392 = arith.addi %mul3A_2, %add3A_391 : i32
    %dma_start3A_393 = arith.constant 0 : i32
    %dma_start3A_394 = arith.constant 0 : i32
    %dma_start3A_395 = tpu.memref_slice %arg6[%dma_start3A_394] : memref<208xi32, #tpu.memory_space<vmem>> -> memref<200xi32, #tpu.memory_space<vmem>>
    %dma_start3A_396 = tpu.memref_slice %arg3[%add3A_392] : memref<3276800xi32, #tpu.memory_space<hbm>> -> memref<200xi32, #tpu.memory_space<hbm>>
    %dma_start3A_397 = tpu.memref_slice %arg17[%dma_start3A_393] : memref<3x!tpu.dma_semaphore, #tpu.memory_space<semaphore_mem>> -> memref<1x!tpu.dma_semaphore, #tpu.memory_space<semaphore_mem>>
    %dma_start3A_398 = tpu.memref_squeeze %dma_start3A_397 : memref<1x!tpu.dma_semaphore, #tpu.memory_space<semaphore_mem>> -> memref<!tpu.dma_semaphore, #tpu.memory_space<semaphore_mem>>
    %dma_start3A_399 = arith.constant 0 : i32
    %dma_start3A_400 = tpu.memref_slice %arg6[%dma_start3A_399] : memref<208xi32, #tpu.memory_space<vmem>> -> memref<200xi32, #tpu.memory_space<vmem>>
    %dma_start3A_401 = tpu.memref_slice %arg3[%add3A_392] : memref<3276800xi32, #tpu.memory_space<hbm>> -> memref<200xi32, #tpu.memory_space<hbm>>
    tpu.enqueue_dma source(%dma_start3A_401 : memref<200xi32, #tpu.memory_space<hbm>>) target(%dma_start3A_400 : memref<200xi32, #tpu.memory_space<vmem>>) target_semaphore(%dma_start3A_398 : memref<!tpu.dma_semaphore, #tpu.memory_space<semaphore_mem>>)
    %get3A_402 = arith.constant 2 : index
    %get3A_403 = tpu.vector_load %arg15[%get3A_402] {strides = array<i32>} : memref<528xi32, #tpu.memory_space<vmem>>, vector<16xi32>,
    %get3A_404 = vector.shape_cast %get3A_403 : vector<16xi32> to vector<16xi32>
    %slice3A_405 = vector.extract_strided_slice %get3A_404 {offsets = [0], sizes = [1], strides = [1]} : vector<16xi32> to vector<1xi32>
    %squeeze3A_406 = vector.extract %slice3A_405[0] : i32 from vector<1xi32>
    %mul3A_407 = arith.constant 512 : i32
    %mul3A_408 = arith.muli %squeeze3A_406, %mul3A_407 : i32
    %get3A_409 = arith.constant 0 : index
    %get3A_410 = tpu.vector_load %arg8[%get3A_409] {strides = array<i32>} : memref<208xi32, #tpu.memory_space<vmem>>, vector<16xi32>,
    %get3A_411 = vector.shape_cast %get3A_410 : vector<16xi32> to vector<16xi32>
    %add3A_412 = vector.broadcast %mul3A_408 : i32 to vector<16xi32>
    %add3A_413 = arith.addi %get3A_411, %add3A_412 : vector<16xi32>
    %swap3A_414 = arith.constant 0 : index
    %swap3A_415 = tpu.vector_load %arg11[%swap3A_414] {strides = array<i32>} : memref<208xi32, #tpu.memory_space<vmem>>, vector<16xi32>,
    %swap3A_416 = vector.shape_cast %swap3A_415 : vector<16xi32> to vector<16xi32>
    %swap3A_417 = vector.shape_cast %add3A_413 : vector<16xi32> to vector<16xi32>
    tpu.vector_store %arg11[%swap3A_414], %swap3A_417 {strides = array<i32>} : memref<208xi32, #tpu.memory_space<vmem>>, vector<16xi32>,
    %get3A_418 = arith.constant 16 : index
    %get3A_419 = tpu.vector_load %arg8[%get3A_418] {strides = array<i32>} : memref<208xi32, #tpu.memory_space<vmem>>, vector<16xi32>,
    %get3A_420 = vector.shape_cast %get3A_419 : vector<16xi32> to vector<16xi32>
    %add3A_421 = vector.broadcast %mul3A_408 : i32 to vector<16xi32>
    %add3A_422 = arith.addi %get3A_420, %add3A_421 : vector<16xi32>
    %swap3A_423 = arith.constant 16 : index
    %swap3A_424 = tpu.vector_load %arg11[%swap3A_423] {strides = array<i32>} : memref<208xi32, #tpu.memory_space<vmem>>, vector<16xi32>,
    %swap3A_425 = vector.shape_cast %swap3A_424 : vector<16xi32> to vector<16xi32>
    %swap3A_426 = vector.shape_cast %add3A_422 : vector<16xi32> to vector<16xi32>
    tpu.vector_store %arg11[%swap3A_423], %swap3A_426 {strides = array<i32>} : memref<208xi32, #tpu.memory_space<vmem>>, vector<16xi32>,
    %get3A_427 = arith.constant 32 : index
    %get3A_428 = tpu.vector_load %arg8[%get3A_427] {strides = array<i32>} : memref<208xi32, #tpu.memory_space<vmem>>, vector<16xi32>,
    %get3A_429 = vector.shape_cast %get3A_428 : vector<16xi32> to vector<16xi32>
    %add3A_430 = vector.broadcast %mul3A_408 : i32 to vector<16xi32>
    %add3A_431 = arith.addi %get3A_429, %add3A_430 : vector<16xi32>
    %swap3A_432 = arith.constant 32 : index
    %swap3A_433 = tpu.vector_load %arg11[%swap3A_432] {strides = array<i32>} : memref<208xi32, #tpu.memory_space<vmem>>, vector<16xi32>,
    %swap3A_434 = vector.shape_cast %swap3A_433 : vector<16xi32> to vector<16xi32>
    %swap3A_435 = vector.shape_cast %add3A_431 : vector<16xi32> to vector<16xi32>
    tpu.vector_store %arg11[%swap3A_432], %swap3A_435 {strides = array<i32>} : memref<208xi32, #tpu.memory_space<vmem>>, vector<16xi32>,
    %get3A_436 = arith.constant 48 : index
    %get3A_437 = tpu.vector_load %arg8[%get3A_436] {strides = array<i32>} : memref<208xi32, #tpu.memory_space<vmem>>, vector<16xi32>,
    %get3A_438 = vector.shape_cast %get3A_437 : vector<16xi32> to vector<16xi32>
    %add3A_439 = vector.broadcast %mul3A_408 : i32 to vector<16xi32>
    %add3A_440 = arith.addi %get3A_438, %add3A_439 : vector<16xi32>
    %swap3A_441 = arith.constant 48 : index
    %swap3A_442 = tpu.vector_load %arg11[%swap3A_441] {strides = array<i32>} : memref<208xi32, #tpu.memory_space<vmem>>, vector<16xi32>,
    %swap3A_443 = vector.shape_cast %swap3A_442 : vector<16xi32> to vector<16xi32>
    %swap3A_444 = vector.shape_cast %add3A_440 : vector<16xi32> to vector<16xi32>
    tpu.vector_store %arg11[%swap3A_441], %swap3A_444 {strides = array<i32>} : memref<208xi32, #tpu.memory_space<vmem>>, vector<16xi32>,
    %get3A_445 = arith.constant 64 : index
    %get3A_446 = tpu.vector_load %arg8[%get3A_445] {strides = array<i32>} : memref<208xi32, #tpu.memory_space<vmem>>, vector<16xi32>,
    %get3A_447 = vector.shape_cast %get3A_446 : vector<16xi32> to vector<16xi32>
    %add3A_448 = vector.broadcast %mul3A_408 : i32 to vector<16xi32>
    %add3A_449 = arith.addi %get3A_447, %add3A_448 : vector<16xi32>
    %swap3A_450 = arith.constant 64 : index
    %swap3A_451 = tpu.vector_load %arg11[%swap3A_450] {strides = array<i32>} : memref<208xi32, #tpu.memory_space<vmem>>, vector<16xi32>,
    %swap3A_452 = vector.shape_cast %swap3A_451 : vector<16xi32> to vector<16xi32>
    %swap3A_453 = vector.shape_cast %add3A_449 : vector<16xi32> to vector<16xi32>
    tpu.vector_store %arg11[%swap3A_450], %swap3A_453 {strides = array<i32>} : memref<208xi32, #tpu.memory_space<vmem>>, vector<16xi32>,
    %get3A_454 = arith.constant 80 : index
    %get3A_455 = tpu.vector_load %arg8[%get3A_454] {strides = array<i32>} : memref<208xi32, #tpu.memory_space<vmem>>, vector<16xi32>,
    %get3A_456 = vector.shape_cast %get3A_455 : vector<16xi32> to vector<16xi32>
    %add3A_457 = vector.broadcast %mul3A_408 : i32 to vector<16xi32>
    %add3A_458 = arith.addi %get3A_456, %add3A_457 : vector<16xi32>
    %swap3A_459 = arith.constant 80 : index
    %swap3A_460 = tpu.vector_load %arg11[%swap3A_459] {strides = array<i32>} : memref<208xi32, #tpu.memory_space<vmem>>, vector<16xi32>,
    %swap3A_461 = vector.shape_cast %swap3A_460 : vector<16xi32> to vector<16xi32>
    %swap3A_462 = vector.shape_cast %add3A_458 : vector<16xi32> to vector<16xi32>
    tpu.vector_store %arg11[%swap3A_459], %swap3A_462 {strides = array<i32>} : memref<208xi32, #tpu.memory_space<vmem>>, vector<16xi32>,
    %get3A_463 = arith.constant 96 : index
    %get3A_464 = tpu.vector_load %arg8[%get3A_463] {strides = array<i32>} : memref<208xi32, #tpu.memory_space<vmem>>, vector<16xi32>,
    %get3A_465 = vector.shape_cast %get3A_464 : vector<16xi32> to vector<16xi32>
    %add3A_466 = vector.broadcast %mul3A_408 : i32 to vector<16xi32>
    %add3A_467 = arith.addi %get3A_465, %add3A_466 : vector<16xi32>
    %swap3A_468 = arith.constant 96 : index
    %swap3A_469 = tpu.vector_load %arg11[%swap3A_468] {strides = array<i32>} : memref<208xi32, #tpu.memory_space<vmem>>, vector<16xi32>,
    %swap3A_470 = vector.shape_cast %swap3A_469 : vector<16xi32> to vector<16xi32>
    %swap3A_471 = vector.shape_cast %add3A_467 : vector<16xi32> to vector<16xi32>
    tpu.vector_store %arg11[%swap3A_468], %swap3A_471 {strides = array<i32>} : memref<208xi32, #tpu.memory_space<vmem>>, vector<16xi32>,
    %get3A_472 = arith.constant 112 : index
    %get3A_473 = tpu.vector_load %arg8[%get3A_472] {strides = array<i32>} : memref<208xi32, #tpu.memory_space<vmem>>, vector<16xi32>,
    %get3A_474 = vector.shape_cast %get3A_473 : vector<16xi32> to vector<16xi32>
    %add3A_475 = vector.broadcast %mul3A_408 : i32 to vector<16xi32>
    %add3A_476 = arith.addi %get3A_474, %add3A_475 : vector<16xi32>
    %swap3A_477 = arith.constant 112 : index
    %swap3A_478 = tpu.vector_load %arg11[%swap3A_477] {strides = array<i32>} : memref<208xi32, #tpu.memory_space<vmem>>, vector<16xi32>,
    %swap3A_479 = vector.shape_cast %swap3A_478 : vector<16xi32> to vector<16xi32>
    %swap3A_480 = vector.shape_cast %add3A_476 : vector<16xi32> to vector<16xi32>
    tpu.vector_store %arg11[%swap3A_477], %swap3A_480 {strides = array<i32>} : memref<208xi32, #tpu.memory_space<vmem>>, vector<16xi32>,
    %get3A_481 = arith.constant 128 : index
    %get3A_482 = tpu.vector_load %arg8[%get3A_481] {strides = array<i32>} : memref<208xi32, #tpu.memory_space<vmem>>, vector<16xi32>,
    %get3A_483 = vector.shape_cast %get3A_482 : vector<16xi32> to vector<16xi32>
    %add3A_484 = vector.broadcast %mul3A_408 : i32 to vector<16xi32>
    %add3A_485 = arith.addi %get3A_483, %add3A_484 : vector<16xi32>
    %swap3A_486 = arith.constant 128 : index
    %swap3A_487 = tpu.vector_load %arg11[%swap3A_486] {strides = array<i32>} : memref<208xi32, #tpu.memory_space<vmem>>, vector<16xi32>,
    %swap3A_488 = vector.shape_cast %swap3A_487 : vector<16xi32> to vector<16xi32>
    %swap3A_489 = vector.shape_cast %add3A_485 : vector<16xi32> to vector<16xi32>
    tpu.vector_store %arg11[%swap3A_486], %swap3A_489 {strides = array<i32>} : memref<208xi32, #tpu.memory_space<vmem>>, vector<16xi32>,
    %get3A_490 = arith.constant 144 : index
    %get3A_491 = tpu.vector_load %arg8[%get3A_490] {strides = array<i32>} : memref<208xi32, #tpu.memory_space<vmem>>, vector<16xi32>,
    %get3A_492 = vector.shape_cast %get3A_491 : vector<16xi32> to vector<16xi32>
    %add3A_493 = vector.broadcast %mul3A_408 : i32 to vector<16xi32>
    %add3A_494 = arith.addi %get3A_492, %add3A_493 : vector<16xi32>
    %swap3A_495 = arith.constant 144 : index
    %swap3A_496 = tpu.vector_load %arg11[%swap3A_495] {strides = array<i32>} : memref<208xi32, #tpu.memory_space<vmem>>, vector<16xi32>,
    %swap3A_497 = vector.shape_cast %swap3A_496 : vector<16xi32> to vector<16xi32>
    %swap3A_498 = vector.shape_cast %add3A_494 : vector<16xi32> to vector<16xi32>
    tpu.vector_store %arg11[%swap3A_495], %swap3A_498 {strides = array<i32>} : memref<208xi32, #tpu.memory_space<vmem>>, vector<16xi32>,
    %get3A_499 = arith.constant 160 : index
    %get3A_500 = tpu.vector_load %arg8[%get3A_499] {strides = array<i32>} : memref<208xi32, #tpu.memory_space<vmem>>, vector<16xi32>,
    %get3A_501 = vector.shape_cast %get3A_500 : vector<16xi32> to vector<16xi32>
    %add3A_502 = vector.broadcast %mul3A_408 : i32 to vector<16xi32>
    %add3A_503 = arith.addi %get3A_501, %add3A_502 : vector<16xi32>
    %swap3A_504 = arith.constant 160 : index
    %swap3A_505 = tpu.vector_load %arg11[%swap3A_504] {strides = array<i32>} : memref<208xi32, #tpu.memory_space<vmem>>, vector<16xi32>,
    %swap3A_506 = vector.shape_cast %swap3A_505 : vector<16xi32> to vector<16xi32>
    %swap3A_507 = vector.shape_cast %add3A_503 : vector<16xi32> to vector<16xi32>
    tpu.vector_store %arg11[%swap3A_504], %swap3A_507 {strides = array<i32>} : memref<208xi32, #tpu.memory_space<vmem>>, vector<16xi32>,
    %get3A_508 = arith.constant 176 : index
    %get3A_509 = tpu.vector_load %arg8[%get3A_508] {strides = array<i32>} : memref<208xi32, #tpu.memory_space<vmem>>, vector<16xi32>,
    %get3A_510 = vector.shape_cast %get3A_509 : vector<16xi32> to vector<16xi32>
    %add3A_511 = vector.broadcast %mul3A_408 : i32 to vector<16xi32>
    %add3A_512 = arith.addi %get3A_510, %add3A_511 : vector<16xi32>
    %swap3A_513 = arith.constant 176 : index
    %swap3A_514 = tpu.vector_load %arg11[%swap3A_513] {strides = array<i32>} : memref<208xi32, #tpu.memory_space<vmem>>, vector<16xi32>,
    %swap3A_515 = vector.shape_cast %swap3A_514 : vector<16xi32> to vector<16xi32>
    %swap3A_516 = vector.shape_cast %add3A_512 : vector<16xi32> to vector<16xi32>
    tpu.vector_store %arg11[%swap3A_513], %swap3A_516 {strides = array<i32>} : memref<208xi32, #tpu.memory_space<vmem>>, vector<16xi32>,
    %get3A_517 = arith.constant 192 : index
    %get3A_518 = tpu.vector_load %arg8[%get3A_517] {strides = array<i32>} : memref<208xi32, #tpu.memory_space<vmem>>, vector<16xi32>,
    %get3A_519 = vector.shape_cast %get3A_518 : vector<16xi32> to vector<16xi32>
    %add3A_520 = vector.broadcast %mul3A_408 : i32 to vector<16xi32>
    %add3A_521 = arith.addi %get3A_519, %add3A_520 : vector<16xi32>
    %swap3A_522 = arith.constant 192 : index
    %swap3A_523 = tpu.vector_load %arg11[%swap3A_522] {strides = array<i32>} : memref<208xi32, #tpu.memory_space<vmem>>, vector<16xi32>,
    %swap3A_524 = vector.shape_cast %swap3A_523 : vector<16xi32> to vector<16xi32>
    %swap3A_525 = vector.shape_cast %add3A_521 : vector<16xi32> to vector<16xi32>
    tpu.vector_store %arg11[%swap3A_522], %swap3A_525 {strides = array<i32>} : memref<208xi32, #tpu.memory_space<vmem>>, vector<16xi32>,
    %dma_start3A_526 = arith.constant 2 : i32
    %dma_start3A_527 = arith.constant 0 : i32
    %dma_start3A_528 = arith.constant 0 : i32
    %dma_start3A_529 = tpu.memref_slice %arg14[%dma_start3A_527, %dma_start3A_528] : memref<200x128xf32, #tpu.memory_space<vmem>> -> memref<104x128xf32, #tpu.memory_space<vmem>>
    %dma_start3A_530 = arith.constant 0 : i32
    %dma_start3A_531 = tpu.memref_slice %arg11[%dma_start3A_530] : memref<208xi32, #tpu.memory_space<vmem>> -> memref<104xi32, #tpu.memory_space<vmem>>
    %dma_start3A_532 = arith.constant 0 : i32
    %dma_start3A_533 = arith.constant 0 : i32
    %dma_start3A_534 = tpu.memref_slice %arg16[%dma_start3A_532, %dma_start3A_533] : memref<5120x128xf32, #tpu.memory_space<vmem_shared>> -> memref<5120x128xf32, #tpu.memory_space<vmem_shared>>
    %dma_start3A_535 = tpu.memref_slice %arg18[%dma_start3A_526] : memref<3x!tpu.dma_semaphore, #tpu.memory_space<semaphore_mem>> -> memref<1x!tpu.dma_semaphore, #tpu.memory_space<semaphore_mem>>
    %dma_start3A_536 = tpu.memref_squeeze %dma_start3A_535 : memref<1x!tpu.dma_semaphore, #tpu.memory_space<semaphore_mem>> -> memref<!tpu.dma_semaphore, #tpu.memory_space<semaphore_mem>>
    tpu.enqueue_indirect_dma source(%dma_start3A_534 : memref<5120x128xf32, #tpu.memory_space<vmem_shared>>) target(%dma_start3A_529 : memref<104x128xf32, #tpu.memory_space<vmem>>) offsets(%dma_start3A_531 : memref<104xi32, #tpu.memory_space<vmem>>) semaphore(%dma_start3A_536 : memref<!tpu.dma_semaphore, #tpu.memory_space<semaphore_mem>>)
    %dma_start3A_537 = arith.constant 2 : i32
    %dma_start3A_538 = arith.constant 104 : i32
    %dma_start3A_539 = arith.constant 0 : i32
    %dma_start3A_540 = tpu.memref_slice %arg14[%dma_start3A_538, %dma_start3A_539] : memref<200x128xf32, #tpu.memory_space<vmem>> -> memref<96x128xf32, #tpu.memory_space<vmem>>
    %dma_start3A_541 = arith.constant 104 : i32
    %dma_start3A_542 = tpu.memref_slice %arg11[%dma_start3A_541] : memref<208xi32, #tpu.memory_space<vmem>> -> memref<96xi32, #tpu.memory_space<vmem>>
    %dma_start3A_543 = arith.constant 0 : i32
    %dma_start3A_544 = arith.constant 0 : i32
    %dma_start3A_545 = tpu.memref_slice %arg16[%dma_start3A_543, %dma_start3A_544] : memref<5120x128xf32, #tpu.memory_space<vmem_shared>> -> memref<5120x128xf32, #tpu.memory_space<vmem_shared>>
    %dma_start3A_546 = tpu.memref_slice %arg18[%dma_start3A_537] : memref<3x!tpu.dma_semaphore, #tpu.memory_space<semaphore_mem>> -> memref<1x!tpu.dma_semaphore, #tpu.memory_space<semaphore_mem>>
    %dma_start3A_547 = tpu.memref_squeeze %dma_start3A_546 : memref<1x!tpu.dma_semaphore, #tpu.memory_space<semaphore_mem>> -> memref<!tpu.dma_semaphore, #tpu.memory_space<semaphore_mem>>
    tpu.enqueue_indirect_dma source(%dma_start3A_545 : memref<5120x128xf32, #tpu.memory_space<vmem_shared>>) target(%dma_start3A_540 : memref<96x128xf32, #tpu.memory_space<vmem>>) offsets(%dma_start3A_542 : memref<96xi32, #tpu.memory_space<vmem>>) semaphore(%dma_start3A_547 : memref<!tpu.dma_semaphore, #tpu.memory_space<semaphore_mem>>)
    %scan3A = arith.constant 0 : i32
    %scan3A_548 = arith.constant 0 : i32
    %scan3A_549 = arith.constant 169 : i32
    %scan3A_550 = arith.addi %scan3A_548, %scan3A_549 : i32
    %scan3A_551 = arith.constant 1 : i32
    scf.for %scan3A_973 = %scan3A_548 to %scan3A_550 step %scan3A_551  : i32 {
      %mul3A_974 = arith.constant 3 : i32
      %mul3A_975 = arith.muli %scan3A_973, %mul3A_974 : i32
      %add3A_976 = arith.constant 2 : i32
      %add3A_977 = arith.addi %add3A_976, %mul3A_975 : i32
      %add3A_978 = arith.constant 0 : i32
      %add3A_979 = arith.addi %add3A_977, %add3A_978 : i32
      %add3A_980 = arith.constant 1 : i32
      %add3A_981 = arith.addi %add3A_979, %add3A_980 : i32
      %sub3A = arith.constant 3 : i32
      %sub3A_982 = arith.subi %add3A_981, %sub3A : i32
      %mul3A_983 = arith.constant 200 : i32
      %mul3A_984 = arith.muli %sub3A_982, %mul3A_983 : i32
      %add3A_985 = arith.addi %mul3A_2, %mul3A_984 : i32
      %dma_wait3A_986 = arith.constant 0 : i32
      %dma_wait3A_987 = arith.constant 0 : i32
      %dma_wait3A_988 = tpu.memref_slice %arg5[%add3A_985, %dma_wait3A_987] : memref<3276800x128xf32, #tpu.memory_space<hbm>> -> memref<200x128xf32, #tpu.memory_space<hbm>>
      %dma_wait3A_989 = tpu.memref_slice %arg19[%dma_wait3A_986] : memref<3x!tpu.dma_semaphore, #tpu.memory_space<semaphore_mem>> -> memref<1x!tpu.dma_semaphore, #tpu.memory_space<semaphore_mem>>
      %dma_wait3A_990 = tpu.memref_squeeze %dma_wait3A_989 : memref<1x!tpu.dma_semaphore, #tpu.memory_space<semaphore_mem>> -> memref<!tpu.dma_semaphore, #tpu.memory_space<semaphore_mem>>
      %dma_wait3A_991 = arith.constant 0 : i32
      %dma_wait3A_992 = tpu.memref_slice %arg5[%add3A_985, %dma_wait3A_991] : memref<3276800x128xf32, #tpu.memory_space<hbm>> -> memref<200x128xf32, #tpu.memory_space<hbm>>
      tpu.wait_dma2 semaphore(%dma_wait3A_990 : memref<!tpu.dma_semaphore, #tpu.memory_space<semaphore_mem>>) src(%arg12 : memref<200x128xf32, #tpu.memory_space<vmem>>) dst(%dma_wait3A_992 : memref<200x128xf32, #tpu.memory_space<hbm>>)
      %add3A_993 = arith.constant 1 : i32
      %add3A_994 = arith.addi %add3A_979, %add3A_993 : i32
      %dma_wait3A_995 = arith.constant 0 : i32
      %dma_wait3A_996 = arith.constant 0 : i32
      %dma_wait3A_997 = tpu.memref_slice %arg6[%dma_wait3A_996] : memref<208xi32, #tpu.memory_space<vmem>> -> memref<200xi32, #tpu.memory_space<vmem>>
      %dma_wait3A_998 = tpu.memref_slice %arg3[%mul3A_2] : memref<3276800xi32, #tpu.memory_space<hbm>> -> memref<200xi32, #tpu.memory_space<hbm>>
      %dma_wait3A_999 = tpu.memref_slice %arg17[%dma_wait3A_995] : memref<3x!tpu.dma_semaphore, #tpu.memory_space<semaphore_mem>> -> memref<1x!tpu.dma_semaphore, #tpu.memory_space<semaphore_mem>>
      %dma_wait3A_1000 = tpu.memref_squeeze %dma_wait3A_999 : memref<1x!tpu.dma_semaphore, #tpu.memory_space<semaphore_mem>> -> memref<!tpu.dma_semaphore, #tpu.memory_space<semaphore_mem>>
      %dma_wait3A_1001 = arith.constant 0 : i32
      %dma_wait3A_1002 = tpu.memref_slice %arg6[%dma_wait3A_1001] : memref<208xi32, #tpu.memory_space<vmem>> -> memref<200xi32, #tpu.memory_space<vmem>>
      %dma_wait3A_1003 = tpu.memref_slice %arg3[%mul3A_2] : memref<3276800xi32, #tpu.memory_space<hbm>> -> memref<200xi32, #tpu.memory_space<hbm>>
      tpu.wait_dma2 semaphore(%dma_wait3A_1000 : memref<!tpu.dma_semaphore, #tpu.memory_space<semaphore_mem>>) src(%dma_wait3A_1003 : memref<200xi32, #tpu.memory_space<hbm>>) dst(%dma_wait3A_1002 : memref<200xi32, #tpu.memory_space<vmem>>)
      %add3A_1004 = arith.constant 1 : i32
      %add3A_1005 = arith.addi %add3A_994, %add3A_1004 : i32
      %lt3A = arith.constant 512 : i32
      %lt3A_1006 = arith.cmpi slt, %add3A_1005, %lt3A : i32
      %convert_element_type3A = arith.extui %lt3A_1006 : i1 to i32
      %cond3A = arith.constant 0 : i32
      %cond3A_1007 = arith.cmpi ne, %convert_element_type3A, %cond3A : i32
      scf.if %cond3A_1007 {
        %add3A_1579 = arith.constant 1 : i32
        %add3A_1580 = arith.addi %add3A_994, %add3A_1579 : i32
        %mul3A_1581 = arith.constant 200 : i32
        %mul3A_1582 = arith.muli %add3A_1580, %mul3A_1581 : i32
        %add3A_1583 = arith.addi %mul3A_2, %mul3A_1582 : i32
        %dma_start3A_1584 = arith.constant 1 : i32
        %dma_start3A_1585 = arith.constant 0 : i32
        %dma_start3A_1586 = tpu.memref_slice %arg7[%dma_start3A_1585] : memref<208xi32, #tpu.memory_space<vmem>> -> memref<200xi32, #tpu.memory_space<vmem>>
        %dma_start3A_1587 = tpu.memref_slice %arg3[%add3A_1583] : memref<3276800xi32, #tpu.memory_space<hbm>> -> memref<200xi32, #tpu.memory_space<hbm>>
        %dma_start3A_1588 = tpu.memref_slice %arg17[%dma_start3A_1584] : memref<3x!tpu.dma_semaphore, #tpu.memory_space<semaphore_mem>> -> memref<1x!tpu.dma_semaphore, #tpu.memory_space<semaphore_mem>>
        %dma_start3A_1589 = tpu.memref_squeeze %dma_start3A_1588 : memref<1x!tpu.dma_semaphore, #tpu.memory_space<semaphore_mem>> -> memref<!tpu.dma_semaphore, #tpu.memory_space<semaphore_mem>>
        %dma_start3A_1590 = arith.constant 0 : i32
        %dma_start3A_1591 = tpu.memref_slice %arg7[%dma_start3A_1590] : memref<208xi32, #tpu.memory_space<vmem>> -> memref<200xi32, #tpu.memory_space<vmem>>
        %dma_start3A_1592 = tpu.memref_slice %arg3[%add3A_1583] : memref<3276800xi32, #tpu.memory_space<hbm>> -> memref<200xi32, #tpu.memory_space<hbm>>
        tpu.enqueue_dma source(%dma_start3A_1592 : memref<200xi32, #tpu.memory_space<hbm>>) target(%dma_start3A_1591 : memref<200xi32, #tpu.memory_space<vmem>>) target_semaphore(%dma_start3A_1589 : memref<!tpu.dma_semaphore, #tpu.memory_space<semaphore_mem>>)
      } else {
      }
      %get3A_1008 = arith.index_cast %add3A_994 : i32 to index
      %get3A_1009 = tpu.vector_load %arg15[%get3A_1008] {strides = array<i32>} : memref<528xi32, #tpu.memory_space<vmem>>, vector<16xi32>,
      %get3A_1010 = vector.shape_cast %get3A_1009 : vector<16xi32> to vector<16xi32>
      %slice3A_1011 = vector.extract_strided_slice %get3A_1010 {offsets = [0], sizes = [1], strides = [1]} : vector<16xi32> to vector<1xi32>
      %squeeze3A_1012 = vector.extract %slice3A_1011[0] : i32 from vector<1xi32>
      %mul3A_1013 = arith.constant 512 : i32
      %mul3A_1014 = arith.muli %squeeze3A_1012, %mul3A_1013 : i32
      %get3A_1015 = arith.constant 0 : index
      %get3A_1016 = tpu.vector_load %arg6[%get3A_1015] {strides = array<i32>} : memref<208xi32, #tpu.memory_space<vmem>>, vector<16xi32>,
      %get3A_1017 = vector.shape_cast %get3A_1016 : vector<16xi32> to vector<16xi32>
      %add3A_1018 = vector.broadcast %mul3A_1014 : i32 to vector<16xi32>
      %add3A_1019 = arith.addi %get3A_1017, %add3A_1018 : vector<16xi32>
      %swap3A_1020 = arith.constant 0 : index
      %swap3A_1021 = tpu.vector_load %arg9[%swap3A_1020] {strides = array<i32>} : memref<208xi32, #tpu.memory_space<vmem>>, vector<16xi32>,
      %swap3A_1022 = vector.shape_cast %swap3A_1021 : vector<16xi32> to vector<16xi32>
      %swap3A_1023 = vector.shape_cast %add3A_1019 : vector<16xi32> to vector<16xi32>
      tpu.vector_store %arg9[%swap3A_1020], %swap3A_1023 {strides = array<i32>} : memref<208xi32, #tpu.memory_space<vmem>>, vector<16xi32>,
      %get3A_1024 = arith.constant 16 : index
      %get3A_1025 = tpu.vector_load %arg6[%get3A_1024] {strides = array<i32>} : memref<208xi32, #tpu.memory_space<vmem>>, vector<16xi32>,
      %get3A_1026 = vector.shape_cast %get3A_1025 : vector<16xi32> to vector<16xi32>
      %add3A_1027 = vector.broadcast %mul3A_1014 : i32 to vector<16xi32>
      %add3A_1028 = arith.addi %get3A_1026, %add3A_1027 : vector<16xi32>
      %swap3A_1029 = arith.constant 16 : index
      %swap3A_1030 = tpu.vector_load %arg9[%swap3A_1029] {strides = array<i32>} : memref<208xi32, #tpu.memory_space<vmem>>, vector<16xi32>,
      %swap3A_1031 = vector.shape_cast %swap3A_1030 : vector<16xi32> to vector<16xi32>
      %swap3A_1032 = vector.shape_cast %add3A_1028 : vector<16xi32> to vector<16xi32>
      tpu.vector_store %arg9[%swap3A_1029], %swap3A_1032 {strides = array<i32>} : memref<208xi32, #tpu.memory_space<vmem>>, vector<16xi32>,
      %get3A_1033 = arith.constant 32 : index
      %get3A_1034 = tpu.vector_load %arg6[%get3A_1033] {strides = array<i32>} : memref<208xi32, #tpu.memory_space<vmem>>, vector<16xi32>,
      %get3A_1035 = vector.shape_cast %get3A_1034 : vector<16xi32> to vector<16xi32>
      %add3A_1036 = vector.broadcast %mul3A_1014 : i32 to vector<16xi32>
      %add3A_1037 = arith.addi %get3A_1035, %add3A_1036 : vector<16xi32>
      %swap3A_1038 = arith.constant 32 : index
      %swap3A_1039 = tpu.vector_load %arg9[%swap3A_1038] {strides = array<i32>} : memref<208xi32, #tpu.memory_space<vmem>>, vector<16xi32>,
      %swap3A_1040 = vector.shape_cast %swap3A_1039 : vector<16xi32> to vector<16xi32>
      %swap3A_1041 = vector.shape_cast %add3A_1037 : vector<16xi32> to vector<16xi32>
      tpu.vector_store %arg9[%swap3A_1038], %swap3A_1041 {strides = array<i32>} : memref<208xi32, #tpu.memory_space<vmem>>, vector<16xi32>,
      %get3A_1042 = arith.constant 48 : index
      %get3A_1043 = tpu.vector_load %arg6[%get3A_1042] {strides = array<i32>} : memref<208xi32, #tpu.memory_space<vmem>>, vector<16xi32>,
      %get3A_1044 = vector.shape_cast %get3A_1043 : vector<16xi32> to vector<16xi32>
      %add3A_1045 = vector.broadcast %mul3A_1014 : i32 to vector<16xi32>
      %add3A_1046 = arith.addi %get3A_1044, %add3A_1045 : vector<16xi32>
      %swap3A_1047 = arith.constant 48 : index
      %swap3A_1048 = tpu.vector_load %arg9[%swap3A_1047] {strides = array<i32>} : memref<208xi32, #tpu.memory_space<vmem>>, vector<16xi32>,
      %swap3A_1049 = vector.shape_cast %swap3A_1048 : vector<16xi32> to vector<16xi32>
      %swap3A_1050 = vector.shape_cast %add3A_1046 : vector<16xi32> to vector<16xi32>
      tpu.vector_store %arg9[%swap3A_1047], %swap3A_1050 {strides = array<i32>} : memref<208xi32, #tpu.memory_space<vmem>>, vector<16xi32>,
      %get3A_1051 = arith.constant 64 : index
      %get3A_1052 = tpu.vector_load %arg6[%get3A_1051] {strides = array<i32>} : memref<208xi32, #tpu.memory_space<vmem>>, vector<16xi32>,
      %get3A_1053 = vector.shape_cast %get3A_1052 : vector<16xi32> to vector<16xi32>
      %add3A_1054 = vector.broadcast %mul3A_1014 : i32 to vector<16xi32>
      %add3A_1055 = arith.addi %get3A_1053, %add3A_1054 : vector<16xi32>
      %swap3A_1056 = arith.constant 64 : index
      %swap3A_1057 = tpu.vector_load %arg9[%swap3A_1056] {strides = array<i32>} : memref<208xi32, #tpu.memory_space<vmem>>, vector<16xi32>,
      %swap3A_1058 = vector.shape_cast %swap3A_1057 : vector<16xi32> to vector<16xi32>
      %swap3A_1059 = vector.shape_cast %add3A_1055 : vector<16xi32> to vector<16xi32>
      tpu.vector_store %arg9[%swap3A_1056], %swap3A_1059 {strides = array<i32>} : memref<208xi32, #tpu.memory_space<vmem>>, vector<16xi32>,
      %get3A_1060 = arith.constant 80 : index
      %get3A_1061 = tpu.vector_load %arg6[%get3A_1060] {strides = array<i32>} : memref<208xi32, #tpu.memory_space<vmem>>, vector<16xi32>,
      %get3A_1062 = vector.shape_cast %get3A_1061 : vector<16xi32> to vector<16xi32>
      %add3A_1063 = vector.broadcast %mul3A_1014 : i32 to vector<16xi32>
      %add3A_1064 = arith.addi %get3A_1062, %add3A_1063 : vector<16xi32>
      %swap3A_1065 = arith.constant 80 : index
      %swap3A_1066 = tpu.vector_load %arg9[%swap3A_1065] {strides = array<i32>} : memref<208xi32, #tpu.memory_space<vmem>>, vector<16xi32>,
      %swap3A_1067 = vector.shape_cast %swap3A_1066 : vector<16xi32> to vector<16xi32>
      %swap3A_1068 = vector.shape_cast %add3A_1064 : vector<16xi32> to vector<16xi32>
      tpu.vector_store %arg9[%swap3A_1065], %swap3A_1068 {strides = array<i32>} : memref<208xi32, #tpu.memory_space<vmem>>, vector<16xi32>,
      %get3A_1069 = arith.constant 96 : index
      %get3A_1070 = tpu.vector_load %arg6[%get3A_1069] {strides = array<i32>} : memref<208xi32, #tpu.memory_space<vmem>>, vector<16xi32>,
      %get3A_1071 = vector.shape_cast %get3A_1070 : vector<16xi32> to vector<16xi32>
      %add3A_1072 = vector.broadcast %mul3A_1014 : i32 to vector<16xi32>
      %add3A_1073 = arith.addi %get3A_1071, %add3A_1072 : vector<16xi32>
      %swap3A_1074 = arith.constant 96 : index
      %swap3A_1075 = tpu.vector_load %arg9[%swap3A_1074] {strides = array<i32>} : memref<208xi32, #tpu.memory_space<vmem>>, vector<16xi32>,
      %swap3A_1076 = vector.shape_cast %swap3A_1075 : vector<16xi32> to vector<16xi32>
      %swap3A_1077 = vector.shape_cast %add3A_1073 : vector<16xi32> to vector<16xi32>
      tpu.vector_store %arg9[%swap3A_1074], %swap3A_1077 {strides = array<i32>} : memref<208xi32, #tpu.memory_space<vmem>>, vector<16xi32>,
      %get3A_1078 = arith.constant 112 : index
      %get3A_1079 = tpu.vector_load %arg6[%get3A_1078] {strides = array<i32>} : memref<208xi32, #tpu.memory_space<vmem>>, vector<16xi32>,
      %get3A_1080 = vector.shape_cast %get3A_1079 : vector<16xi32> to vector<16xi32>
      %add3A_1081 = vector.broadcast %mul3A_1014 : i32 to vector<16xi32>
      %add3A_1082 = arith.addi %get3A_1080, %add3A_1081 : vector<16xi32>
      %swap3A_1083 = arith.constant 112 : index
      %swap3A_1084 = tpu.vector_load %arg9[%swap3A_1083] {strides = array<i32>} : memref<208xi32, #tpu.memory_space<vmem>>, vector<16xi32>,
      %swap3A_1085 = vector.shape_cast %swap3A_1084 : vector<16xi32> to vector<16xi32>
      %swap3A_1086 = vector.shape_cast %add3A_1082 : vector<16xi32> to vector<16xi32>
      tpu.vector_store %arg9[%swap3A_1083], %swap3A_1086 {strides = array<i32>} : memref<208xi32, #tpu.memory_space<vmem>>, vector<16xi32>,
      %get3A_1087 = arith.constant 128 : index
      %get3A_1088 = tpu.vector_load %arg6[%get3A_1087] {strides = array<i32>} : memref<208xi32, #tpu.memory_space<vmem>>, vector<16xi32>,
      %get3A_1089 = vector.shape_cast %get3A_1088 : vector<16xi32> to vector<16xi32>
      %add3A_1090 = vector.broadcast %mul3A_1014 : i32 to vector<16xi32>
      %add3A_1091 = arith.addi %get3A_1089, %add3A_1090 : vector<16xi32>
      %swap3A_1092 = arith.constant 128 : index
      %swap3A_1093 = tpu.vector_load %arg9[%swap3A_1092] {strides = array<i32>} : memref<208xi32, #tpu.memory_space<vmem>>, vector<16xi32>,
      %swap3A_1094 = vector.shape_cast %swap3A_1093 : vector<16xi32> to vector<16xi32>
      %swap3A_1095 = vector.shape_cast %add3A_1091 : vector<16xi32> to vector<16xi32>
      tpu.vector_store %arg9[%swap3A_1092], %swap3A_1095 {strides = array<i32>} : memref<208xi32, #tpu.memory_space<vmem>>, vector<16xi32>,
      %get3A_1096 = arith.constant 144 : index
      %get3A_1097 = tpu.vector_load %arg6[%get3A_1096] {strides = array<i32>} : memref<208xi32, #tpu.memory_space<vmem>>, vector<16xi32>,
      %get3A_1098 = vector.shape_cast %get3A_1097 : vector<16xi32> to vector<16xi32>
      %add3A_1099 = vector.broadcast %mul3A_1014 : i32 to vector<16xi32>
      %add3A_1100 = arith.addi %get3A_1098, %add3A_1099 : vector<16xi32>
      %swap3A_1101 = arith.constant 144 : index
      %swap3A_1102 = tpu.vector_load %arg9[%swap3A_1101] {strides = array<i32>} : memref<208xi32, #tpu.memory_space<vmem>>, vector<16xi32>,
      %swap3A_1103 = vector.shape_cast %swap3A_1102 : vector<16xi32> to vector<16xi32>
      %swap3A_1104 = vector.shape_cast %add3A_1100 : vector<16xi32> to vector<16xi32>
      tpu.vector_store %arg9[%swap3A_1101], %swap3A_1104 {strides = array<i32>} : memref<208xi32, #tpu.memory_space<vmem>>, vector<16xi32>,
      %get3A_1105 = arith.constant 160 : index
      %get3A_1106 = tpu.vector_load %arg6[%get3A_1105] {strides = array<i32>} : memref<208xi32, #tpu.memory_space<vmem>>, vector<16xi32>,
      %get3A_1107 = vector.shape_cast %get3A_1106 : vector<16xi32> to vector<16xi32>
      %add3A_1108 = vector.broadcast %mul3A_1014 : i32 to vector<16xi32>
      %add3A_1109 = arith.addi %get3A_1107, %add3A_1108 : vector<16xi32>
      %swap3A_1110 = arith.constant 160 : index
      %swap3A_1111 = tpu.vector_load %arg9[%swap3A_1110] {strides = array<i32>} : memref<208xi32, #tpu.memory_space<vmem>>, vector<16xi32>,
      %swap3A_1112 = vector.shape_cast %swap3A_1111 : vector<16xi32> to vector<16xi32>
      %swap3A_1113 = vector.shape_cast %add3A_1109 : vector<16xi32> to vector<16xi32>
      tpu.vector_store %arg9[%swap3A_1110], %swap3A_1113 {strides = array<i32>} : memref<208xi32, #tpu.memory_space<vmem>>, vector<16xi32>,
      %get3A_1114 = arith.constant 176 : index
      %get3A_1115 = tpu.vector_load %arg6[%get3A_1114] {strides = array<i32>} : memref<208xi32, #tpu.memory_space<vmem>>, vector<16xi32>,
      %get3A_1116 = vector.shape_cast %get3A_1115 : vector<16xi32> to vector<16xi32>
      %add3A_1117 = vector.broadcast %mul3A_1014 : i32 to vector<16xi32>
      %add3A_1118 = arith.addi %get3A_1116, %add3A_1117 : vector<16xi32>
      %swap3A_1119 = arith.constant 176 : index
      %swap3A_1120 = tpu.vector_load %arg9[%swap3A_1119] {strides = array<i32>} : memref<208xi32, #tpu.memory_space<vmem>>, vector<16xi32>,
      %swap3A_1121 = vector.shape_cast %swap3A_1120 : vector<16xi32> to vector<16xi32>
      %swap3A_1122 = vector.shape_cast %add3A_1118 : vector<16xi32> to vector<16xi32>
      tpu.vector_store %arg9[%swap3A_1119], %swap3A_1122 {strides = array<i32>} : memref<208xi32, #tpu.memory_space<vmem>>, vector<16xi32>,
      %get3A_1123 = arith.constant 192 : index
      %get3A_1124 = tpu.vector_load %arg6[%get3A_1123] {strides = array<i32>} : memref<208xi32, #tpu.memory_space<vmem>>, vector<16xi32>,
      %get3A_1125 = vector.shape_cast %get3A_1124 : vector<16xi32> to vector<16xi32>
      %add3A_1126 = vector.broadcast %mul3A_1014 : i32 to vector<16xi32>
      %add3A_1127 = arith.addi %get3A_1125, %add3A_1126 : vector<16xi32>
      %swap3A_1128 = arith.constant 192 : index
      %swap3A_1129 = tpu.vector_load %arg9[%swap3A_1128] {strides = array<i32>} : memref<208xi32, #tpu.memory_space<vmem>>, vector<16xi32>,
      %swap3A_1130 = vector.shape_cast %swap3A_1129 : vector<16xi32> to vector<16xi32>
      %swap3A_1131 = vector.shape_cast %add3A_1127 : vector<16xi32> to vector<16xi32>
      tpu.vector_store %arg9[%swap3A_1128], %swap3A_1131 {strides = array<i32>} : memref<208xi32, #tpu.memory_space<vmem>>, vector<16xi32>,
      %dma_start3A_1132 = arith.constant 0 : i32
      %dma_start3A_1133 = arith.constant 0 : i32
      %dma_start3A_1134 = arith.constant 0 : i32
      %dma_start3A_1135 = tpu.memref_slice %arg12[%dma_start3A_1133, %dma_start3A_1134] : memref<200x128xf32, #tpu.memory_space<vmem>> -> memref<104x128xf32, #tpu.memory_space<vmem>>
      %dma_start3A_1136 = arith.constant 0 : i32
      %dma_start3A_1137 = tpu.memref_slice %arg9[%dma_start3A_1136] : memref<208xi32, #tpu.memory_space<vmem>> -> memref<104xi32, #tpu.memory_space<vmem>>
      %dma_start3A_1138 = arith.constant 0 : i32
      %dma_start3A_1139 = arith.constant 0 : i32
      %dma_start3A_1140 = tpu.memref_slice %arg16[%dma_start3A_1138, %dma_start3A_1139] : memref<5120x128xf32, #tpu.memory_space<vmem_shared>> -> memref<5120x128xf32, #tpu.memory_space<vmem_shared>>
      %dma_start3A_1141 = tpu.memref_slice %arg18[%dma_start3A_1132] : memref<3x!tpu.dma_semaphore, #tpu.memory_space<semaphore_mem>> -> memref<1x!tpu.dma_semaphore, #tpu.memory_space<semaphore_mem>>
      %dma_start3A_1142 = tpu.memref_squeeze %dma_start3A_1141 : memref<1x!tpu.dma_semaphore, #tpu.memory_space<semaphore_mem>> -> memref<!tpu.dma_semaphore, #tpu.memory_space<semaphore_mem>>
      tpu.enqueue_indirect_dma source(%dma_start3A_1140 : memref<5120x128xf32, #tpu.memory_space<vmem_shared>>) target(%dma_start3A_1135 : memref<104x128xf32, #tpu.memory_space<vmem>>) offsets(%dma_start3A_1137 : memref<104xi32, #tpu.memory_space<vmem>>) semaphore(%dma_start3A_1142 : memref<!tpu.dma_semaphore, #tpu.memory_space<semaphore_mem>>)
      %dma_start3A_1143 = arith.constant 0 : i32
      %dma_start3A_1144 = arith.constant 104 : i32
      %dma_start3A_1145 = arith.constant 0 : i32
      %dma_start3A_1146 = tpu.memref_slice %arg12[%dma_start3A_1144, %dma_start3A_1145] : memref<200x128xf32, #tpu.memory_space<vmem>> -> memref<96x128xf32, #tpu.memory_space<vmem>>
      %dma_start3A_1147 = arith.constant 104 : i32
      %dma_start3A_1148 = tpu.memref_slice %arg9[%dma_start3A_1147] : memref<208xi32, #tpu.memory_space<vmem>> -> memref<96xi32, #tpu.memory_space<vmem>>
      %dma_start3A_1149 = arith.constant 0 : i32
      %dma_start3A_1150 = arith.constant 0 : i32
      %dma_start3A_1151 = tpu.memref_slice %arg16[%dma_start3A_1149, %dma_start3A_1150] : memref<5120x128xf32, #tpu.memory_space<vmem_shared>> -> memref<5120x128xf32, #tpu.memory_space<vmem_shared>>
      %dma_start3A_1152 = tpu.memref_slice %arg18[%dma_start3A_1143] : memref<3x!tpu.dma_semaphore, #tpu.memory_space<semaphore_mem>> -> memref<1x!tpu.dma_semaphore, #tpu.memory_space<semaphore_mem>>
      %dma_start3A_1153 = tpu.memref_squeeze %dma_start3A_1152 : memref<1x!tpu.dma_semaphore, #tpu.memory_space<semaphore_mem>> -> memref<!tpu.dma_semaphore, #tpu.memory_space<semaphore_mem>>
      tpu.enqueue_indirect_dma source(%dma_start3A_1151 : memref<5120x128xf32, #tpu.memory_space<vmem_shared>>) target(%dma_start3A_1146 : memref<96x128xf32, #tpu.memory_space<vmem>>) offsets(%dma_start3A_1148 : memref<96xi32, #tpu.memory_space<vmem>>) semaphore(%dma_start3A_1153 : memref<!tpu.dma_semaphore, #tpu.memory_space<semaphore_mem>>)
      %dma_wait3A_1154 = arith.constant 2 : i32
      %dma_wait3A_1155 = arith.constant 0 : i32
      %dma_wait3A_1156 = arith.constant 0 : i32
      %dma_wait3A_1157 = tpu.memref_slice %arg2[%dma_wait3A_1155, %dma_wait3A_1156] : memref<5120x128xf32, #tpu.memory_space<hbm>> -> memref<200x128xf32, #tpu.memory_space<hbm>>
      %dma_wait3A_1158 = tpu.memref_slice %arg18[%dma_wait3A_1154] : memref<3x!tpu.dma_semaphore, #tpu.memory_space<semaphore_mem>> -> memref<1x!tpu.dma_semaphore, #tpu.memory_space<semaphore_mem>>
      %dma_wait3A_1159 = tpu.memref_squeeze %dma_wait3A_1158 : memref<1x!tpu.dma_semaphore, #tpu.memory_space<semaphore_mem>> -> memref<!tpu.dma_semaphore, #tpu.memory_space<semaphore_mem>>
      %dma_wait3A_1160 = arith.constant 0 : i32
      %dma_wait3A_1161 = arith.constant 0 : i32
      %dma_wait3A_1162 = tpu.memref_slice %arg2[%dma_wait3A_1160, %dma_wait3A_1161] : memref<5120x128xf32, #tpu.memory_space<hbm>> -> memref<200x128xf32, #tpu.memory_space<hbm>>
      tpu.wait_dma2 semaphore(%dma_wait3A_1159 : memref<!tpu.dma_semaphore, #tpu.memory_space<semaphore_mem>>) src(%dma_wait3A_1162 : memref<200x128xf32, #tpu.memory_space<hbm>>) dst(%arg14 : memref<200x128xf32, #tpu.memory_space<vmem>>)
      %mul3A_1163 = arith.constant 200 : i32
      %mul3A_1164 = arith.muli %add3A_979, %mul3A_1163 : i32
      %add3A_1165 = arith.addi %mul3A_2, %mul3A_1164 : i32
      %dma_start3A_1166 = arith.constant 2 : i32
      %dma_start3A_1167 = arith.constant 0 : i32
      %dma_start3A_1168 = tpu.memref_slice %arg5[%add3A_1165, %dma_start3A_1167] : memref<3276800x128xf32, #tpu.memory_space<hbm>> -> memref<200x128xf32, #tpu.memory_space<hbm>>
      %dma_start3A_1169 = tpu.memref_slice %arg19[%dma_start3A_1166] : memref<3x!tpu.dma_semaphore, #tpu.memory_space<semaphore_mem>> -> memref<1x!tpu.dma_semaphore, #tpu.memory_space<semaphore_mem>>
      %dma_start3A_1170 = tpu.memref_squeeze %dma_start3A_1169 : memref<1x!tpu.dma_semaphore, #tpu.memory_space<semaphore_mem>> -> memref<!tpu.dma_semaphore, #tpu.memory_space<semaphore_mem>>
      %dma_start3A_1171 = arith.constant 0 : i32
      %dma_start3A_1172 = tpu.memref_slice %arg5[%add3A_1165, %dma_start3A_1171] : memref<3276800x128xf32, #tpu.memory_space<hbm>> -> memref<200x128xf32, #tpu.memory_space<hbm>>
      tpu.enqueue_dma source(%arg14 : memref<200x128xf32, #tpu.memory_space<vmem>>) target(%dma_start3A_1172 : memref<200x128xf32, #tpu.memory_space<hbm>>) target_semaphore(%dma_start3A_1170 : memref<!tpu.dma_semaphore, #tpu.memory_space<semaphore_mem>>)
      %mul3A_1173 = arith.constant 3 : i32
      %mul3A_1174 = arith.muli %scan3A_973, %mul3A_1173 : i32
      %add3A_1175 = arith.constant 2 : i32
      %add3A_1176 = arith.addi %add3A_1175, %mul3A_1174 : i32
      %add3A_1177 = arith.constant 1 : i32
      %add3A_1178 = arith.addi %add3A_1176, %add3A_1177 : i32
      %add3A_1179 = arith.constant 1 : i32
      %add3A_1180 = arith.addi %add3A_1178, %add3A_1179 : i32
      %sub3A_1181 = arith.constant 3 : i32
      %sub3A_1182 = arith.subi %add3A_1180, %sub3A_1181 : i32
      %mul3A_1183 = arith.constant 200 : i32
      %mul3A_1184 = arith.muli %sub3A_1182, %mul3A_1183 : i32
      %add3A_1185 = arith.addi %mul3A_2, %mul3A_1184 : i32
      %dma_wait3A_1186 = arith.constant 1 : i32
      %dma_wait3A_1187 = arith.constant 0 : i32
      %dma_wait3A_1188 = tpu.memref_slice %arg5[%add3A_1185, %dma_wait3A_1187] : memref<3276800x128xf32, #tpu.memory_space<hbm>> -> memref<200x128xf32, #tpu.memory_space<hbm>>
      %dma_wait3A_1189 = tpu.memref_slice %arg19[%dma_wait3A_1186] : memref<3x!tpu.dma_semaphore, #tpu.memory_space<semaphore_mem>> -> memref<1x!tpu.dma_semaphore, #tpu.memory_space<semaphore_mem>>
      %dma_wait3A_1190 = tpu.memref_squeeze %dma_wait3A_1189 : memref<1x!tpu.dma_semaphore, #tpu.memory_space<semaphore_mem>> -> memref<!tpu.dma_semaphore, #tpu.memory_space<semaphore_mem>>
      %dma_wait3A_1191 = arith.constant 0 : i32
      %dma_wait3A_1192 = tpu.memref_slice %arg5[%add3A_1185, %dma_wait3A_1191] : memref<3276800x128xf32, #tpu.memory_space<hbm>> -> memref<200x128xf32, #tpu.memory_space<hbm>>
      tpu.wait_dma2 semaphore(%dma_wait3A_1190 : memref<!tpu.dma_semaphore, #tpu.memory_space<semaphore_mem>>) src(%arg13 : memref<200x128xf32, #tpu.memory_space<vmem>>) dst(%dma_wait3A_1192 : memref<200x128xf32, #tpu.memory_space<hbm>>)
      %add3A_1193 = arith.constant 1 : i32
      %add3A_1194 = arith.addi %add3A_1178, %add3A_1193 : i32
      %dma_wait3A_1195 = arith.constant 1 : i32
      %dma_wait3A_1196 = arith.constant 0 : i32
      %dma_wait3A_1197 = tpu.memref_slice %arg7[%dma_wait3A_1196] : memref<208xi32, #tpu.memory_space<vmem>> -> memref<200xi32, #tpu.memory_space<vmem>>
      %dma_wait3A_1198 = tpu.memref_slice %arg3[%mul3A_2] : memref<3276800xi32, #tpu.memory_space<hbm>> -> memref<200xi32, #tpu.memory_space<hbm>>
      %dma_wait3A_1199 = tpu.memref_slice %arg17[%dma_wait3A_1195] : memref<3x!tpu.dma_semaphore, #tpu.memory_space<semaphore_mem>> -> memref<1x!tpu.dma_semaphore, #tpu.memory_space<semaphore_mem>>
      %dma_wait3A_1200 = tpu.memref_squeeze %dma_wait3A_1199 : memref<1x!tpu.dma_semaphore, #tpu.memory_space<semaphore_mem>> -> memref<!tpu.dma_semaphore, #tpu.memory_space<semaphore_mem>>
      %dma_wait3A_1201 = arith.constant 0 : i32
      %dma_wait3A_1202 = tpu.memref_slice %arg7[%dma_wait3A_1201] : memref<208xi32, #tpu.memory_space<vmem>> -> memref<200xi32, #tpu.memory_space<vmem>>
      %dma_wait3A_1203 = tpu.memref_slice %arg3[%mul3A_2] : memref<3276800xi32, #tpu.memory_space<hbm>> -> memref<200xi32, #tpu.memory_space<hbm>>
      tpu.wait_dma2 semaphore(%dma_wait3A_1200 : memref<!tpu.dma_semaphore, #tpu.memory_space<semaphore_mem>>) src(%dma_wait3A_1203 : memref<200xi32, #tpu.memory_space<hbm>>) dst(%dma_wait3A_1202 : memref<200xi32, #tpu.memory_space<vmem>>)
      %add3A_1204 = arith.constant 1 : i32
      %add3A_1205 = arith.addi %add3A_1194, %add3A_1204 : i32
      %lt3A_1206 = arith.constant 512 : i32
      %lt3A_1207 = arith.cmpi slt, %add3A_1205, %lt3A_1206 : i32
      %convert_element_type3A_1208 = arith.extui %lt3A_1207 : i1 to i32
      %cond3A_1209 = arith.constant 0 : i32
      %cond3A_1210 = arith.cmpi ne, %convert_element_type3A_1208, %cond3A_1209 : i32
      scf.if %cond3A_1210 {
        %add3A_1579 = arith.constant 1 : i32
        %add3A_1580 = arith.addi %add3A_1194, %add3A_1579 : i32
        %mul3A_1581 = arith.constant 200 : i32
        %mul3A_1582 = arith.muli %add3A_1580, %mul3A_1581 : i32
        %add3A_1583 = arith.addi %mul3A_2, %mul3A_1582 : i32
        %dma_start3A_1584 = arith.constant 2 : i32
        %dma_start3A_1585 = arith.constant 0 : i32
        %dma_start3A_1586 = tpu.memref_slice %arg8[%dma_start3A_1585] : memref<208xi32, #tpu.memory_space<vmem>> -> memref<200xi32, #tpu.memory_space<vmem>>
        %dma_start3A_1587 = tpu.memref_slice %arg3[%add3A_1583] : memref<3276800xi32, #tpu.memory_space<hbm>> -> memref<200xi32, #tpu.memory_space<hbm>>
        %dma_start3A_1588 = tpu.memref_slice %arg17[%dma_start3A_1584] : memref<3x!tpu.dma_semaphore, #tpu.memory_space<semaphore_mem>> -> memref<1x!tpu.dma_semaphore, #tpu.memory_space<semaphore_mem>>
        %dma_start3A_1589 = tpu.memref_squeeze %dma_start3A_1588 : memref<1x!tpu.dma_semaphore, #tpu.memory_space<semaphore_mem>> -> memref<!tpu.dma_semaphore, #tpu.memory_space<semaphore_mem>>
        %dma_start3A_1590 = arith.constant 0 : i32
        %dma_start3A_1591 = tpu.memref_slice %arg8[%dma_start3A_1590] : memref<208xi32, #tpu.memory_space<vmem>> -> memref<200xi32, #tpu.memory_space<vmem>>
        %dma_start3A_1592 = tpu.memref_slice %arg3[%add3A_1583] : memref<3276800xi32, #tpu.memory_space<hbm>> -> memref<200xi32, #tpu.memory_space<hbm>>
        tpu.enqueue_dma source(%dma_start3A_1592 : memref<200xi32, #tpu.memory_space<hbm>>) target(%dma_start3A_1591 : memref<200xi32, #tpu.memory_space<vmem>>) target_semaphore(%dma_start3A_1589 : memref<!tpu.dma_semaphore, #tpu.memory_space<semaphore_mem>>)
      } else {
      }
      %get3A_1211 = arith.index_cast %add3A_1194 : i32 to index
      %get3A_1212 = tpu.vector_load %arg15[%get3A_1211] {strides = array<i32>} : memref<528xi32, #tpu.memory_space<vmem>>, vector<16xi32>,
      %get3A_1213 = vector.shape_cast %get3A_1212 : vector<16xi32> to vector<16xi32>
      %slice3A_1214 = vector.extract_strided_slice %get3A_1213 {offsets = [0], sizes = [1], strides = [1]} : vector<16xi32> to vector<1xi32>
      %squeeze3A_1215 = vector.extract %slice3A_1214[0] : i32 from vector<1xi32>
      %mul3A_1216 = arith.constant 512 : i32
      %mul3A_1217 = arith.muli %squeeze3A_1215, %mul3A_1216 : i32
      %get3A_1218 = arith.constant 0 : index
      %get3A_1219 = tpu.vector_load %arg7[%get3A_1218] {strides = array<i32>} : memref<208xi32, #tpu.memory_space<vmem>>, vector<16xi32>,
      %get3A_1220 = vector.shape_cast %get3A_1219 : vector<16xi32> to vector<16xi32>
      %add3A_1221 = vector.broadcast %mul3A_1217 : i32 to vector<16xi32>
      %add3A_1222 = arith.addi %get3A_1220, %add3A_1221 : vector<16xi32>
      %swap3A_1223 = arith.constant 0 : index
      %swap3A_1224 = tpu.vector_load %arg10[%swap3A_1223] {strides = array<i32>} : memref<208xi32, #tpu.memory_space<vmem>>, vector<16xi32>,
      %swap3A_1225 = vector.shape_cast %swap3A_1224 : vector<16xi32> to vector<16xi32>
      %swap3A_1226 = vector.shape_cast %add3A_1222 : vector<16xi32> to vector<16xi32>
      tpu.vector_store %arg10[%swap3A_1223], %swap3A_1226 {strides = array<i32>} : memref<208xi32, #tpu.memory_space<vmem>>, vector<16xi32>,
      %get3A_1227 = arith.constant 16 : index
      %get3A_1228 = tpu.vector_load %arg7[%get3A_1227] {strides = array<i32>} : memref<208xi32, #tpu.memory_space<vmem>>, vector<16xi32>,
      %get3A_1229 = vector.shape_cast %get3A_1228 : vector<16xi32> to vector<16xi32>
      %add3A_1230 = vector.broadcast %mul3A_1217 : i32 to vector<16xi32>
      %add3A_1231 = arith.addi %get3A_1229, %add3A_1230 : vector<16xi32>
      %swap3A_1232 = arith.constant 16 : index
      %swap3A_1233 = tpu.vector_load %arg10[%swap3A_1232] {strides = array<i32>} : memref<208xi32, #tpu.memory_space<vmem>>, vector<16xi32>,
      %swap3A_1234 = vector.shape_cast %swap3A_1233 : vector<16xi32> to vector<16xi32>
      %swap3A_1235 = vector.shape_cast %add3A_1231 : vector<16xi32> to vector<16xi32>
      tpu.vector_store %arg10[%swap3A_1232], %swap3A_1235 {strides = array<i32>} : memref<208xi32, #tpu.memory_space<vmem>>, vector<16xi32>,
      %get3A_1236 = arith.constant 32 : index
      %get3A_1237 = tpu.vector_load %arg7[%get3A_1236] {strides = array<i32>} : memref<208xi32, #tpu.memory_space<vmem>>, vector<16xi32>,
      %get3A_1238 = vector.shape_cast %get3A_1237 : vector<16xi32> to vector<16xi32>
      %add3A_1239 = vector.broadcast %mul3A_1217 : i32 to vector<16xi32>
      %add3A_1240 = arith.addi %get3A_1238, %add3A_1239 : vector<16xi32>
      %swap3A_1241 = arith.constant 32 : index
      %swap3A_1242 = tpu.vector_load %arg10[%swap3A_1241] {strides = array<i32>} : memref<208xi32, #tpu.memory_space<vmem>>, vector<16xi32>,
      %swap3A_1243 = vector.shape_cast %swap3A_1242 : vector<16xi32> to vector<16xi32>
      %swap3A_1244 = vector.shape_cast %add3A_1240 : vector<16xi32> to vector<16xi32>
      tpu.vector_store %arg10[%swap3A_1241], %swap3A_1244 {strides = array<i32>} : memref<208xi32, #tpu.memory_space<vmem>>, vector<16xi32>,
      %get3A_1245 = arith.constant 48 : index
      %get3A_1246 = tpu.vector_load %arg7[%get3A_1245] {strides = array<i32>} : memref<208xi32, #tpu.memory_space<vmem>>, vector<16xi32>,
      %get3A_1247 = vector.shape_cast %get3A_1246 : vector<16xi32> to vector<16xi32>
      %add3A_1248 = vector.broadcast %mul3A_1217 : i32 to vector<16xi32>
      %add3A_1249 = arith.addi %get3A_1247, %add3A_1248 : vector<16xi32>
      %swap3A_1250 = arith.constant 48 : index
      %swap3A_1251 = tpu.vector_load %arg10[%swap3A_1250] {strides = array<i32>} : memref<208xi32, #tpu.memory_space<vmem>>, vector<16xi32>,
      %swap3A_1252 = vector.shape_cast %swap3A_1251 : vector<16xi32> to vector<16xi32>
      %swap3A_1253 = vector.shape_cast %add3A_1249 : vector<16xi32> to vector<16xi32>
      tpu.vector_store %arg10[%swap3A_1250], %swap3A_1253 {strides = array<i32>} : memref<208xi32, #tpu.memory_space<vmem>>, vector<16xi32>,
      %get3A_1254 = arith.constant 64 : index
      %get3A_1255 = tpu.vector_load %arg7[%get3A_1254] {strides = array<i32>} : memref<208xi32, #tpu.memory_space<vmem>>, vector<16xi32>,
      %get3A_1256 = vector.shape_cast %get3A_1255 : vector<16xi32> to vector<16xi32>
      %add3A_1257 = vector.broadcast %mul3A_1217 : i32 to vector<16xi32>
      %add3A_1258 = arith.addi %get3A_1256, %add3A_1257 : vector<16xi32>
      %swap3A_1259 = arith.constant 64 : index
      %swap3A_1260 = tpu.vector_load %arg10[%swap3A_1259] {strides = array<i32>} : memref<208xi32, #tpu.memory_space<vmem>>, vector<16xi32>,
      %swap3A_1261 = vector.shape_cast %swap3A_1260 : vector<16xi32> to vector<16xi32>
      %swap3A_1262 = vector.shape_cast %add3A_1258 : vector<16xi32> to vector<16xi32>
      tpu.vector_store %arg10[%swap3A_1259], %swap3A_1262 {strides = array<i32>} : memref<208xi32, #tpu.memory_space<vmem>>, vector<16xi32>,
      %get3A_1263 = arith.constant 80 : index
      %get3A_1264 = tpu.vector_load %arg7[%get3A_1263] {strides = array<i32>} : memref<208xi32, #tpu.memory_space<vmem>>, vector<16xi32>,
      %get3A_1265 = vector.shape_cast %get3A_1264 : vector<16xi32> to vector<16xi32>
      %add3A_1266 = vector.broadcast %mul3A_1217 : i32 to vector<16xi32>
      %add3A_1267 = arith.addi %get3A_1265, %add3A_1266 : vector<16xi32>
      %swap3A_1268 = arith.constant 80 : index
      %swap3A_1269 = tpu.vector_load %arg10[%swap3A_1268] {strides = array<i32>} : memref<208xi32, #tpu.memory_space<vmem>>, vector<16xi32>,
      %swap3A_1270 = vector.shape_cast %swap3A_1269 : vector<16xi32> to vector<16xi32>
      %swap3A_1271 = vector.shape_cast %add3A_1267 : vector<16xi32> to vector<16xi32>
      tpu.vector_store %arg10[%swap3A_1268], %swap3A_1271 {strides = array<i32>} : memref<208xi32, #tpu.memory_space<vmem>>, vector<16xi32>,
      %get3A_1272 = arith.constant 96 : index
      %get3A_1273 = tpu.vector_load %arg7[%get3A_1272] {strides = array<i32>} : memref<208xi32, #tpu.memory_space<vmem>>, vector<16xi32>,
      %get3A_1274 = vector.shape_cast %get3A_1273 : vector<16xi32> to vector<16xi32>
      %add3A_1275 = vector.broadcast %mul3A_1217 : i32 to vector<16xi32>
      %add3A_1276 = arith.addi %get3A_1274, %add3A_1275 : vector<16xi32>
      %swap3A_1277 = arith.constant 96 : index
      %swap3A_1278 = tpu.vector_load %arg10[%swap3A_1277] {strides = array<i32>} : memref<208xi32, #tpu.memory_space<vmem>>, vector<16xi32>,
      %swap3A_1279 = vector.shape_cast %swap3A_1278 : vector<16xi32> to vector<16xi32>
      %swap3A_1280 = vector.shape_cast %add3A_1276 : vector<16xi32> to vector<16xi32>
      tpu.vector_store %arg10[%swap3A_1277], %swap3A_1280 {strides = array<i32>} : memref<208xi32, #tpu.memory_space<vmem>>, vector<16xi32>,
      %get3A_1281 = arith.constant 112 : index
      %get3A_1282 = tpu.vector_load %arg7[%get3A_1281] {strides = array<i32>} : memref<208xi32, #tpu.memory_space<vmem>>, vector<16xi32>,
      %get3A_1283 = vector.shape_cast %get3A_1282 : vector<16xi32> to vector<16xi32>
      %add3A_1284 = vector.broadcast %mul3A_1217 : i32 to vector<16xi32>
      %add3A_1285 = arith.addi %get3A_1283, %add3A_1284 : vector<16xi32>
      %swap3A_1286 = arith.constant 112 : index
      %swap3A_1287 = tpu.vector_load %arg10[%swap3A_1286] {strides = array<i32>} : memref<208xi32, #tpu.memory_space<vmem>>, vector<16xi32>,
      %swap3A_1288 = vector.shape_cast %swap3A_1287 : vector<16xi32> to vector<16xi32>
      %swap3A_1289 = vector.shape_cast %add3A_1285 : vector<16xi32> to vector<16xi32>
      tpu.vector_store %arg10[%swap3A_1286], %swap3A_1289 {strides = array<i32>} : memref<208xi32, #tpu.memory_space<vmem>>, vector<16xi32>,
      %get3A_1290 = arith.constant 128 : index
      %get3A_1291 = tpu.vector_load %arg7[%get3A_1290] {strides = array<i32>} : memref<208xi32, #tpu.memory_space<vmem>>, vector<16xi32>,
      %get3A_1292 = vector.shape_cast %get3A_1291 : vector<16xi32> to vector<16xi32>
      %add3A_1293 = vector.broadcast %mul3A_1217 : i32 to vector<16xi32>
      %add3A_1294 = arith.addi %get3A_1292, %add3A_1293 : vector<16xi32>
      %swap3A_1295 = arith.constant 128 : index
      %swap3A_1296 = tpu.vector_load %arg10[%swap3A_1295] {strides = array<i32>} : memref<208xi32, #tpu.memory_space<vmem>>, vector<16xi32>,
      %swap3A_1297 = vector.shape_cast %swap3A_1296 : vector<16xi32> to vector<16xi32>
      %swap3A_1298 = vector.shape_cast %add3A_1294 : vector<16xi32> to vector<16xi32>
      tpu.vector_store %arg10[%swap3A_1295], %swap3A_1298 {strides = array<i32>} : memref<208xi32, #tpu.memory_space<vmem>>, vector<16xi32>,
      %get3A_1299 = arith.constant 144 : index
      %get3A_1300 = tpu.vector_load %arg7[%get3A_1299] {strides = array<i32>} : memref<208xi32, #tpu.memory_space<vmem>>, vector<16xi32>,
      %get3A_1301 = vector.shape_cast %get3A_1300 : vector<16xi32> to vector<16xi32>
      %add3A_1302 = vector.broadcast %mul3A_1217 : i32 to vector<16xi32>
      %add3A_1303 = arith.addi %get3A_1301, %add3A_1302 : vector<16xi32>
      %swap3A_1304 = arith.constant 144 : index
      %swap3A_1305 = tpu.vector_load %arg10[%swap3A_1304] {strides = array<i32>} : memref<208xi32, #tpu.memory_space<vmem>>, vector<16xi32>,
      %swap3A_1306 = vector.shape_cast %swap3A_1305 : vector<16xi32> to vector<16xi32>
      %swap3A_1307 = vector.shape_cast %add3A_1303 : vector<16xi32> to vector<16xi32>
      tpu.vector_store %arg10[%swap3A_1304], %swap3A_1307 {strides = array<i32>} : memref<208xi32, #tpu.memory_space<vmem>>, vector<16xi32>,
      %get3A_1308 = arith.constant 160 : index
      %get3A_1309 = tpu.vector_load %arg7[%get3A_1308] {strides = array<i32>} : memref<208xi32, #tpu.memory_space<vmem>>, vector<16xi32>,
      %get3A_1310 = vector.shape_cast %get3A_1309 : vector<16xi32> to vector<16xi32>
      %add3A_1311 = vector.broadcast %mul3A_1217 : i32 to vector<16xi32>
      %add3A_1312 = arith.addi %get3A_1310, %add3A_1311 : vector<16xi32>
      %swap3A_1313 = arith.constant 160 : index
      %swap3A_1314 = tpu.vector_load %arg10[%swap3A_1313] {strides = array<i32>} : memref<208xi32, #tpu.memory_space<vmem>>, vector<16xi32>,
      %swap3A_1315 = vector.shape_cast %swap3A_1314 : vector<16xi32> to vector<16xi32>
      %swap3A_1316 = vector.shape_cast %add3A_1312 : vector<16xi32> to vector<16xi32>
      tpu.vector_store %arg10[%swap3A_1313], %swap3A_1316 {strides = array<i32>} : memref<208xi32, #tpu.memory_space<vmem>>, vector<16xi32>,
      %get3A_1317 = arith.constant 176 : index
      %get3A_1318 = tpu.vector_load %arg7[%get3A_1317] {strides = array<i32>} : memref<208xi32, #tpu.memory_space<vmem>>, vector<16xi32>,
      %get3A_1319 = vector.shape_cast %get3A_1318 : vector<16xi32> to vector<16xi32>
      %add3A_1320 = vector.broadcast %mul3A_1217 : i32 to vector<16xi32>
      %add3A_1321 = arith.addi %get3A_1319, %add3A_1320 : vector<16xi32>
      %swap3A_1322 = arith.constant 176 : index
      %swap3A_1323 = tpu.vector_load %arg10[%swap3A_1322] {strides = array<i32>} : memref<208xi32, #tpu.memory_space<vmem>>, vector<16xi32>,
      %swap3A_1324 = vector.shape_cast %swap3A_1323 : vector<16xi32> to vector<16xi32>
      %swap3A_1325 = vector.shape_cast %add3A_1321 : vector<16xi32> to vector<16xi32>
      tpu.vector_store %arg10[%swap3A_1322], %swap3A_1325 {strides = array<i32>} : memref<208xi32, #tpu.memory_space<vmem>>, vector<16xi32>,
      %get3A_1326 = arith.constant 192 : index
      %get3A_1327 = tpu.vector_load %arg7[%get3A_1326] {strides = array<i32>} : memref<208xi32, #tpu.memory_space<vmem>>, vector<16xi32>,
      %get3A_1328 = vector.shape_cast %get3A_1327 : vector<16xi32> to vector<16xi32>
      %add3A_1329 = vector.broadcast %mul3A_1217 : i32 to vector<16xi32>
      %add3A_1330 = arith.addi %get3A_1328, %add3A_1329 : vector<16xi32>
      %swap3A_1331 = arith.constant 192 : index
      %swap3A_1332 = tpu.vector_load %arg10[%swap3A_1331] {strides = array<i32>} : memref<208xi32, #tpu.memory_space<vmem>>, vector<16xi32>,
      %swap3A_1333 = vector.shape_cast %swap3A_1332 : vector<16xi32> to vector<16xi32>
      %swap3A_1334 = vector.shape_cast %add3A_1330 : vector<16xi32> to vector<16xi32>
      tpu.vector_store %arg10[%swap3A_1331], %swap3A_1334 {strides = array<i32>} : memref<208xi32, #tpu.memory_space<vmem>>, vector<16xi32>,
      %dma_start3A_1335 = arith.constant 1 : i32
      %dma_start3A_1336 = arith.constant 0 : i32
      %dma_start3A_1337 = arith.constant 0 : i32
      %dma_start3A_1338 = tpu.memref_slice %arg13[%dma_start3A_1336, %dma_start3A_1337] : memref<200x128xf32, #tpu.memory_space<vmem>> -> memref<104x128xf32, #tpu.memory_space<vmem>>
      %dma_start3A_1339 = arith.constant 0 : i32
      %dma_start3A_1340 = tpu.memref_slice %arg10[%dma_start3A_1339] : memref<208xi32, #tpu.memory_space<vmem>> -> memref<104xi32, #tpu.memory_space<vmem>>
      %dma_start3A_1341 = arith.constant 0 : i32
      %dma_start3A_1342 = arith.constant 0 : i32
      %dma_start3A_1343 = tpu.memref_slice %arg16[%dma_start3A_1341, %dma_start3A_1342] : memref<5120x128xf32, #tpu.memory_space<vmem_shared>> -> memref<5120x128xf32, #tpu.memory_space<vmem_shared>>
      %dma_start3A_1344 = tpu.memref_slice %arg18[%dma_start3A_1335] : memref<3x!tpu.dma_semaphore, #tpu.memory_space<semaphore_mem>> -> memref<1x!tpu.dma_semaphore, #tpu.memory_space<semaphore_mem>>
      %dma_start3A_1345 = tpu.memref_squeeze %dma_start3A_1344 : memref<1x!tpu.dma_semaphore, #tpu.memory_space<semaphore_mem>> -> memref<!tpu.dma_semaphore, #tpu.memory_space<semaphore_mem>>
      tpu.enqueue_indirect_dma source(%dma_start3A_1343 : memref<5120x128xf32, #tpu.memory_space<vmem_shared>>) target(%dma_start3A_1338 : memref<104x128xf32, #tpu.memory_space<vmem>>) offsets(%dma_start3A_1340 : memref<104xi32, #tpu.memory_space<vmem>>) semaphore(%dma_start3A_1345 : memref<!tpu.dma_semaphore, #tpu.memory_space<semaphore_mem>>)
      %dma_start3A_1346 = arith.constant 1 : i32
      %dma_start3A_1347 = arith.constant 104 : i32
      %dma_start3A_1348 = arith.constant 0 : i32
      %dma_start3A_1349 = tpu.memref_slice %arg13[%dma_start3A_1347, %dma_start3A_1348] : memref<200x128xf32, #tpu.memory_space<vmem>> -> memref<96x128xf32, #tpu.memory_space<vmem>>
      %dma_start3A_1350 = arith.constant 104 : i32
      %dma_start3A_1351 = tpu.memref_slice %arg10[%dma_start3A_1350] : memref<208xi32, #tpu.memory_space<vmem>> -> memref<96xi32, #tpu.memory_space<vmem>>
      %dma_start3A_1352 = arith.constant 0 : i32
      %dma_start3A_1353 = arith.constant 0 : i32
      %dma_start3A_1354 = tpu.memref_slice %arg16[%dma_start3A_1352, %dma_start3A_1353] : memref<5120x128xf32, #tpu.memory_space<vmem_shared>> -> memref<5120x128xf32, #tpu.memory_space<vmem_shared>>
      %dma_start3A_1355 = tpu.memref_slice %arg18[%dma_start3A_1346] : memref<3x!tpu.dma_semaphore, #tpu.memory_space<semaphore_mem>> -> memref<1x!tpu.dma_semaphore, #tpu.memory_space<semaphore_mem>>
      %dma_start3A_1356 = tpu.memref_squeeze %dma_start3A_1355 : memref<1x!tpu.dma_semaphore, #tpu.memory_space<semaphore_mem>> -> memref<!tpu.dma_semaphore, #tpu.memory_space<semaphore_mem>>
      tpu.enqueue_indirect_dma source(%dma_start3A_1354 : memref<5120x128xf32, #tpu.memory_space<vmem_shared>>) target(%dma_start3A_1349 : memref<96x128xf32, #tpu.memory_space<vmem>>) offsets(%dma_start3A_1351 : memref<96xi32, #tpu.memory_space<vmem>>) semaphore(%dma_start3A_1356 : memref<!tpu.dma_semaphore, #tpu.memory_space<semaphore_mem>>)
      %dma_wait3A_1357 = arith.constant 0 : i32
      %dma_wait3A_1358 = arith.constant 0 : i32
      %dma_wait3A_1359 = arith.constant 0 : i32
      %dma_wait3A_1360 = tpu.memref_slice %arg2[%dma_wait3A_1358, %dma_wait3A_1359] : memref<5120x128xf32, #tpu.memory_space<hbm>> -> memref<200x128xf32, #tpu.memory_space<hbm>>
      %dma_wait3A_1361 = tpu.memref_slice %arg18[%dma_wait3A_1357] : memref<3x!tpu.dma_semaphore, #tpu.memory_space<semaphore_mem>> -> memref<1x!tpu.dma_semaphore, #tpu.memory_space<semaphore_mem>>
      %dma_wait3A_1362 = tpu.memref_squeeze %dma_wait3A_1361 : memref<1x!tpu.dma_semaphore, #tpu.memory_space<semaphore_mem>> -> memref<!tpu.dma_semaphore, #tpu.memory_space<semaphore_mem>>
      %dma_wait3A_1363 = arith.constant 0 : i32
      %dma_wait3A_1364 = arith.constant 0 : i32
      %dma_wait3A_1365 = tpu.memref_slice %arg2[%dma_wait3A_1363, %dma_wait3A_1364] : memref<5120x128xf32, #tpu.memory_space<hbm>> -> memref<200x128xf32, #tpu.memory_space<hbm>>
      tpu.wait_dma2 semaphore(%dma_wait3A_1362 : memref<!tpu.dma_semaphore, #tpu.memory_space<semaphore_mem>>) src(%dma_wait3A_1365 : memref<200x128xf32, #tpu.memory_space<hbm>>) dst(%arg12 : memref<200x128xf32, #tpu.memory_space<vmem>>)
      %mul3A_1366 = arith.constant 200 : i32
      %mul3A_1367 = arith.muli %add3A_1178, %mul3A_1366 : i32
      %add3A_1368 = arith.addi %mul3A_2, %mul3A_1367 : i32
      %dma_start3A_1369 = arith.constant 0 : i32
      %dma_start3A_1370 = arith.constant 0 : i32
      %dma_start3A_1371 = tpu.memref_slice %arg5[%add3A_1368, %dma_start3A_1370] : memref<3276800x128xf32, #tpu.memory_space<hbm>> -> memref<200x128xf32, #tpu.memory_space<hbm>>
      %dma_start3A_1372 = tpu.memref_slice %arg19[%dma_start3A_1369] : memref<3x!tpu.dma_semaphore, #tpu.memory_space<semaphore_mem>> -> memref<1x!tpu.dma_semaphore, #tpu.memory_space<semaphore_mem>>
      %dma_start3A_1373 = tpu.memref_squeeze %dma_start3A_1372 : memref<1x!tpu.dma_semaphore, #tpu.memory_space<semaphore_mem>> -> memref<!tpu.dma_semaphore, #tpu.memory_space<semaphore_mem>>
      %dma_start3A_1374 = arith.constant 0 : i32
      %dma_start3A_1375 = tpu.memref_slice %arg5[%add3A_1368, %dma_start3A_1374] : memref<3276800x128xf32, #tpu.memory_space<hbm>> -> memref<200x128xf32, #tpu.memory_space<hbm>>
      tpu.enqueue_dma source(%arg12 : memref<200x128xf32, #tpu.memory_space<vmem>>) target(%dma_start3A_1375 : memref<200x128xf32, #tpu.memory_space<hbm>>) target_semaphore(%dma_start3A_1373 : memref<!tpu.dma_semaphore, #tpu.memory_space<semaphore_mem>>)
      %mul3A_1376 = arith.constant 3 : i32
      %mul3A_1377 = arith.muli %scan3A_973, %mul3A_1376 : i32
      %add3A_1378 = arith.constant 2 : i32
      %add3A_1379 = arith.addi %add3A_1378, %mul3A_1377 : i32
      %add3A_1380 = arith.constant 2 : i32
      %add3A_1381 = arith.addi %add3A_1379, %add3A_1380 : i32
      %add3A_1382 = arith.constant 1 : i32
      %add3A_1383 = arith.addi %add3A_1381, %add3A_1382 : i32
      %sub3A_1384 = arith.constant 3 : i32
      %sub3A_1385 = arith.subi %add3A_1383, %sub3A_1384 : i32
      %mul3A_1386 = arith.constant 200 : i32
      %mul3A_1387 = arith.muli %sub3A_1385, %mul3A_1386 : i32
      %add3A_1388 = arith.addi %mul3A_2, %mul3A_1387 : i32
      %dma_wait3A_1389 = arith.constant 2 : i32
      %dma_wait3A_1390 = arith.constant 0 : i32
      %dma_wait3A_1391 = tpu.memref_slice %arg5[%add3A_1388, %dma_wait3A_1390] : memref<3276800x128xf32, #tpu.memory_space<hbm>> -> memref<200x128xf32, #tpu.memory_space<hbm>>
      %dma_wait3A_1392 = tpu.memref_slice %arg19[%dma_wait3A_1389] : memref<3x!tpu.dma_semaphore, #tpu.memory_space<semaphore_mem>> -> memref<1x!tpu.dma_semaphore, #tpu.memory_space<semaphore_mem>>
      %dma_wait3A_1393 = tpu.memref_squeeze %dma_wait3A_1392 : memref<1x!tpu.dma_semaphore, #tpu.memory_space<semaphore_mem>> -> memref<!tpu.dma_semaphore, #tpu.memory_space<semaphore_mem>>
      %dma_wait3A_1394 = arith.constant 0 : i32
      %dma_wait3A_1395 = tpu.memref_slice %arg5[%add3A_1388, %dma_wait3A_1394] : memref<3276800x128xf32, #tpu.memory_space<hbm>> -> memref<200x128xf32, #tpu.memory_space<hbm>>
      tpu.wait_dma2 semaphore(%dma_wait3A_1393 : memref<!tpu.dma_semaphore, #tpu.memory_space<semaphore_mem>>) src(%arg14 : memref<200x128xf32, #tpu.memory_space<vmem>>) dst(%dma_wait3A_1395 : memref<200x128xf32, #tpu.memory_space<hbm>>)
      %add3A_1396 = arith.constant 1 : i32
      %add3A_1397 = arith.addi %add3A_1381, %add3A_1396 : i32
      %dma_wait3A_1398 = arith.constant 2 : i32
      %dma_wait3A_1399 = arith.constant 0 : i32
      %dma_wait3A_1400 = tpu.memref_slice %arg8[%dma_wait3A_1399] : memref<208xi32, #tpu.memory_space<vmem>> -> memref<200xi32, #tpu.memory_space<vmem>>
      %dma_wait3A_1401 = tpu.memref_slice %arg3[%mul3A_2] : memref<3276800xi32, #tpu.memory_space<hbm>> -> memref<200xi32, #tpu.memory_space<hbm>>
      %dma_wait3A_1402 = tpu.memref_slice %arg17[%dma_wait3A_1398] : memref<3x!tpu.dma_semaphore, #tpu.memory_space<semaphore_mem>> -> memref<1x!tpu.dma_semaphore, #tpu.memory_space<semaphore_mem>>
      %dma_wait3A_1403 = tpu.memref_squeeze %dma_wait3A_1402 : memref<1x!tpu.dma_semaphore, #tpu.memory_space<semaphore_mem>> -> memref<!tpu.dma_semaphore, #tpu.memory_space<semaphore_mem>>
      %dma_wait3A_1404 = arith.constant 0 : i32
      %dma_wait3A_1405 = tpu.memref_slice %arg8[%dma_wait3A_1404] : memref<208xi32, #tpu.memory_space<vmem>> -> memref<200xi32, #tpu.memory_space<vmem>>
      %dma_wait3A_1406 = tpu.memref_slice %arg3[%mul3A_2] : memref<3276800xi32, #tpu.memory_space<hbm>> -> memref<200xi32, #tpu.memory_space<hbm>>
      tpu.wait_dma2 semaphore(%dma_wait3A_1403 : memref<!tpu.dma_semaphore, #tpu.memory_space<semaphore_mem>>) src(%dma_wait3A_1406 : memref<200xi32, #tpu.memory_space<hbm>>) dst(%dma_wait3A_1405 : memref<200xi32, #tpu.memory_space<vmem>>)
      %add3A_1407 = arith.constant 1 : i32
      %add3A_1408 = arith.addi %add3A_1397, %add3A_1407 : i32
      %lt3A_1409 = arith.constant 512 : i32
      %lt3A_1410 = arith.cmpi slt, %add3A_1408, %lt3A_1409 : i32
      %convert_element_type3A_1411 = arith.extui %lt3A_1410 : i1 to i32
      %cond3A_1412 = arith.constant 0 : i32
      %cond3A_1413 = arith.cmpi ne, %convert_element_type3A_1411, %cond3A_1412 : i32
      scf.if %cond3A_1413 {
        %add3A_1579 = arith.constant 1 : i32
        %add3A_1580 = arith.addi %add3A_1397, %add3A_1579 : i32
        %mul3A_1581 = arith.constant 200 : i32
        %mul3A_1582 = arith.muli %add3A_1580, %mul3A_1581 : i32
        %add3A_1583 = arith.addi %mul3A_2, %mul3A_1582 : i32
        %dma_start3A_1584 = arith.constant 0 : i32
        %dma_start3A_1585 = arith.constant 0 : i32
        %dma_start3A_1586 = tpu.memref_slice %arg6[%dma_start3A_1585] : memref<208xi32, #tpu.memory_space<vmem>> -> memref<200xi32, #tpu.memory_space<vmem>>
        %dma_start3A_1587 = tpu.memref_slice %arg3[%add3A_1583] : memref<3276800xi32, #tpu.memory_space<hbm>> -> memref<200xi32, #tpu.memory_space<hbm>>
        %dma_start3A_1588 = tpu.memref_slice %arg17[%dma_start3A_1584] : memref<3x!tpu.dma_semaphore, #tpu.memory_space<semaphore_mem>> -> memref<1x!tpu.dma_semaphore, #tpu.memory_space<semaphore_mem>>
        %dma_start3A_1589 = tpu.memref_squeeze %dma_start3A_1588 : memref<1x!tpu.dma_semaphore, #tpu.memory_space<semaphore_mem>> -> memref<!tpu.dma_semaphore, #tpu.memory_space<semaphore_mem>>
        %dma_start3A_1590 = arith.constant 0 : i32
        %dma_start3A_1591 = tpu.memref_slice %arg6[%dma_start3A_1590] : memref<208xi32, #tpu.memory_space<vmem>> -> memref<200xi32, #tpu.memory_space<vmem>>
        %dma_start3A_1592 = tpu.memref_slice %arg3[%add3A_1583] : memref<3276800xi32, #tpu.memory_space<hbm>> -> memref<200xi32, #tpu.memory_space<hbm>>
        tpu.enqueue_dma source(%dma_start3A_1592 : memref<200xi32, #tpu.memory_space<hbm>>) target(%dma_start3A_1591 : memref<200xi32, #tpu.memory_space<vmem>>) target_semaphore(%dma_start3A_1589 : memref<!tpu.dma_semaphore, #tpu.memory_space<semaphore_mem>>)
      } else {
      }
      %get3A_1414 = arith.index_cast %add3A_1397 : i32 to index
      %get3A_1415 = tpu.vector_load %arg15[%get3A_1414] {strides = array<i32>} : memref<528xi32, #tpu.memory_space<vmem>>, vector<16xi32>,
      %get3A_1416 = vector.shape_cast %get3A_1415 : vector<16xi32> to vector<16xi32>
      %slice3A_1417 = vector.extract_strided_slice %get3A_1416 {offsets = [0], sizes = [1], strides = [1]} : vector<16xi32> to vector<1xi32>
      %squeeze3A_1418 = vector.extract %slice3A_1417[0] : i32 from vector<1xi32>
      %mul3A_1419 = arith.constant 512 : i32
      %mul3A_1420 = arith.muli %squeeze3A_1418, %mul3A_1419 : i32
      %get3A_1421 = arith.constant 0 : index
      %get3A_1422 = tpu.vector_load %arg8[%get3A_1421] {strides = array<i32>} : memref<208xi32, #tpu.memory_space<vmem>>, vector<16xi32>,
      %get3A_1423 = vector.shape_cast %get3A_1422 : vector<16xi32> to vector<16xi32>
      %add3A_1424 = vector.broadcast %mul3A_1420 : i32 to vector<16xi32>
      %add3A_1425 = arith.addi %get3A_1423, %add3A_1424 : vector<16xi32>
      %swap3A_1426 = arith.constant 0 : index
      %swap3A_1427 = tpu.vector_load %arg11[%swap3A_1426] {strides = array<i32>} : memref<208xi32, #tpu.memory_space<vmem>>, vector<16xi32>,
      %swap3A_1428 = vector.shape_cast %swap3A_1427 : vector<16xi32> to vector<16xi32>
      %swap3A_1429 = vector.shape_cast %add3A_1425 : vector<16xi32> to vector<16xi32>
      tpu.vector_store %arg11[%swap3A_1426], %swap3A_1429 {strides = array<i32>} : memref<208xi32, #tpu.memory_space<vmem>>, vector<16xi32>,
      %get3A_1430 = arith.constant 16 : index
      %get3A_1431 = tpu.vector_load %arg8[%get3A_1430] {strides = array<i32>} : memref<208xi32, #tpu.memory_space<vmem>>, vector<16xi32>,
      %get3A_1432 = vector.shape_cast %get3A_1431 : vector<16xi32> to vector<16xi32>
      %add3A_1433 = vector.broadcast %mul3A_1420 : i32 to vector<16xi32>
      %add3A_1434 = arith.addi %get3A_1432, %add3A_1433 : vector<16xi32>
      %swap3A_1435 = arith.constant 16 : index
      %swap3A_1436 = tpu.vector_load %arg11[%swap3A_1435] {strides = array<i32>} : memref<208xi32, #tpu.memory_space<vmem>>, vector<16xi32>,
      %swap3A_1437 = vector.shape_cast %swap3A_1436 : vector<16xi32> to vector<16xi32>
      %swap3A_1438 = vector.shape_cast %add3A_1434 : vector<16xi32> to vector<16xi32>
      tpu.vector_store %arg11[%swap3A_1435], %swap3A_1438 {strides = array<i32>} : memref<208xi32, #tpu.memory_space<vmem>>, vector<16xi32>,
      %get3A_1439 = arith.constant 32 : index
      %get3A_1440 = tpu.vector_load %arg8[%get3A_1439] {strides = array<i32>} : memref<208xi32, #tpu.memory_space<vmem>>, vector<16xi32>,
      %get3A_1441 = vector.shape_cast %get3A_1440 : vector<16xi32> to vector<16xi32>
      %add3A_1442 = vector.broadcast %mul3A_1420 : i32 to vector<16xi32>
      %add3A_1443 = arith.addi %get3A_1441, %add3A_1442 : vector<16xi32>
      %swap3A_1444 = arith.constant 32 : index
      %swap3A_1445 = tpu.vector_load %arg11[%swap3A_1444] {strides = array<i32>} : memref<208xi32, #tpu.memory_space<vmem>>, vector<16xi32>,
      %swap3A_1446 = vector.shape_cast %swap3A_1445 : vector<16xi32> to vector<16xi32>
      %swap3A_1447 = vector.shape_cast %add3A_1443 : vector<16xi32> to vector<16xi32>
      tpu.vector_store %arg11[%swap3A_1444], %swap3A_1447 {strides = array<i32>} : memref<208xi32, #tpu.memory_space<vmem>>, vector<16xi32>,
      %get3A_1448 = arith.constant 48 : index
      %get3A_1449 = tpu.vector_load %arg8[%get3A_1448] {strides = array<i32>} : memref<208xi32, #tpu.memory_space<vmem>>, vector<16xi32>,
      %get3A_1450 = vector.shape_cast %get3A_1449 : vector<16xi32> to vector<16xi32>
      %add3A_1451 = vector.broadcast %mul3A_1420 : i32 to vector<16xi32>
      %add3A_1452 = arith.addi %get3A_1450, %add3A_1451 : vector<16xi32>
      %swap3A_1453 = arith.constant 48 : index
      %swap3A_1454 = tpu.vector_load %arg11[%swap3A_1453] {strides = array<i32>} : memref<208xi32, #tpu.memory_space<vmem>>, vector<16xi32>,
      %swap3A_1455 = vector.shape_cast %swap3A_1454 : vector<16xi32> to vector<16xi32>
      %swap3A_1456 = vector.shape_cast %add3A_1452 : vector<16xi32> to vector<16xi32>
      tpu.vector_store %arg11[%swap3A_1453], %swap3A_1456 {strides = array<i32>} : memref<208xi32, #tpu.memory_space<vmem>>, vector<16xi32>,
      %get3A_1457 = arith.constant 64 : index
      %get3A_1458 = tpu.vector_load %arg8[%get3A_1457] {strides = array<i32>} : memref<208xi32, #tpu.memory_space<vmem>>, vector<16xi32>,
      %get3A_1459 = vector.shape_cast %get3A_1458 : vector<16xi32> to vector<16xi32>
      %add3A_1460 = vector.broadcast %mul3A_1420 : i32 to vector<16xi32>
      %add3A_1461 = arith.addi %get3A_1459, %add3A_1460 : vector<16xi32>
      %swap3A_1462 = arith.constant 64 : index
      %swap3A_1463 = tpu.vector_load %arg11[%swap3A_1462] {strides = array<i32>} : memref<208xi32, #tpu.memory_space<vmem>>, vector<16xi32>,
      %swap3A_1464 = vector.shape_cast %swap3A_1463 : vector<16xi32> to vector<16xi32>
      %swap3A_1465 = vector.shape_cast %add3A_1461 : vector<16xi32> to vector<16xi32>
      tpu.vector_store %arg11[%swap3A_1462], %swap3A_1465 {strides = array<i32>} : memref<208xi32, #tpu.memory_space<vmem>>, vector<16xi32>,
      %get3A_1466 = arith.constant 80 : index
      %get3A_1467 = tpu.vector_load %arg8[%get3A_1466] {strides = array<i32>} : memref<208xi32, #tpu.memory_space<vmem>>, vector<16xi32>,
      %get3A_1468 = vector.shape_cast %get3A_1467 : vector<16xi32> to vector<16xi32>
      %add3A_1469 = vector.broadcast %mul3A_1420 : i32 to vector<16xi32>
      %add3A_1470 = arith.addi %get3A_1468, %add3A_1469 : vector<16xi32>
      %swap3A_1471 = arith.constant 80 : index
      %swap3A_1472 = tpu.vector_load %arg11[%swap3A_1471] {strides = array<i32>} : memref<208xi32, #tpu.memory_space<vmem>>, vector<16xi32>,
      %swap3A_1473 = vector.shape_cast %swap3A_1472 : vector<16xi32> to vector<16xi32>
      %swap3A_1474 = vector.shape_cast %add3A_1470 : vector<16xi32> to vector<16xi32>
      tpu.vector_store %arg11[%swap3A_1471], %swap3A_1474 {strides = array<i32>} : memref<208xi32, #tpu.memory_space<vmem>>, vector<16xi32>,
      %get3A_1475 = arith.constant 96 : index
      %get3A_1476 = tpu.vector_load %arg8[%get3A_1475] {strides = array<i32>} : memref<208xi32, #tpu.memory_space<vmem>>, vector<16xi32>,
      %get3A_1477 = vector.shape_cast %get3A_1476 : vector<16xi32> to vector<16xi32>
      %add3A_1478 = vector.broadcast %mul3A_1420 : i32 to vector<16xi32>
      %add3A_1479 = arith.addi %get3A_1477, %add3A_1478 : vector<16xi32>
      %swap3A_1480 = arith.constant 96 : index
      %swap3A_1481 = tpu.vector_load %arg11[%swap3A_1480] {strides = array<i32>} : memref<208xi32, #tpu.memory_space<vmem>>, vector<16xi32>,
      %swap3A_1482 = vector.shape_cast %swap3A_1481 : vector<16xi32> to vector<16xi32>
      %swap3A_1483 = vector.shape_cast %add3A_1479 : vector<16xi32> to vector<16xi32>
      tpu.vector_store %arg11[%swap3A_1480], %swap3A_1483 {strides = array<i32>} : memref<208xi32, #tpu.memory_space<vmem>>, vector<16xi32>,
      %get3A_1484 = arith.constant 112 : index
      %get3A_1485 = tpu.vector_load %arg8[%get3A_1484] {strides = array<i32>} : memref<208xi32, #tpu.memory_space<vmem>>, vector<16xi32>,
      %get3A_1486 = vector.shape_cast %get3A_1485 : vector<16xi32> to vector<16xi32>
      %add3A_1487 = vector.broadcast %mul3A_1420 : i32 to vector<16xi32>
      %add3A_1488 = arith.addi %get3A_1486, %add3A_1487 : vector<16xi32>
      %swap3A_1489 = arith.constant 112 : index
      %swap3A_1490 = tpu.vector_load %arg11[%swap3A_1489] {strides = array<i32>} : memref<208xi32, #tpu.memory_space<vmem>>, vector<16xi32>,
      %swap3A_1491 = vector.shape_cast %swap3A_1490 : vector<16xi32> to vector<16xi32>
      %swap3A_1492 = vector.shape_cast %add3A_1488 : vector<16xi32> to vector<16xi32>
      tpu.vector_store %arg11[%swap3A_1489], %swap3A_1492 {strides = array<i32>} : memref<208xi32, #tpu.memory_space<vmem>>, vector<16xi32>,
      %get3A_1493 = arith.constant 128 : index
      %get3A_1494 = tpu.vector_load %arg8[%get3A_1493] {strides = array<i32>} : memref<208xi32, #tpu.memory_space<vmem>>, vector<16xi32>,
      %get3A_1495 = vector.shape_cast %get3A_1494 : vector<16xi32> to vector<16xi32>
      %add3A_1496 = vector.broadcast %mul3A_1420 : i32 to vector<16xi32>
      %add3A_1497 = arith.addi %get3A_1495, %add3A_1496 : vector<16xi32>
      %swap3A_1498 = arith.constant 128 : index
      %swap3A_1499 = tpu.vector_load %arg11[%swap3A_1498] {strides = array<i32>} : memref<208xi32, #tpu.memory_space<vmem>>, vector<16xi32>,
      %swap3A_1500 = vector.shape_cast %swap3A_1499 : vector<16xi32> to vector<16xi32>
      %swap3A_1501 = vector.shape_cast %add3A_1497 : vector<16xi32> to vector<16xi32>
      tpu.vector_store %arg11[%swap3A_1498], %swap3A_1501 {strides = array<i32>} : memref<208xi32, #tpu.memory_space<vmem>>, vector<16xi32>,
      %get3A_1502 = arith.constant 144 : index
      %get3A_1503 = tpu.vector_load %arg8[%get3A_1502] {strides = array<i32>} : memref<208xi32, #tpu.memory_space<vmem>>, vector<16xi32>,
      %get3A_1504 = vector.shape_cast %get3A_1503 : vector<16xi32> to vector<16xi32>
      %add3A_1505 = vector.broadcast %mul3A_1420 : i32 to vector<16xi32>
      %add3A_1506 = arith.addi %get3A_1504, %add3A_1505 : vector<16xi32>
      %swap3A_1507 = arith.constant 144 : index
      %swap3A_1508 = tpu.vector_load %arg11[%swap3A_1507] {strides = array<i32>} : memref<208xi32, #tpu.memory_space<vmem>>, vector<16xi32>,
      %swap3A_1509 = vector.shape_cast %swap3A_1508 : vector<16xi32> to vector<16xi32>
      %swap3A_1510 = vector.shape_cast %add3A_1506 : vector<16xi32> to vector<16xi32>
      tpu.vector_store %arg11[%swap3A_1507], %swap3A_1510 {strides = array<i32>} : memref<208xi32, #tpu.memory_space<vmem>>, vector<16xi32>,
      %get3A_1511 = arith.constant 160 : index
      %get3A_1512 = tpu.vector_load %arg8[%get3A_1511] {strides = array<i32>} : memref<208xi32, #tpu.memory_space<vmem>>, vector<16xi32>,
      %get3A_1513 = vector.shape_cast %get3A_1512 : vector<16xi32> to vector<16xi32>
      %add3A_1514 = vector.broadcast %mul3A_1420 : i32 to vector<16xi32>
      %add3A_1515 = arith.addi %get3A_1513, %add3A_1514 : vector<16xi32>
      %swap3A_1516 = arith.constant 160 : index
      %swap3A_1517 = tpu.vector_load %arg11[%swap3A_1516] {strides = array<i32>} : memref<208xi32, #tpu.memory_space<vmem>>, vector<16xi32>,
      %swap3A_1518 = vector.shape_cast %swap3A_1517 : vector<16xi32> to vector<16xi32>
      %swap3A_1519 = vector.shape_cast %add3A_1515 : vector<16xi32> to vector<16xi32>
      tpu.vector_store %arg11[%swap3A_1516], %swap3A_1519 {strides = array<i32>} : memref<208xi32, #tpu.memory_space<vmem>>, vector<16xi32>,
      %get3A_1520 = arith.constant 176 : index
      %get3A_1521 = tpu.vector_load %arg8[%get3A_1520] {strides = array<i32>} : memref<208xi32, #tpu.memory_space<vmem>>, vector<16xi32>,
      %get3A_1522 = vector.shape_cast %get3A_1521 : vector<16xi32> to vector<16xi32>
      %add3A_1523 = vector.broadcast %mul3A_1420 : i32 to vector<16xi32>
      %add3A_1524 = arith.addi %get3A_1522, %add3A_1523 : vector<16xi32>
      %swap3A_1525 = arith.constant 176 : index
      %swap3A_1526 = tpu.vector_load %arg11[%swap3A_1525] {strides = array<i32>} : memref<208xi32, #tpu.memory_space<vmem>>, vector<16xi32>,
      %swap3A_1527 = vector.shape_cast %swap3A_1526 : vector<16xi32> to vector<16xi32>
      %swap3A_1528 = vector.shape_cast %add3A_1524 : vector<16xi32> to vector<16xi32>
      tpu.vector_store %arg11[%swap3A_1525], %swap3A_1528 {strides = array<i32>} : memref<208xi32, #tpu.memory_space<vmem>>, vector<16xi32>,
      %get3A_1529 = arith.constant 192 : index
      %get3A_1530 = tpu.vector_load %arg8[%get3A_1529] {strides = array<i32>} : memref<208xi32, #tpu.memory_space<vmem>>, vector<16xi32>,
      %get3A_1531 = vector.shape_cast %get3A_1530 : vector<16xi32> to vector<16xi32>
      %add3A_1532 = vector.broadcast %mul3A_1420 : i32 to vector<16xi32>
      %add3A_1533 = arith.addi %get3A_1531, %add3A_1532 : vector<16xi32>
      %swap3A_1534 = arith.constant 192 : index
      %swap3A_1535 = tpu.vector_load %arg11[%swap3A_1534] {strides = array<i32>} : memref<208xi32, #tpu.memory_space<vmem>>, vector<16xi32>,
      %swap3A_1536 = vector.shape_cast %swap3A_1535 : vector<16xi32> to vector<16xi32>
      %swap3A_1537 = vector.shape_cast %add3A_1533 : vector<16xi32> to vector<16xi32>
      tpu.vector_store %arg11[%swap3A_1534], %swap3A_1537 {strides = array<i32>} : memref<208xi32, #tpu.memory_space<vmem>>, vector<16xi32>,
      %dma_start3A_1538 = arith.constant 2 : i32
      %dma_start3A_1539 = arith.constant 0 : i32
      %dma_start3A_1540 = arith.constant 0 : i32
      %dma_start3A_1541 = tpu.memref_slice %arg14[%dma_start3A_1539, %dma_start3A_1540] : memref<200x128xf32, #tpu.memory_space<vmem>> -> memref<104x128xf32, #tpu.memory_space<vmem>>
      %dma_start3A_1542 = arith.constant 0 : i32
      %dma_start3A_1543 = tpu.memref_slice %arg11[%dma_start3A_1542] : memref<208xi32, #tpu.memory_space<vmem>> -> memref<104xi32, #tpu.memory_space<vmem>>
      %dma_start3A_1544 = arith.constant 0 : i32
      %dma_start3A_1545 = arith.constant 0 : i32
      %dma_start3A_1546 = tpu.memref_slice %arg16[%dma_start3A_1544, %dma_start3A_1545] : memref<5120x128xf32, #tpu.memory_space<vmem_shared>> -> memref<5120x128xf32, #tpu.memory_space<vmem_shared>>
      %dma_start3A_1547 = tpu.memref_slice %arg18[%dma_start3A_1538] : memref<3x!tpu.dma_semaphore, #tpu.memory_space<semaphore_mem>> -> memref<1x!tpu.dma_semaphore, #tpu.memory_space<semaphore_mem>>
      %dma_start3A_1548 = tpu.memref_squeeze %dma_start3A_1547 : memref<1x!tpu.dma_semaphore, #tpu.memory_space<semaphore_mem>> -> memref<!tpu.dma_semaphore, #tpu.memory_space<semaphore_mem>>
      tpu.enqueue_indirect_dma source(%dma_start3A_1546 : memref<5120x128xf32, #tpu.memory_space<vmem_shared>>) target(%dma_start3A_1541 : memref<104x128xf32, #tpu.memory_space<vmem>>) offsets(%dma_start3A_1543 : memref<104xi32, #tpu.memory_space<vmem>>) semaphore(%dma_start3A_1548 : memref<!tpu.dma_semaphore, #tpu.memory_space<semaphore_mem>>)
      %dma_start3A_1549 = arith.constant 2 : i32
      %dma_start3A_1550 = arith.constant 104 : i32
      %dma_start3A_1551 = arith.constant 0 : i32
      %dma_start3A_1552 = tpu.memref_slice %arg14[%dma_start3A_1550, %dma_start3A_1551] : memref<200x128xf32, #tpu.memory_space<vmem>> -> memref<96x128xf32, #tpu.memory_space<vmem>>
      %dma_start3A_1553 = arith.constant 104 : i32
      %dma_start3A_1554 = tpu.memref_slice %arg11[%dma_start3A_1553] : memref<208xi32, #tpu.memory_space<vmem>> -> memref<96xi32, #tpu.memory_space<vmem>>
      %dma_start3A_1555 = arith.constant 0 : i32
      %dma_start3A_1556 = arith.constant 0 : i32
      %dma_start3A_1557 = tpu.memref_slice %arg16[%dma_start3A_1555, %dma_start3A_1556] : memref<5120x128xf32, #tpu.memory_space<vmem_shared>> -> memref<5120x128xf32, #tpu.memory_space<vmem_shared>>
      %dma_start3A_1558 = tpu.memref_slice %arg18[%dma_start3A_1549] : memref<3x!tpu.dma_semaphore, #tpu.memory_space<semaphore_mem>> -> memref<1x!tpu.dma_semaphore, #tpu.memory_space<semaphore_mem>>
      %dma_start3A_1559 = tpu.memref_squeeze %dma_start3A_1558 : memref<1x!tpu.dma_semaphore, #tpu.memory_space<semaphore_mem>> -> memref<!tpu.dma_semaphore, #tpu.memory_space<semaphore_mem>>
      tpu.enqueue_indirect_dma source(%dma_start3A_1557 : memref<5120x128xf32, #tpu.memory_space<vmem_shared>>) target(%dma_start3A_1552 : memref<96x128xf32, #tpu.memory_space<vmem>>) offsets(%dma_start3A_1554 : memref<96xi32, #tpu.memory_space<vmem>>) semaphore(%dma_start3A_1559 : memref<!tpu.dma_semaphore, #tpu.memory_space<semaphore_mem>>)
      %dma_wait3A_1560 = arith.constant 1 : i32
      %dma_wait3A_1561 = arith.constant 0 : i32
      %dma_wait3A_1562 = arith.constant 0 : i32
      %dma_wait3A_1563 = tpu.memref_slice %arg2[%dma_wait3A_1561, %dma_wait3A_1562] : memref<5120x128xf32, #tpu.memory_space<hbm>> -> memref<200x128xf32, #tpu.memory_space<hbm>>
      %dma_wait3A_1564 = tpu.memref_slice %arg18[%dma_wait3A_1560] : memref<3x!tpu.dma_semaphore, #tpu.memory_space<semaphore_mem>> -> memref<1x!tpu.dma_semaphore, #tpu.memory_space<semaphore_mem>>
      %dma_wait3A_1565 = tpu.memref_squeeze %dma_wait3A_1564 : memref<1x!tpu.dma_semaphore, #tpu.memory_space<semaphore_mem>> -> memref<!tpu.dma_semaphore, #tpu.memory_space<semaphore_mem>>
      %dma_wait3A_1566 = arith.constant 0 : i32
      %dma_wait3A_1567 = arith.constant 0 : i32
      %dma_wait3A_1568 = tpu.memref_slice %arg2[%dma_wait3A_1566, %dma_wait3A_1567] : memref<5120x128xf32, #tpu.memory_space<hbm>> -> memref<200x128xf32, #tpu.memory_space<hbm>>
      tpu.wait_dma2 semaphore(%dma_wait3A_1565 : memref<!tpu.dma_semaphore, #tpu.memory_space<semaphore_mem>>) src(%dma_wait3A_1568 : memref<200x128xf32, #tpu.memory_space<hbm>>) dst(%arg13 : memref<200x128xf32, #tpu.memory_space<vmem>>)
      %mul3A_1569 = arith.constant 200 : i32
      %mul3A_1570 = arith.muli %add3A_1381, %mul3A_1569 : i32
      %add3A_1571 = arith.addi %mul3A_2, %mul3A_1570 : i32
      %dma_start3A_1572 = arith.constant 1 : i32
      %dma_start3A_1573 = arith.constant 0 : i32
      %dma_start3A_1574 = tpu.memref_slice %arg5[%add3A_1571, %dma_start3A_1573] : memref<3276800x128xf32, #tpu.memory_space<hbm>> -> memref<200x128xf32, #tpu.memory_space<hbm>>
      %dma_start3A_1575 = tpu.memref_slice %arg19[%dma_start3A_1572] : memref<3x!tpu.dma_semaphore, #tpu.memory_space<semaphore_mem>> -> memref<1x!tpu.dma_semaphore, #tpu.memory_space<semaphore_mem>>
      %dma_start3A_1576 = tpu.memref_squeeze %dma_start3A_1575 : memref<1x!tpu.dma_semaphore, #tpu.memory_space<semaphore_mem>> -> memref<!tpu.dma_semaphore, #tpu.memory_space<semaphore_mem>>
      %dma_start3A_1577 = arith.constant 0 : i32
      %dma_start3A_1578 = tpu.memref_slice %arg5[%add3A_1571, %dma_start3A_1577] : memref<3276800x128xf32, #tpu.memory_space<hbm>> -> memref<200x128xf32, #tpu.memory_space<hbm>>
      tpu.enqueue_dma source(%arg13 : memref<200x128xf32, #tpu.memory_space<vmem>>) target(%dma_start3A_1578 : memref<200x128xf32, #tpu.memory_space<hbm>>) target_semaphore(%dma_start3A_1576 : memref<!tpu.dma_semaphore, #tpu.memory_space<semaphore_mem>>)
    }
    %scan3A_552 = arith.constant 169 : i32
    %add3A_553 = arith.constant 101400 : i32
    %add3A_554 = arith.addi %mul3A_2, %add3A_553 : i32
    %dma_wait3A_555 = arith.constant 0 : i32
    %dma_wait3A_556 = arith.constant 0 : i32
    %dma_wait3A_557 = tpu.memref_slice %arg5[%add3A_554, %dma_wait3A_556] : memref<3276800x128xf32, #tpu.memory_space<hbm>> -> memref<200x128xf32, #tpu.memory_space<hbm>>
    %dma_wait3A_558 = tpu.memref_slice %arg19[%dma_wait3A_555] : memref<3x!tpu.dma_semaphore, #tpu.memory_space<semaphore_mem>> -> memref<1x!tpu.dma_semaphore, #tpu.memory_space<semaphore_mem>>
    %dma_wait3A_559 = tpu.memref_squeeze %dma_wait3A_558 : memref<1x!tpu.dma_semaphore, #tpu.memory_space<semaphore_mem>> -> memref<!tpu.dma_semaphore, #tpu.memory_space<semaphore_mem>>
    %dma_wait3A_560 = arith.constant 0 : i32
    %dma_wait3A_561 = tpu.memref_slice %arg5[%add3A_554, %dma_wait3A_560] : memref<3276800x128xf32, #tpu.memory_space<hbm>> -> memref<200x128xf32, #tpu.memory_space<hbm>>
    tpu.wait_dma2 semaphore(%dma_wait3A_559 : memref<!tpu.dma_semaphore, #tpu.memory_space<semaphore_mem>>) src(%arg12 : memref<200x128xf32, #tpu.memory_space<vmem>>) dst(%dma_wait3A_561 : memref<200x128xf32, #tpu.memory_space<hbm>>)
    %dma_wait3A_562 = arith.constant 0 : i32
    %dma_wait3A_563 = arith.constant 0 : i32
    %dma_wait3A_564 = tpu.memref_slice %arg6[%dma_wait3A_563] : memref<208xi32, #tpu.memory_space<vmem>> -> memref<200xi32, #tpu.memory_space<vmem>>
    %dma_wait3A_565 = tpu.memref_slice %arg3[%mul3A_2] : memref<3276800xi32, #tpu.memory_space<hbm>> -> memref<200xi32, #tpu.memory_space<hbm>>
    %dma_wait3A_566 = tpu.memref_slice %arg17[%dma_wait3A_562] : memref<3x!tpu.dma_semaphore, #tpu.memory_space<semaphore_mem>> -> memref<1x!tpu.dma_semaphore, #tpu.memory_space<semaphore_mem>>
    %dma_wait3A_567 = tpu.memref_squeeze %dma_wait3A_566 : memref<1x!tpu.dma_semaphore, #tpu.memory_space<semaphore_mem>> -> memref<!tpu.dma_semaphore, #tpu.memory_space<semaphore_mem>>
    %dma_wait3A_568 = arith.constant 0 : i32
    %dma_wait3A_569 = tpu.memref_slice %arg6[%dma_wait3A_568] : memref<208xi32, #tpu.memory_space<vmem>> -> memref<200xi32, #tpu.memory_space<vmem>>
    %dma_wait3A_570 = tpu.memref_slice %arg3[%mul3A_2] : memref<3276800xi32, #tpu.memory_space<hbm>> -> memref<200xi32, #tpu.memory_space<hbm>>
    tpu.wait_dma2 semaphore(%dma_wait3A_567 : memref<!tpu.dma_semaphore, #tpu.memory_space<semaphore_mem>>) src(%dma_wait3A_570 : memref<200xi32, #tpu.memory_space<hbm>>) dst(%dma_wait3A_569 : memref<200xi32, #tpu.memory_space<vmem>>)
    %add3A_571 = arith.constant 102200 : i32
    %add3A_572 = arith.addi %mul3A_2, %add3A_571 : i32
    %dma_start3A_573 = arith.constant 1 : i32
    %dma_start3A_574 = arith.constant 0 : i32
    %dma_start3A_575 = tpu.memref_slice %arg7[%dma_start3A_574] : memref<208xi32, #tpu.memory_space<vmem>> -> memref<200xi32, #tpu.memory_space<vmem>>
    %dma_start3A_576 = tpu.memref_slice %arg3[%add3A_572] : memref<3276800xi32, #tpu.memory_space<hbm>> -> memref<200xi32, #tpu.memory_space<hbm>>
    %dma_start3A_577 = tpu.memref_slice %arg17[%dma_start3A_573] : memref<3x!tpu.dma_semaphore, #tpu.memory_space<semaphore_mem>> -> memref<1x!tpu.dma_semaphore, #tpu.memory_space<semaphore_mem>>
    %dma_start3A_578 = tpu.memref_squeeze %dma_start3A_577 : memref<1x!tpu.dma_semaphore, #tpu.memory_space<semaphore_mem>> -> memref<!tpu.dma_semaphore, #tpu.memory_space<semaphore_mem>>
    %dma_start3A_579 = arith.constant 0 : i32
    %dma_start3A_580 = tpu.memref_slice %arg7[%dma_start3A_579] : memref<208xi32, #tpu.memory_space<vmem>> -> memref<200xi32, #tpu.memory_space<vmem>>
    %dma_start3A_581 = tpu.memref_slice %arg3[%add3A_572] : memref<3276800xi32, #tpu.memory_space<hbm>> -> memref<200xi32, #tpu.memory_space<hbm>>
    tpu.enqueue_dma source(%dma_start3A_581 : memref<200xi32, #tpu.memory_space<hbm>>) target(%dma_start3A_580 : memref<200xi32, #tpu.memory_space<vmem>>) target_semaphore(%dma_start3A_578 : memref<!tpu.dma_semaphore, #tpu.memory_space<semaphore_mem>>)
    %get3A_582 = arith.constant 510 : index
    %get3A_583 = tpu.vector_load %arg15[%get3A_582] {strides = array<i32>} : memref<528xi32, #tpu.memory_space<vmem>>, vector<16xi32>,
    %get3A_584 = vector.shape_cast %get3A_583 : vector<16xi32> to vector<16xi32>
    %slice3A_585 = vector.extract_strided_slice %get3A_584 {offsets = [0], sizes = [1], strides = [1]} : vector<16xi32> to vector<1xi32>
    %squeeze3A_586 = vector.extract %slice3A_585[0] : i32 from vector<1xi32>
    %mul3A_587 = arith.constant 512 : i32
    %mul3A_588 = arith.muli %squeeze3A_586, %mul3A_587 : i32
    %get3A_589 = arith.constant 0 : index
    %get3A_590 = tpu.vector_load %arg6[%get3A_589] {strides = array<i32>} : memref<208xi32, #tpu.memory_space<vmem>>, vector<16xi32>,
    %get3A_591 = vector.shape_cast %get3A_590 : vector<16xi32> to vector<16xi32>
    %add3A_592 = vector.broadcast %mul3A_588 : i32 to vector<16xi32>
    %add3A_593 = arith.addi %get3A_591, %add3A_592 : vector<16xi32>
    %swap3A_594 = arith.constant 0 : index
    %swap3A_595 = tpu.vector_load %arg9[%swap3A_594] {strides = array<i32>} : memref<208xi32, #tpu.memory_space<vmem>>, vector<16xi32>,
    %swap3A_596 = vector.shape_cast %swap3A_595 : vector<16xi32> to vector<16xi32>
    %swap3A_597 = vector.shape_cast %add3A_593 : vector<16xi32> to vector<16xi32>
    tpu.vector_store %arg9[%swap3A_594], %swap3A_597 {strides = array<i32>} : memref<208xi32, #tpu.memory_space<vmem>>, vector<16xi32>,
    %get3A_598 = arith.constant 16 : index
    %get3A_599 = tpu.vector_load %arg6[%get3A_598] {strides = array<i32>} : memref<208xi32, #tpu.memory_space<vmem>>, vector<16xi32>,
    %get3A_600 = vector.shape_cast %get3A_599 : vector<16xi32> to vector<16xi32>
    %add3A_601 = vector.broadcast %mul3A_588 : i32 to vector<16xi32>
    %add3A_602 = arith.addi %get3A_600, %add3A_601 : vector<16xi32>
    %swap3A_603 = arith.constant 16 : index
    %swap3A_604 = tpu.vector_load %arg9[%swap3A_603] {strides = array<i32>} : memref<208xi32, #tpu.memory_space<vmem>>, vector<16xi32>,
    %swap3A_605 = vector.shape_cast %swap3A_604 : vector<16xi32> to vector<16xi32>
    %swap3A_606 = vector.shape_cast %add3A_602 : vector<16xi32> to vector<16xi32>
    tpu.vector_store %arg9[%swap3A_603], %swap3A_606 {strides = array<i32>} : memref<208xi32, #tpu.memory_space<vmem>>, vector<16xi32>,
    %get3A_607 = arith.constant 32 : index
    %get3A_608 = tpu.vector_load %arg6[%get3A_607] {strides = array<i32>} : memref<208xi32, #tpu.memory_space<vmem>>, vector<16xi32>,
    %get3A_609 = vector.shape_cast %get3A_608 : vector<16xi32> to vector<16xi32>
    %add3A_610 = vector.broadcast %mul3A_588 : i32 to vector<16xi32>
    %add3A_611 = arith.addi %get3A_609, %add3A_610 : vector<16xi32>
    %swap3A_612 = arith.constant 32 : index
    %swap3A_613 = tpu.vector_load %arg9[%swap3A_612] {strides = array<i32>} : memref<208xi32, #tpu.memory_space<vmem>>, vector<16xi32>,
    %swap3A_614 = vector.shape_cast %swap3A_613 : vector<16xi32> to vector<16xi32>
    %swap3A_615 = vector.shape_cast %add3A_611 : vector<16xi32> to vector<16xi32>
    tpu.vector_store %arg9[%swap3A_612], %swap3A_615 {strides = array<i32>} : memref<208xi32, #tpu.memory_space<vmem>>, vector<16xi32>,
    %get3A_616 = arith.constant 48 : index
    %get3A_617 = tpu.vector_load %arg6[%get3A_616] {strides = array<i32>} : memref<208xi32, #tpu.memory_space<vmem>>, vector<16xi32>,
    %get3A_618 = vector.shape_cast %get3A_617 : vector<16xi32> to vector<16xi32>
    %add3A_619 = vector.broadcast %mul3A_588 : i32 to vector<16xi32>
    %add3A_620 = arith.addi %get3A_618, %add3A_619 : vector<16xi32>
    %swap3A_621 = arith.constant 48 : index
    %swap3A_622 = tpu.vector_load %arg9[%swap3A_621] {strides = array<i32>} : memref<208xi32, #tpu.memory_space<vmem>>, vector<16xi32>,
    %swap3A_623 = vector.shape_cast %swap3A_622 : vector<16xi32> to vector<16xi32>
    %swap3A_624 = vector.shape_cast %add3A_620 : vector<16xi32> to vector<16xi32>
    tpu.vector_store %arg9[%swap3A_621], %swap3A_624 {strides = array<i32>} : memref<208xi32, #tpu.memory_space<vmem>>, vector<16xi32>,
    %get3A_625 = arith.constant 64 : index
    %get3A_626 = tpu.vector_load %arg6[%get3A_625] {strides = array<i32>} : memref<208xi32, #tpu.memory_space<vmem>>, vector<16xi32>,
    %get3A_627 = vector.shape_cast %get3A_626 : vector<16xi32> to vector<16xi32>
    %add3A_628 = vector.broadcast %mul3A_588 : i32 to vector<16xi32>
    %add3A_629 = arith.addi %get3A_627, %add3A_628 : vector<16xi32>
    %swap3A_630 = arith.constant 64 : index
    %swap3A_631 = tpu.vector_load %arg9[%swap3A_630] {strides = array<i32>} : memref<208xi32, #tpu.memory_space<vmem>>, vector<16xi32>,
    %swap3A_632 = vector.shape_cast %swap3A_631 : vector<16xi32> to vector<16xi32>
    %swap3A_633 = vector.shape_cast %add3A_629 : vector<16xi32> to vector<16xi32>
    tpu.vector_store %arg9[%swap3A_630], %swap3A_633 {strides = array<i32>} : memref<208xi32, #tpu.memory_space<vmem>>, vector<16xi32>,
    %get3A_634 = arith.constant 80 : index
    %get3A_635 = tpu.vector_load %arg6[%get3A_634] {strides = array<i32>} : memref<208xi32, #tpu.memory_space<vmem>>, vector<16xi32>,
    %get3A_636 = vector.shape_cast %get3A_635 : vector<16xi32> to vector<16xi32>
    %add3A_637 = vector.broadcast %mul3A_588 : i32 to vector<16xi32>
    %add3A_638 = arith.addi %get3A_636, %add3A_637 : vector<16xi32>
    %swap3A_639 = arith.constant 80 : index
    %swap3A_640 = tpu.vector_load %arg9[%swap3A_639] {strides = array<i32>} : memref<208xi32, #tpu.memory_space<vmem>>, vector<16xi32>,
    %swap3A_641 = vector.shape_cast %swap3A_640 : vector<16xi32> to vector<16xi32>
    %swap3A_642 = vector.shape_cast %add3A_638 : vector<16xi32> to vector<16xi32>
    tpu.vector_store %arg9[%swap3A_639], %swap3A_642 {strides = array<i32>} : memref<208xi32, #tpu.memory_space<vmem>>, vector<16xi32>,
    %get3A_643 = arith.constant 96 : index
    %get3A_644 = tpu.vector_load %arg6[%get3A_643] {strides = array<i32>} : memref<208xi32, #tpu.memory_space<vmem>>, vector<16xi32>,
    %get3A_645 = vector.shape_cast %get3A_644 : vector<16xi32> to vector<16xi32>
    %add3A_646 = vector.broadcast %mul3A_588 : i32 to vector<16xi32>
    %add3A_647 = arith.addi %get3A_645, %add3A_646 : vector<16xi32>
    %swap3A_648 = arith.constant 96 : index
    %swap3A_649 = tpu.vector_load %arg9[%swap3A_648] {strides = array<i32>} : memref<208xi32, #tpu.memory_space<vmem>>, vector<16xi32>,
    %swap3A_650 = vector.shape_cast %swap3A_649 : vector<16xi32> to vector<16xi32>
    %swap3A_651 = vector.shape_cast %add3A_647 : vector<16xi32> to vector<16xi32>
    tpu.vector_store %arg9[%swap3A_648], %swap3A_651 {strides = array<i32>} : memref<208xi32, #tpu.memory_space<vmem>>, vector<16xi32>,
    %get3A_652 = arith.constant 112 : index
    %get3A_653 = tpu.vector_load %arg6[%get3A_652] {strides = array<i32>} : memref<208xi32, #tpu.memory_space<vmem>>, vector<16xi32>,
    %get3A_654 = vector.shape_cast %get3A_653 : vector<16xi32> to vector<16xi32>
    %add3A_655 = vector.broadcast %mul3A_588 : i32 to vector<16xi32>
    %add3A_656 = arith.addi %get3A_654, %add3A_655 : vector<16xi32>
    %swap3A_657 = arith.constant 112 : index
    %swap3A_658 = tpu.vector_load %arg9[%swap3A_657] {strides = array<i32>} : memref<208xi32, #tpu.memory_space<vmem>>, vector<16xi32>,
    %swap3A_659 = vector.shape_cast %swap3A_658 : vector<16xi32> to vector<16xi32>
    %swap3A_660 = vector.shape_cast %add3A_656 : vector<16xi32> to vector<16xi32>
    tpu.vector_store %arg9[%swap3A_657], %swap3A_660 {strides = array<i32>} : memref<208xi32, #tpu.memory_space<vmem>>, vector<16xi32>,
    %get3A_661 = arith.constant 128 : index
    %get3A_662 = tpu.vector_load %arg6[%get3A_661] {strides = array<i32>} : memref<208xi32, #tpu.memory_space<vmem>>, vector<16xi32>,
    %get3A_663 = vector.shape_cast %get3A_662 : vector<16xi32> to vector<16xi32>
    %add3A_664 = vector.broadcast %mul3A_588 : i32 to vector<16xi32>
    %add3A_665 = arith.addi %get3A_663, %add3A_664 : vector<16xi32>
    %swap3A_666 = arith.constant 128 : index
    %swap3A_667 = tpu.vector_load %arg9[%swap3A_666] {strides = array<i32>} : memref<208xi32, #tpu.memory_space<vmem>>, vector<16xi32>,
    %swap3A_668 = vector.shape_cast %swap3A_667 : vector<16xi32> to vector<16xi32>
    %swap3A_669 = vector.shape_cast %add3A_665 : vector<16xi32> to vector<16xi32>
    tpu.vector_store %arg9[%swap3A_666], %swap3A_669 {strides = array<i32>} : memref<208xi32, #tpu.memory_space<vmem>>, vector<16xi32>,
    %get3A_670 = arith.constant 144 : index
    %get3A_671 = tpu.vector_load %arg6[%get3A_670] {strides = array<i32>} : memref<208xi32, #tpu.memory_space<vmem>>, vector<16xi32>,
    %get3A_672 = vector.shape_cast %get3A_671 : vector<16xi32> to vector<16xi32>
    %add3A_673 = vector.broadcast %mul3A_588 : i32 to vector<16xi32>
    %add3A_674 = arith.addi %get3A_672, %add3A_673 : vector<16xi32>
    %swap3A_675 = arith.constant 144 : index
    %swap3A_676 = tpu.vector_load %arg9[%swap3A_675] {strides = array<i32>} : memref<208xi32, #tpu.memory_space<vmem>>, vector<16xi32>,
    %swap3A_677 = vector.shape_cast %swap3A_676 : vector<16xi32> to vector<16xi32>
    %swap3A_678 = vector.shape_cast %add3A_674 : vector<16xi32> to vector<16xi32>
    tpu.vector_store %arg9[%swap3A_675], %swap3A_678 {strides = array<i32>} : memref<208xi32, #tpu.memory_space<vmem>>, vector<16xi32>,
    %get3A_679 = arith.constant 160 : index
    %get3A_680 = tpu.vector_load %arg6[%get3A_679] {strides = array<i32>} : memref<208xi32, #tpu.memory_space<vmem>>, vector<16xi32>,
    %get3A_681 = vector.shape_cast %get3A_680 : vector<16xi32> to vector<16xi32>
    %add3A_682 = vector.broadcast %mul3A_588 : i32 to vector<16xi32>
    %add3A_683 = arith.addi %get3A_681, %add3A_682 : vector<16xi32>
    %swap3A_684 = arith.constant 160 : index
    %swap3A_685 = tpu.vector_load %arg9[%swap3A_684] {strides = array<i32>} : memref<208xi32, #tpu.memory_space<vmem>>, vector<16xi32>,
    %swap3A_686 = vector.shape_cast %swap3A_685 : vector<16xi32> to vector<16xi32>
    %swap3A_687 = vector.shape_cast %add3A_683 : vector<16xi32> to vector<16xi32>
    tpu.vector_store %arg9[%swap3A_684], %swap3A_687 {strides = array<i32>} : memref<208xi32, #tpu.memory_space<vmem>>, vector<16xi32>,
    %get3A_688 = arith.constant 176 : index
    %get3A_689 = tpu.vector_load %arg6[%get3A_688] {strides = array<i32>} : memref<208xi32, #tpu.memory_space<vmem>>, vector<16xi32>,
    %get3A_690 = vector.shape_cast %get3A_689 : vector<16xi32> to vector<16xi32>
    %add3A_691 = vector.broadcast %mul3A_588 : i32 to vector<16xi32>
    %add3A_692 = arith.addi %get3A_690, %add3A_691 : vector<16xi32>
    %swap3A_693 = arith.constant 176 : index
    %swap3A_694 = tpu.vector_load %arg9[%swap3A_693] {strides = array<i32>} : memref<208xi32, #tpu.memory_space<vmem>>, vector<16xi32>,
    %swap3A_695 = vector.shape_cast %swap3A_694 : vector<16xi32> to vector<16xi32>
    %swap3A_696 = vector.shape_cast %add3A_692 : vector<16xi32> to vector<16xi32>
    tpu.vector_store %arg9[%swap3A_693], %swap3A_696 {strides = array<i32>} : memref<208xi32, #tpu.memory_space<vmem>>, vector<16xi32>,
    %get3A_697 = arith.constant 192 : index
    %get3A_698 = tpu.vector_load %arg6[%get3A_697] {strides = array<i32>} : memref<208xi32, #tpu.memory_space<vmem>>, vector<16xi32>,
    %get3A_699 = vector.shape_cast %get3A_698 : vector<16xi32> to vector<16xi32>
    %add3A_700 = vector.broadcast %mul3A_588 : i32 to vector<16xi32>
    %add3A_701 = arith.addi %get3A_699, %add3A_700 : vector<16xi32>
    %swap3A_702 = arith.constant 192 : index
    %swap3A_703 = tpu.vector_load %arg9[%swap3A_702] {strides = array<i32>} : memref<208xi32, #tpu.memory_space<vmem>>, vector<16xi32>,
    %swap3A_704 = vector.shape_cast %swap3A_703 : vector<16xi32> to vector<16xi32>
    %swap3A_705 = vector.shape_cast %add3A_701 : vector<16xi32> to vector<16xi32>
    tpu.vector_store %arg9[%swap3A_702], %swap3A_705 {strides = array<i32>} : memref<208xi32, #tpu.memory_space<vmem>>, vector<16xi32>,
    %dma_start3A_706 = arith.constant 0 : i32
    %dma_start3A_707 = arith.constant 0 : i32
    %dma_start3A_708 = arith.constant 0 : i32
    %dma_start3A_709 = tpu.memref_slice %arg12[%dma_start3A_707, %dma_start3A_708] : memref<200x128xf32, #tpu.memory_space<vmem>> -> memref<104x128xf32, #tpu.memory_space<vmem>>
    %dma_start3A_710 = arith.constant 0 : i32
    %dma_start3A_711 = tpu.memref_slice %arg9[%dma_start3A_710] : memref<208xi32, #tpu.memory_space<vmem>> -> memref<104xi32, #tpu.memory_space<vmem>>
    %dma_start3A_712 = arith.constant 0 : i32
    %dma_start3A_713 = arith.constant 0 : i32
    %dma_start3A_714 = tpu.memref_slice %arg16[%dma_start3A_712, %dma_start3A_713] : memref<5120x128xf32, #tpu.memory_space<vmem_shared>> -> memref<5120x128xf32, #tpu.memory_space<vmem_shared>>
    %dma_start3A_715 = tpu.memref_slice %arg18[%dma_start3A_706] : memref<3x!tpu.dma_semaphore, #tpu.memory_space<semaphore_mem>> -> memref<1x!tpu.dma_semaphore, #tpu.memory_space<semaphore_mem>>
    %dma_start3A_716 = tpu.memref_squeeze %dma_start3A_715 : memref<1x!tpu.dma_semaphore, #tpu.memory_space<semaphore_mem>> -> memref<!tpu.dma_semaphore, #tpu.memory_space<semaphore_mem>>
    tpu.enqueue_indirect_dma source(%dma_start3A_714 : memref<5120x128xf32, #tpu.memory_space<vmem_shared>>) target(%dma_start3A_709 : memref<104x128xf32, #tpu.memory_space<vmem>>) offsets(%dma_start3A_711 : memref<104xi32, #tpu.memory_space<vmem>>) semaphore(%dma_start3A_716 : memref<!tpu.dma_semaphore, #tpu.memory_space<semaphore_mem>>)
    %dma_start3A_717 = arith.constant 0 : i32
    %dma_start3A_718 = arith.constant 104 : i32
    %dma_start3A_719 = arith.constant 0 : i32
    %dma_start3A_720 = tpu.memref_slice %arg12[%dma_start3A_718, %dma_start3A_719] : memref<200x128xf32, #tpu.memory_space<vmem>> -> memref<96x128xf32, #tpu.memory_space<vmem>>
    %dma_start3A_721 = arith.constant 104 : i32
    %dma_start3A_722 = tpu.memref_slice %arg9[%dma_start3A_721] : memref<208xi32, #tpu.memory_space<vmem>> -> memref<96xi32, #tpu.memory_space<vmem>>
    %dma_start3A_723 = arith.constant 0 : i32
    %dma_start3A_724 = arith.constant 0 : i32
    %dma_start3A_725 = tpu.memref_slice %arg16[%dma_start3A_723, %dma_start3A_724] : memref<5120x128xf32, #tpu.memory_space<vmem_shared>> -> memref<5120x128xf32, #tpu.memory_space<vmem_shared>>
    %dma_start3A_726 = tpu.memref_slice %arg18[%dma_start3A_717] : memref<3x!tpu.dma_semaphore, #tpu.memory_space<semaphore_mem>> -> memref<1x!tpu.dma_semaphore, #tpu.memory_space<semaphore_mem>>
    %dma_start3A_727 = tpu.memref_squeeze %dma_start3A_726 : memref<1x!tpu.dma_semaphore, #tpu.memory_space<semaphore_mem>> -> memref<!tpu.dma_semaphore, #tpu.memory_space<semaphore_mem>>
    tpu.enqueue_indirect_dma source(%dma_start3A_725 : memref<5120x128xf32, #tpu.memory_space<vmem_shared>>) target(%dma_start3A_720 : memref<96x128xf32, #tpu.memory_space<vmem>>) offsets(%dma_start3A_722 : memref<96xi32, #tpu.memory_space<vmem>>) semaphore(%dma_start3A_727 : memref<!tpu.dma_semaphore, #tpu.memory_space<semaphore_mem>>)
    %dma_wait3A_728 = arith.constant 2 : i32
    %dma_wait3A_729 = arith.constant 0 : i32
    %dma_wait3A_730 = arith.constant 0 : i32
    %dma_wait3A_731 = tpu.memref_slice %arg2[%dma_wait3A_729, %dma_wait3A_730] : memref<5120x128xf32, #tpu.memory_space<hbm>> -> memref<200x128xf32, #tpu.memory_space<hbm>>
    %dma_wait3A_732 = tpu.memref_slice %arg18[%dma_wait3A_728] : memref<3x!tpu.dma_semaphore, #tpu.memory_space<semaphore_mem>> -> memref<1x!tpu.dma_semaphore, #tpu.memory_space<semaphore_mem>>
    %dma_wait3A_733 = tpu.memref_squeeze %dma_wait3A_732 : memref<1x!tpu.dma_semaphore, #tpu.memory_space<semaphore_mem>> -> memref<!tpu.dma_semaphore, #tpu.memory_space<semaphore_mem>>
    %dma_wait3A_734 = arith.constant 0 : i32
    %dma_wait3A_735 = arith.constant 0 : i32
    %dma_wait3A_736 = tpu.memref_slice %arg2[%dma_wait3A_734, %dma_wait3A_735] : memref<5120x128xf32, #tpu.memory_space<hbm>> -> memref<200x128xf32, #tpu.memory_space<hbm>>
    tpu.wait_dma2 semaphore(%dma_wait3A_733 : memref<!tpu.dma_semaphore, #tpu.memory_space<semaphore_mem>>) src(%dma_wait3A_736 : memref<200x128xf32, #tpu.memory_space<hbm>>) dst(%arg14 : memref<200x128xf32, #tpu.memory_space<vmem>>)
    %add3A_737 = arith.constant 101800 : i32
    %add3A_738 = arith.addi %mul3A_2, %add3A_737 : i32
    %dma_start3A_739 = arith.constant 2 : i32
    %dma_start3A_740 = arith.constant 0 : i32
    %dma_start3A_741 = tpu.memref_slice %arg5[%add3A_738, %dma_start3A_740] : memref<3276800x128xf32, #tpu.memory_space<hbm>> -> memref<200x128xf32, #tpu.memory_space<hbm>>
    %dma_start3A_742 = tpu.memref_slice %arg19[%dma_start3A_739] : memref<3x!tpu.dma_semaphore, #tpu.memory_space<semaphore_mem>> -> memref<1x!tpu.dma_semaphore, #tpu.memory_space<semaphore_mem>>
    %dma_start3A_743 = tpu.memref_squeeze %dma_start3A_742 : memref<1x!tpu.dma_semaphore, #tpu.memory_space<semaphore_mem>> -> memref<!tpu.dma_semaphore, #tpu.memory_space<semaphore_mem>>
    %dma_start3A_744 = arith.constant 0 : i32
    %dma_start3A_745 = tpu.memref_slice %arg5[%add3A_738, %dma_start3A_744] : memref<3276800x128xf32, #tpu.memory_space<hbm>> -> memref<200x128xf32, #tpu.memory_space<hbm>>
    tpu.enqueue_dma source(%arg14 : memref<200x128xf32, #tpu.memory_space<vmem>>) target(%dma_start3A_745 : memref<200x128xf32, #tpu.memory_space<hbm>>) target_semaphore(%dma_start3A_743 : memref<!tpu.dma_semaphore, #tpu.memory_space<semaphore_mem>>)
    %add3A_746 = arith.constant 101600 : i32
    %add3A_747 = arith.addi %mul3A_2, %add3A_746 : i32
    %dma_wait3A_748 = arith.constant 1 : i32
    %dma_wait3A_749 = arith.constant 0 : i32
    %dma_wait3A_750 = tpu.memref_slice %arg5[%add3A_747, %dma_wait3A_749] : memref<3276800x128xf32, #tpu.memory_space<hbm>> -> memref<200x128xf32, #tpu.memory_space<hbm>>
    %dma_wait3A_751 = tpu.memref_slice %arg19[%dma_wait3A_748] : memref<3x!tpu.dma_semaphore, #tpu.memory_space<semaphore_mem>> -> memref<1x!tpu.dma_semaphore, #tpu.memory_space<semaphore_mem>>
    %dma_wait3A_752 = tpu.memref_squeeze %dma_wait3A_751 : memref<1x!tpu.dma_semaphore, #tpu.memory_space<semaphore_mem>> -> memref<!tpu.dma_semaphore, #tpu.memory_space<semaphore_mem>>
    %dma_wait3A_753 = arith.constant 0 : i32
    %dma_wait3A_754 = tpu.memref_slice %arg5[%add3A_747, %dma_wait3A_753] : memref<3276800x128xf32, #tpu.memory_space<hbm>> -> memref<200x128xf32, #tpu.memory_space<hbm>>
    tpu.wait_dma2 semaphore(%dma_wait3A_752 : memref<!tpu.dma_semaphore, #tpu.memory_space<semaphore_mem>>) src(%arg13 : memref<200x128xf32, #tpu.memory_space<vmem>>) dst(%dma_wait3A_754 : memref<200x128xf32, #tpu.memory_space<hbm>>)
    %dma_wait3A_755 = arith.constant 1 : i32
    %dma_wait3A_756 = arith.constant 0 : i32
    %dma_wait3A_757 = tpu.memref_slice %arg7[%dma_wait3A_756] : memref<208xi32, #tpu.memory_space<vmem>> -> memref<200xi32, #tpu.memory_space<vmem>>
    %dma_wait3A_758 = tpu.memref_slice %arg3[%mul3A_2] : memref<3276800xi32, #tpu.memory_space<hbm>> -> memref<200xi32, #tpu.memory_space<hbm>>
    %dma_wait3A_759 = tpu.memref_slice %arg17[%dma_wait3A_755] : memref<3x!tpu.dma_semaphore, #tpu.memory_space<semaphore_mem>> -> memref<1x!tpu.dma_semaphore, #tpu.memory_space<semaphore_mem>>
    %dma_wait3A_760 = tpu.memref_squeeze %dma_wait3A_759 : memref<1x!tpu.dma_semaphore, #tpu.memory_space<semaphore_mem>> -> memref<!tpu.dma_semaphore, #tpu.memory_space<semaphore_mem>>
    %dma_wait3A_761 = arith.constant 0 : i32
    %dma_wait3A_762 = tpu.memref_slice %arg7[%dma_wait3A_761] : memref<208xi32, #tpu.memory_space<vmem>> -> memref<200xi32, #tpu.memory_space<vmem>>
    %dma_wait3A_763 = tpu.memref_slice %arg3[%mul3A_2] : memref<3276800xi32, #tpu.memory_space<hbm>> -> memref<200xi32, #tpu.memory_space<hbm>>
    tpu.wait_dma2 semaphore(%dma_wait3A_760 : memref<!tpu.dma_semaphore, #tpu.memory_space<semaphore_mem>>) src(%dma_wait3A_763 : memref<200xi32, #tpu.memory_space<hbm>>) dst(%dma_wait3A_762 : memref<200xi32, #tpu.memory_space<vmem>>)
    %get3A_764 = arith.constant 511 : index
    %get3A_765 = tpu.vector_load %arg15[%get3A_764] {strides = array<i32>} : memref<528xi32, #tpu.memory_space<vmem>>, vector<16xi32>,
    %get3A_766 = vector.shape_cast %get3A_765 : vector<16xi32> to vector<16xi32>
    %slice3A_767 = vector.extract_strided_slice %get3A_766 {offsets = [0], sizes = [1], strides = [1]} : vector<16xi32> to vector<1xi32>
    %squeeze3A_768 = vector.extract %slice3A_767[0] : i32 from vector<1xi32>
    %mul3A_769 = arith.constant 512 : i32
    %mul3A_770 = arith.muli %squeeze3A_768, %mul3A_769 : i32
    %get3A_771 = arith.constant 0 : index
    %get3A_772 = tpu.vector_load %arg7[%get3A_771] {strides = array<i32>} : memref<208xi32, #tpu.memory_space<vmem>>, vector<16xi32>,
    %get3A_773 = vector.shape_cast %get3A_772 : vector<16xi32> to vector<16xi32>
    %add3A_774 = vector.broadcast %mul3A_770 : i32 to vector<16xi32>
    %add3A_775 = arith.addi %get3A_773, %add3A_774 : vector<16xi32>
    %swap3A_776 = arith.constant 0 : index
    %swap3A_777 = tpu.vector_load %arg10[%swap3A_776] {strides = array<i32>} : memref<208xi32, #tpu.memory_space<vmem>>, vector<16xi32>,
    %swap3A_778 = vector.shape_cast %swap3A_777 : vector<16xi32> to vector<16xi32>
    %swap3A_779 = vector.shape_cast %add3A_775 : vector<16xi32> to vector<16xi32>
    tpu.vector_store %arg10[%swap3A_776], %swap3A_779 {strides = array<i32>} : memref<208xi32, #tpu.memory_space<vmem>>, vector<16xi32>,
    %get3A_780 = arith.constant 16 : index
    %get3A_781 = tpu.vector_load %arg7[%get3A_780] {strides = array<i32>} : memref<208xi32, #tpu.memory_space<vmem>>, vector<16xi32>,
    %get3A_782 = vector.shape_cast %get3A_781 : vector<16xi32> to vector<16xi32>
    %add3A_783 = vector.broadcast %mul3A_770 : i32 to vector<16xi32>
    %add3A_784 = arith.addi %get3A_782, %add3A_783 : vector<16xi32>
    %swap3A_785 = arith.constant 16 : index
    %swap3A_786 = tpu.vector_load %arg10[%swap3A_785] {strides = array<i32>} : memref<208xi32, #tpu.memory_space<vmem>>, vector<16xi32>,
    %swap3A_787 = vector.shape_cast %swap3A_786 : vector<16xi32> to vector<16xi32>
    %swap3A_788 = vector.shape_cast %add3A_784 : vector<16xi32> to vector<16xi32>
    tpu.vector_store %arg10[%swap3A_785], %swap3A_788 {strides = array<i32>} : memref<208xi32, #tpu.memory_space<vmem>>, vector<16xi32>,
    %get3A_789 = arith.constant 32 : index
    %get3A_790 = tpu.vector_load %arg7[%get3A_789] {strides = array<i32>} : memref<208xi32, #tpu.memory_space<vmem>>, vector<16xi32>,
    %get3A_791 = vector.shape_cast %get3A_790 : vector<16xi32> to vector<16xi32>
    %add3A_792 = vector.broadcast %mul3A_770 : i32 to vector<16xi32>
    %add3A_793 = arith.addi %get3A_791, %add3A_792 : vector<16xi32>
    %swap3A_794 = arith.constant 32 : index
    %swap3A_795 = tpu.vector_load %arg10[%swap3A_794] {strides = array<i32>} : memref<208xi32, #tpu.memory_space<vmem>>, vector<16xi32>,
    %swap3A_796 = vector.shape_cast %swap3A_795 : vector<16xi32> to vector<16xi32>
    %swap3A_797 = vector.shape_cast %add3A_793 : vector<16xi32> to vector<16xi32>
    tpu.vector_store %arg10[%swap3A_794], %swap3A_797 {strides = array<i32>} : memref<208xi32, #tpu.memory_space<vmem>>, vector<16xi32>,
    %get3A_798 = arith.constant 48 : index
    %get3A_799 = tpu.vector_load %arg7[%get3A_798] {strides = array<i32>} : memref<208xi32, #tpu.memory_space<vmem>>, vector<16xi32>,
    %get3A_800 = vector.shape_cast %get3A_799 : vector<16xi32> to vector<16xi32>
    %add3A_801 = vector.broadcast %mul3A_770 : i32 to vector<16xi32>
    %add3A_802 = arith.addi %get3A_800, %add3A_801 : vector<16xi32>
    %swap3A_803 = arith.constant 48 : index
    %swap3A_804 = tpu.vector_load %arg10[%swap3A_803] {strides = array<i32>} : memref<208xi32, #tpu.memory_space<vmem>>, vector<16xi32>,
    %swap3A_805 = vector.shape_cast %swap3A_804 : vector<16xi32> to vector<16xi32>
    %swap3A_806 = vector.shape_cast %add3A_802 : vector<16xi32> to vector<16xi32>
    tpu.vector_store %arg10[%swap3A_803], %swap3A_806 {strides = array<i32>} : memref<208xi32, #tpu.memory_space<vmem>>, vector<16xi32>,
    %get3A_807 = arith.constant 64 : index
    %get3A_808 = tpu.vector_load %arg7[%get3A_807] {strides = array<i32>} : memref<208xi32, #tpu.memory_space<vmem>>, vector<16xi32>,
    %get3A_809 = vector.shape_cast %get3A_808 : vector<16xi32> to vector<16xi32>
    %add3A_810 = vector.broadcast %mul3A_770 : i32 to vector<16xi32>
    %add3A_811 = arith.addi %get3A_809, %add3A_810 : vector<16xi32>
    %swap3A_812 = arith.constant 64 : index
    %swap3A_813 = tpu.vector_load %arg10[%swap3A_812] {strides = array<i32>} : memref<208xi32, #tpu.memory_space<vmem>>, vector<16xi32>,
    %swap3A_814 = vector.shape_cast %swap3A_813 : vector<16xi32> to vector<16xi32>
    %swap3A_815 = vector.shape_cast %add3A_811 : vector<16xi32> to vector<16xi32>
    tpu.vector_store %arg10[%swap3A_812], %swap3A_815 {strides = array<i32>} : memref<208xi32, #tpu.memory_space<vmem>>, vector<16xi32>,
    %get3A_816 = arith.constant 80 : index
    %get3A_817 = tpu.vector_load %arg7[%get3A_816] {strides = array<i32>} : memref<208xi32, #tpu.memory_space<vmem>>, vector<16xi32>,
    %get3A_818 = vector.shape_cast %get3A_817 : vector<16xi32> to vector<16xi32>
    %add3A_819 = vector.broadcast %mul3A_770 : i32 to vector<16xi32>
    %add3A_820 = arith.addi %get3A_818, %add3A_819 : vector<16xi32>
    %swap3A_821 = arith.constant 80 : index
    %swap3A_822 = tpu.vector_load %arg10[%swap3A_821] {strides = array<i32>} : memref<208xi32, #tpu.memory_space<vmem>>, vector<16xi32>,
    %swap3A_823 = vector.shape_cast %swap3A_822 : vector<16xi32> to vector<16xi32>
    %swap3A_824 = vector.shape_cast %add3A_820 : vector<16xi32> to vector<16xi32>
    tpu.vector_store %arg10[%swap3A_821], %swap3A_824 {strides = array<i32>} : memref<208xi32, #tpu.memory_space<vmem>>, vector<16xi32>,
    %get3A_825 = arith.constant 96 : index
    %get3A_826 = tpu.vector_load %arg7[%get3A_825] {strides = array<i32>} : memref<208xi32, #tpu.memory_space<vmem>>, vector<16xi32>,
    %get3A_827 = vector.shape_cast %get3A_826 : vector<16xi32> to vector<16xi32>
    %add3A_828 = vector.broadcast %mul3A_770 : i32 to vector<16xi32>
    %add3A_829 = arith.addi %get3A_827, %add3A_828 : vector<16xi32>
    %swap3A_830 = arith.constant 96 : index
    %swap3A_831 = tpu.vector_load %arg10[%swap3A_830] {strides = array<i32>} : memref<208xi32, #tpu.memory_space<vmem>>, vector<16xi32>,
    %swap3A_832 = vector.shape_cast %swap3A_831 : vector<16xi32> to vector<16xi32>
    %swap3A_833 = vector.shape_cast %add3A_829 : vector<16xi32> to vector<16xi32>
    tpu.vector_store %arg10[%swap3A_830], %swap3A_833 {strides = array<i32>} : memref<208xi32, #tpu.memory_space<vmem>>, vector<16xi32>,
    %get3A_834 = arith.constant 112 : index
    %get3A_835 = tpu.vector_load %arg7[%get3A_834] {strides = array<i32>} : memref<208xi32, #tpu.memory_space<vmem>>, vector<16xi32>,
    %get3A_836 = vector.shape_cast %get3A_835 : vector<16xi32> to vector<16xi32>
    %add3A_837 = vector.broadcast %mul3A_770 : i32 to vector<16xi32>
    %add3A_838 = arith.addi %get3A_836, %add3A_837 : vector<16xi32>
    %swap3A_839 = arith.constant 112 : index
    %swap3A_840 = tpu.vector_load %arg10[%swap3A_839] {strides = array<i32>} : memref<208xi32, #tpu.memory_space<vmem>>, vector<16xi32>,
    %swap3A_841 = vector.shape_cast %swap3A_840 : vector<16xi32> to vector<16xi32>
    %swap3A_842 = vector.shape_cast %add3A_838 : vector<16xi32> to vector<16xi32>
    tpu.vector_store %arg10[%swap3A_839], %swap3A_842 {strides = array<i32>} : memref<208xi32, #tpu.memory_space<vmem>>, vector<16xi32>,
    %get3A_843 = arith.constant 128 : index
    %get3A_844 = tpu.vector_load %arg7[%get3A_843] {strides = array<i32>} : memref<208xi32, #tpu.memory_space<vmem>>, vector<16xi32>,
    %get3A_845 = vector.shape_cast %get3A_844 : vector<16xi32> to vector<16xi32>
    %add3A_846 = vector.broadcast %mul3A_770 : i32 to vector<16xi32>
    %add3A_847 = arith.addi %get3A_845, %add3A_846 : vector<16xi32>
    %swap3A_848 = arith.constant 128 : index
    %swap3A_849 = tpu.vector_load %arg10[%swap3A_848] {strides = array<i32>} : memref<208xi32, #tpu.memory_space<vmem>>, vector<16xi32>,
    %swap3A_850 = vector.shape_cast %swap3A_849 : vector<16xi32> to vector<16xi32>
    %swap3A_851 = vector.shape_cast %add3A_847 : vector<16xi32> to vector<16xi32>
    tpu.vector_store %arg10[%swap3A_848], %swap3A_851 {strides = array<i32>} : memref<208xi32, #tpu.memory_space<vmem>>, vector<16xi32>,
    %get3A_852 = arith.constant 144 : index
    %get3A_853 = tpu.vector_load %arg7[%get3A_852] {strides = array<i32>} : memref<208xi32, #tpu.memory_space<vmem>>, vector<16xi32>,
    %get3A_854 = vector.shape_cast %get3A_853 : vector<16xi32> to vector<16xi32>
    %add3A_855 = vector.broadcast %mul3A_770 : i32 to vector<16xi32>
    %add3A_856 = arith.addi %get3A_854, %add3A_855 : vector<16xi32>
    %swap3A_857 = arith.constant 144 : index
    %swap3A_858 = tpu.vector_load %arg10[%swap3A_857] {strides = array<i32>} : memref<208xi32, #tpu.memory_space<vmem>>, vector<16xi32>,
    %swap3A_859 = vector.shape_cast %swap3A_858 : vector<16xi32> to vector<16xi32>
    %swap3A_860 = vector.shape_cast %add3A_856 : vector<16xi32> to vector<16xi32>
    tpu.vector_store %arg10[%swap3A_857], %swap3A_860 {strides = array<i32>} : memref<208xi32, #tpu.memory_space<vmem>>, vector<16xi32>,
    %get3A_861 = arith.constant 160 : index
    %get3A_862 = tpu.vector_load %arg7[%get3A_861] {strides = array<i32>} : memref<208xi32, #tpu.memory_space<vmem>>, vector<16xi32>,
    %get3A_863 = vector.shape_cast %get3A_862 : vector<16xi32> to vector<16xi32>
    %add3A_864 = vector.broadcast %mul3A_770 : i32 to vector<16xi32>
    %add3A_865 = arith.addi %get3A_863, %add3A_864 : vector<16xi32>
    %swap3A_866 = arith.constant 160 : index
    %swap3A_867 = tpu.vector_load %arg10[%swap3A_866] {strides = array<i32>} : memref<208xi32, #tpu.memory_space<vmem>>, vector<16xi32>,
    %swap3A_868 = vector.shape_cast %swap3A_867 : vector<16xi32> to vector<16xi32>
    %swap3A_869 = vector.shape_cast %add3A_865 : vector<16xi32> to vector<16xi32>
    tpu.vector_store %arg10[%swap3A_866], %swap3A_869 {strides = array<i32>} : memref<208xi32, #tpu.memory_space<vmem>>, vector<16xi32>,
    %get3A_870 = arith.constant 176 : index
    %get3A_871 = tpu.vector_load %arg7[%get3A_870] {strides = array<i32>} : memref<208xi32, #tpu.memory_space<vmem>>, vector<16xi32>,
    %get3A_872 = vector.shape_cast %get3A_871 : vector<16xi32> to vector<16xi32>
    %add3A_873 = vector.broadcast %mul3A_770 : i32 to vector<16xi32>
    %add3A_874 = arith.addi %get3A_872, %add3A_873 : vector<16xi32>
    %swap3A_875 = arith.constant 176 : index
    %swap3A_876 = tpu.vector_load %arg10[%swap3A_875] {strides = array<i32>} : memref<208xi32, #tpu.memory_space<vmem>>, vector<16xi32>,
    %swap3A_877 = vector.shape_cast %swap3A_876 : vector<16xi32> to vector<16xi32>
    %swap3A_878 = vector.shape_cast %add3A_874 : vector<16xi32> to vector<16xi32>
    tpu.vector_store %arg10[%swap3A_875], %swap3A_878 {strides = array<i32>} : memref<208xi32, #tpu.memory_space<vmem>>, vector<16xi32>,
    %get3A_879 = arith.constant 192 : index
    %get3A_880 = tpu.vector_load %arg7[%get3A_879] {strides = array<i32>} : memref<208xi32, #tpu.memory_space<vmem>>, vector<16xi32>,
    %get3A_881 = vector.shape_cast %get3A_880 : vector<16xi32> to vector<16xi32>
    %add3A_882 = vector.broadcast %mul3A_770 : i32 to vector<16xi32>
    %add3A_883 = arith.addi %get3A_881, %add3A_882 : vector<16xi32>
    %swap3A_884 = arith.constant 192 : index
    %swap3A_885 = tpu.vector_load %arg10[%swap3A_884] {strides = array<i32>} : memref<208xi32, #tpu.memory_space<vmem>>, vector<16xi32>,
    %swap3A_886 = vector.shape_cast %swap3A_885 : vector<16xi32> to vector<16xi32>
    %swap3A_887 = vector.shape_cast %add3A_883 : vector<16xi32> to vector<16xi32>
    tpu.vector_store %arg10[%swap3A_884], %swap3A_887 {strides = array<i32>} : memref<208xi32, #tpu.memory_space<vmem>>, vector<16xi32>,
    %dma_start3A_888 = arith.constant 1 : i32
    %dma_start3A_889 = arith.constant 0 : i32
    %dma_start3A_890 = arith.constant 0 : i32
    %dma_start3A_891 = tpu.memref_slice %arg13[%dma_start3A_889, %dma_start3A_890] : memref<200x128xf32, #tpu.memory_space<vmem>> -> memref<104x128xf32, #tpu.memory_space<vmem>>
    %dma_start3A_892 = arith.constant 0 : i32
    %dma_start3A_893 = tpu.memref_slice %arg10[%dma_start3A_892] : memref<208xi32, #tpu.memory_space<vmem>> -> memref<104xi32, #tpu.memory_space<vmem>>
    %dma_start3A_894 = arith.constant 0 : i32
    %dma_start3A_895 = arith.constant 0 : i32
    %dma_start3A_896 = tpu.memref_slice %arg16[%dma_start3A_894, %dma_start3A_895] : memref<5120x128xf32, #tpu.memory_space<vmem_shared>> -> memref<5120x128xf32, #tpu.memory_space<vmem_shared>>
    %dma_start3A_897 = tpu.memref_slice %arg18[%dma_start3A_888] : memref<3x!tpu.dma_semaphore, #tpu.memory_space<semaphore_mem>> -> memref<1x!tpu.dma_semaphore, #tpu.memory_space<semaphore_mem>>
    %dma_start3A_898 = tpu.memref_squeeze %dma_start3A_897 : memref<1x!tpu.dma_semaphore, #tpu.memory_space<semaphore_mem>> -> memref<!tpu.dma_semaphore, #tpu.memory_space<semaphore_mem>>
    tpu.enqueue_indirect_dma source(%dma_start3A_896 : memref<5120x128xf32, #tpu.memory_space<vmem_shared>>) target(%dma_start3A_891 : memref<104x128xf32, #tpu.memory_space<vmem>>) offsets(%dma_start3A_893 : memref<104xi32, #tpu.memory_space<vmem>>) semaphore(%dma_start3A_898 : memref<!tpu.dma_semaphore, #tpu.memory_space<semaphore_mem>>)
    %dma_start3A_899 = arith.constant 1 : i32
    %dma_start3A_900 = arith.constant 104 : i32
    %dma_start3A_901 = arith.constant 0 : i32
    %dma_start3A_902 = tpu.memref_slice %arg13[%dma_start3A_900, %dma_start3A_901] : memref<200x128xf32, #tpu.memory_space<vmem>> -> memref<96x128xf32, #tpu.memory_space<vmem>>
    %dma_start3A_903 = arith.constant 104 : i32
    %dma_start3A_904 = tpu.memref_slice %arg10[%dma_start3A_903] : memref<208xi32, #tpu.memory_space<vmem>> -> memref<96xi32, #tpu.memory_space<vmem>>
    %dma_start3A_905 = arith.constant 0 : i32
    %dma_start3A_906 = arith.constant 0 : i32
    %dma_start3A_907 = tpu.memref_slice %arg16[%dma_start3A_905, %dma_start3A_906] : memref<5120x128xf32, #tpu.memory_space<vmem_shared>> -> memref<5120x128xf32, #tpu.memory_space<vmem_shared>>
    %dma_start3A_908 = tpu.memref_slice %arg18[%dma_start3A_899] : memref<3x!tpu.dma_semaphore, #tpu.memory_space<semaphore_mem>> -> memref<1x!tpu.dma_semaphore, #tpu.memory_space<semaphore_mem>>
    %dma_start3A_909 = tpu.memref_squeeze %dma_start3A_908 : memref<1x!tpu.dma_semaphore, #tpu.memory_space<semaphore_mem>> -> memref<!tpu.dma_semaphore, #tpu.memory_space<semaphore_mem>>
    tpu.enqueue_indirect_dma source(%dma_start3A_907 : memref<5120x128xf32, #tpu.memory_space<vmem_shared>>) target(%dma_start3A_902 : memref<96x128xf32, #tpu.memory_space<vmem>>) offsets(%dma_start3A_904 : memref<96xi32, #tpu.memory_space<vmem>>) semaphore(%dma_start3A_909 : memref<!tpu.dma_semaphore, #tpu.memory_space<semaphore_mem>>)
    %dma_wait3A_910 = arith.constant 0 : i32
    %dma_wait3A_911 = arith.constant 0 : i32
    %dma_wait3A_912 = arith.constant 0 : i32
    %dma_wait3A_913 = tpu.memref_slice %arg2[%dma_wait3A_911, %dma_wait3A_912] : memref<5120x128xf32, #tpu.memory_space<hbm>> -> memref<200x128xf32, #tpu.memory_space<hbm>>
    %dma_wait3A_914 = tpu.memref_slice %arg18[%dma_wait3A_910] : memref<3x!tpu.dma_semaphore, #tpu.memory_space<semaphore_mem>> -> memref<1x!tpu.dma_semaphore, #tpu.memory_space<semaphore_mem>>
    %dma_wait3A_915 = tpu.memref_squeeze %dma_wait3A_914 : memref<1x!tpu.dma_semaphore, #tpu.memory_space<semaphore_mem>> -> memref<!tpu.dma_semaphore, #tpu.memory_space<semaphore_mem>>
    %dma_wait3A_916 = arith.constant 0 : i32
    %dma_wait3A_917 = arith.constant 0 : i32
    %dma_wait3A_918 = tpu.memref_slice %arg2[%dma_wait3A_916, %dma_wait3A_917] : memref<5120x128xf32, #tpu.memory_space<hbm>> -> memref<200x128xf32, #tpu.memory_space<hbm>>
    tpu.wait_dma2 semaphore(%dma_wait3A_915 : memref<!tpu.dma_semaphore, #tpu.memory_space<semaphore_mem>>) src(%dma_wait3A_918 : memref<200x128xf32, #tpu.memory_space<hbm>>) dst(%arg12 : memref<200x128xf32, #tpu.memory_space<vmem>>)
    %add3A_919 = arith.constant 102000 : i32
    %add3A_920 = arith.addi %mul3A_2, %add3A_919 : i32
    %dma_start3A_921 = arith.constant 0 : i32
    %dma_start3A_922 = arith.constant 0 : i32
    %dma_start3A_923 = tpu.memref_slice %arg5[%add3A_920, %dma_start3A_922] : memref<3276800x128xf32, #tpu.memory_space<hbm>> -> memref<200x128xf32, #tpu.memory_space<hbm>>
    %dma_start3A_924 = tpu.memref_slice %arg19[%dma_start3A_921] : memref<3x!tpu.dma_semaphore, #tpu.memory_space<semaphore_mem>> -> memref<1x!tpu.dma_semaphore, #tpu.memory_space<semaphore_mem>>
    %dma_start3A_925 = tpu.memref_squeeze %dma_start3A_924 : memref<1x!tpu.dma_semaphore, #tpu.memory_space<semaphore_mem>> -> memref<!tpu.dma_semaphore, #tpu.memory_space<semaphore_mem>>
    %dma_start3A_926 = arith.constant 0 : i32
    %dma_start3A_927 = tpu.memref_slice %arg5[%add3A_920, %dma_start3A_926] : memref<3276800x128xf32, #tpu.memory_space<hbm>> -> memref<200x128xf32, #tpu.memory_space<hbm>>
    tpu.enqueue_dma source(%arg12 : memref<200x128xf32, #tpu.memory_space<vmem>>) target(%dma_start3A_927 : memref<200x128xf32, #tpu.memory_space<hbm>>) target_semaphore(%dma_start3A_925 : memref<!tpu.dma_semaphore, #tpu.memory_space<semaphore_mem>>)
    %dma_wait3A_928 = arith.constant 1 : i32
    %dma_wait3A_929 = arith.constant 0 : i32
    %dma_wait3A_930 = arith.constant 0 : i32
    %dma_wait3A_931 = tpu.memref_slice %arg2[%dma_wait3A_929, %dma_wait3A_930] : memref<5120x128xf32, #tpu.memory_space<hbm>> -> memref<200x128xf32, #tpu.memory_space<hbm>>
    %dma_wait3A_932 = tpu.memref_slice %arg18[%dma_wait3A_928] : memref<3x!tpu.dma_semaphore, #tpu.memory_space<semaphore_mem>> -> memref<1x!tpu.dma_semaphore, #tpu.memory_space<semaphore_mem>>
    %dma_wait3A_933 = tpu.memref_squeeze %dma_wait3A_932 : memref<1x!tpu.dma_semaphore, #tpu.memory_space<semaphore_mem>> -> memref<!tpu.dma_semaphore, #tpu.memory_space<semaphore_mem>>
    %dma_wait3A_934 = arith.constant 0 : i32
    %dma_wait3A_935 = arith.constant 0 : i32
    %dma_wait3A_936 = tpu.memref_slice %arg2[%dma_wait3A_934, %dma_wait3A_935] : memref<5120x128xf32, #tpu.memory_space<hbm>> -> memref<200x128xf32, #tpu.memory_space<hbm>>
    tpu.wait_dma2 semaphore(%dma_wait3A_933 : memref<!tpu.dma_semaphore, #tpu.memory_space<semaphore_mem>>) src(%dma_wait3A_936 : memref<200x128xf32, #tpu.memory_space<hbm>>) dst(%arg13 : memref<200x128xf32, #tpu.memory_space<vmem>>)
    %add3A_937 = arith.constant 102200 : i32
    %add3A_938 = arith.addi %mul3A_2, %add3A_937 : i32
    %dma_start3A_939 = arith.constant 1 : i32
    %dma_start3A_940 = arith.constant 0 : i32
    %dma_start3A_941 = tpu.memref_slice %arg5[%add3A_938, %dma_start3A_940] : memref<3276800x128xf32, #tpu.memory_space<hbm>> -> memref<200x128xf32, #tpu.memory_space<hbm>>
    %dma_start3A_942 = tpu.memref_slice %arg19[%dma_start3A_939] : memref<3x!tpu.dma_semaphore, #tpu.memory_space<semaphore_mem>> -> memref<1x!tpu.dma_semaphore, #tpu.memory_space<semaphore_mem>>
    %dma_start3A_943 = tpu.memref_squeeze %dma_start3A_942 : memref<1x!tpu.dma_semaphore, #tpu.memory_space<semaphore_mem>> -> memref<!tpu.dma_semaphore, #tpu.memory_space<semaphore_mem>>
    %dma_start3A_944 = arith.constant 0 : i32
    %dma_start3A_945 = tpu.memref_slice %arg5[%add3A_938, %dma_start3A_944] : memref<3276800x128xf32, #tpu.memory_space<hbm>> -> memref<200x128xf32, #tpu.memory_space<hbm>>
    tpu.enqueue_dma source(%arg13 : memref<200x128xf32, #tpu.memory_space<vmem>>) target(%dma_start3A_945 : memref<200x128xf32, #tpu.memory_space<hbm>>) target_semaphore(%dma_start3A_943 : memref<!tpu.dma_semaphore, #tpu.memory_space<semaphore_mem>>)
    %add3A_946 = arith.constant 101800 : i32
    %add3A_947 = arith.addi %mul3A_2, %add3A_946 : i32
    %dma_wait3A_948 = arith.constant 2 : i32
    %dma_wait3A_949 = arith.constant 0 : i32
    %dma_wait3A_950 = tpu.memref_slice %arg5[%add3A_947, %dma_wait3A_949] : memref<3276800x128xf32, #tpu.memory_space<hbm>> -> memref<200x128xf32, #tpu.memory_space<hbm>>
    %dma_wait3A_951 = tpu.memref_slice %arg19[%dma_wait3A_948] : memref<3x!tpu.dma_semaphore, #tpu.memory_space<semaphore_mem>> -> memref<1x!tpu.dma_semaphore, #tpu.memory_space<semaphore_mem>>
    %dma_wait3A_952 = tpu.memref_squeeze %dma_wait3A_951 : memref<1x!tpu.dma_semaphore, #tpu.memory_space<semaphore_mem>> -> memref<!tpu.dma_semaphore, #tpu.memory_space<semaphore_mem>>
    %dma_wait3A_953 = arith.constant 0 : i32
    %dma_wait3A_954 = tpu.memref_slice %arg5[%add3A_947, %dma_wait3A_953] : memref<3276800x128xf32, #tpu.memory_space<hbm>> -> memref<200x128xf32, #tpu.memory_space<hbm>>
    tpu.wait_dma2 semaphore(%dma_wait3A_952 : memref<!tpu.dma_semaphore, #tpu.memory_space<semaphore_mem>>) src(%arg14 : memref<200x128xf32, #tpu.memory_space<vmem>>) dst(%dma_wait3A_954 : memref<200x128xf32, #tpu.memory_space<hbm>>)
    %add3A_955 = arith.constant 102000 : i32
    %add3A_956 = arith.addi %mul3A_2, %add3A_955 : i32
    %dma_wait3A_957 = arith.constant 0 : i32
    %dma_wait3A_958 = arith.constant 0 : i32
    %dma_wait3A_959 = tpu.memref_slice %arg5[%add3A_956, %dma_wait3A_958] : memref<3276800x128xf32, #tpu.memory_space<hbm>> -> memref<200x128xf32, #tpu.memory_space<hbm>>
    %dma_wait3A_960 = tpu.memref_slice %arg19[%dma_wait3A_957] : memref<3x!tpu.dma_semaphore, #tpu.memory_space<semaphore_mem>> -> memref<1x!tpu.dma_semaphore, #tpu.memory_space<semaphore_mem>>
    %dma_wait3A_961 = tpu.memref_squeeze %dma_wait3A_960 : memref<1x!tpu.dma_semaphore, #tpu.memory_space<semaphore_mem>> -> memref<!tpu.dma_semaphore, #tpu.memory_space<semaphore_mem>>
    %dma_wait3A_962 = arith.constant 0 : i32
    %dma_wait3A_963 = tpu.memref_slice %arg5[%add3A_956, %dma_wait3A_962] : memref<3276800x128xf32, #tpu.memory_space<hbm>> -> memref<200x128xf32, #tpu.memory_space<hbm>>
    tpu.wait_dma2 semaphore(%dma_wait3A_961 : memref<!tpu.dma_semaphore, #tpu.memory_space<semaphore_mem>>) src(%arg12 : memref<200x128xf32, #tpu.memory_space<vmem>>) dst(%dma_wait3A_963 : memref<200x128xf32, #tpu.memory_space<hbm>>)
    %add3A_964 = arith.constant 102200 : i32
    %add3A_965 = arith.addi %mul3A_2, %add3A_964 : i32
    %dma_wait3A_966 = arith.constant 1 : i32
    %dma_wait3A_967 = arith.constant 0 : i32
    %dma_wait3A_968 = tpu.memref_slice %arg5[%add3A_965, %dma_wait3A_967] : memref<3276800x128xf32, #tpu.memory_space<hbm>> -> memref<200x128xf32, #tpu.memory_space<hbm>>
    %dma_wait3A_969 = tpu.memref_slice %arg19[%dma_wait3A_966] : memref<3x!tpu.dma_semaphore, #tpu.memory_space<semaphore_mem>> -> memref<1x!tpu.dma_semaphore, #tpu.memory_space<semaphore_mem>>
    %dma_wait3A_970 = tpu.memref_squeeze %dma_wait3A_969 : memref<1x!tpu.dma_semaphore, #tpu.memory_space<semaphore_mem>> -> memref<!tpu.dma_semaphore, #tpu.memory_space<semaphore_mem>>
    %dma_wait3A_971 = arith.constant 0 : i32
    %dma_wait3A_972 = tpu.memref_slice %arg5[%add3A_965, %dma_wait3A_971] : memref<3276800x128xf32, #tpu.memory_space<hbm>> -> memref<200x128xf32, #tpu.memory_space<hbm>>
    tpu.wait_dma2 semaphore(%dma_wait3A_970 : memref<!tpu.dma_semaphore, #tpu.memory_space<semaphore_mem>>) src(%arg13 : memref<200x128xf32, #tpu.memory_space<vmem>>) dst(%dma_wait3A_972 : memref<200x128xf32, #tpu.memory_space<hbm>>)
    return
  }
}

module attributes {stable_mosaic.version = 14 : i64} {
  func.func @_table_body(%arg0: memref<512x128xf32, #tpu.memory_space<vmem>>, %arg1: memref<10x4xf32, #tpu.memory_space<vmem>>, %arg2: memref<128x128xf32, #tpu.memory_space<vmem>>, %arg3: memref<4x128xf32, #tpu.memory_space<vmem>>, %arg4: memref<1x128xf32, #tpu.memory_space<vmem>>, %arg5: memref<10x512x128xf32, #tpu.memory_space<vmem>>) attributes {dimension_semantics = [], scalar_prefetch = 0 : i64, scratch_operands = 0 : i64, tpu.core_type = #tpu.core_type<tc>} {
    %get3A = arith.constant 0 : index
    %get3A_0 = arith.constant 0 : index
    %get3A_1 = vector.load %arg0[%get3A, %get3A_0] : memref<512x128xf32, #tpu.memory_space<vmem>>, vector<512x128xf32>
    %get3A_2 = arith.constant 0 : index
    %get3A_3 = arith.constant 0 : index
    %get3A_4 = vector.load %arg2[%get3A_2, %get3A_3] : memref<128x128xf32, #tpu.memory_space<vmem>>, vector<128x128xf32>
    %dot_general3A = arith.constant dense<0.000000e+00> : vector<512x128xf32>
    %dot_general3A_5 = tpu.matmul %get3A_1, %get3A_4, %dot_general3A {dimension_numbers = #tpu.dot_dimension_numbers<[1], [0], [0], [1], [0, 0, 1, 1], [], []>, precision = #tpu.contract_precision<fp32>, transpose_lhs_hint = false} : vector<512x128xf32>, vector<128x128xf32>, vector<512x128xf32> -> vector<512x128xf32>
    %get3A_6 = arith.constant 0 : index
    %get3A_7 = arith.constant 0 : index
    %get3A_8 = vector.load %arg1[%get3A_6, %get3A_7] : memref<10x4xf32, #tpu.memory_space<vmem>>, vector<10x4xf32>
    %get3A_9 = arith.constant 0 : index
    %get3A_10 = arith.constant 0 : index
    %get3A_11 = vector.load %arg3[%get3A_9, %get3A_10] : memref<4x128xf32, #tpu.memory_space<vmem>>, vector<4x128xf32>
    %dot_general3A_12 = arith.constant dense<0.000000e+00> : vector<10x128xf32>
    %dot_general3A_13 = tpu.matmul %get3A_8, %get3A_11, %dot_general3A_12 {dimension_numbers = #tpu.dot_dimension_numbers<[1], [0], [0], [1], [0, 0, 1, 1], [], []>, precision = #tpu.contract_precision<fp32>, transpose_lhs_hint = false} : vector<10x4xf32>, vector<4x128xf32>, vector<10x128xf32> -> vector<10x128xf32>
    %get3A_14 = arith.constant 0 : index
    %get3A_15 = arith.constant 0 : index
    %get3A_16 = vector.load %arg4[%get3A_14, %get3A_15] : memref<1x128xf32, #tpu.memory_space<vmem>>, vector<1x128xf32>
    %add3A = vector.broadcast %get3A_16 : vector<1x128xf32> to vector<10x128xf32>
    %add3A_17 = arith.addf %dot_general3A_13, %add3A : vector<10x128xf32>
    %broadcast_in_dim3A = vector.shape_cast %dot_general3A_5 : vector<512x128xf32> to vector<1x512x128xf32>
    %broadcast_in_dim3A_18 = vector.shape_cast %add3A_17 : vector<10x128xf32> to vector<10x1x128xf32>
    %add3A_19 = vector.broadcast %broadcast_in_dim3A : vector<1x512x128xf32> to vector<10x512x128xf32>
    %add3A_20 = vector.broadcast %broadcast_in_dim3A_18 : vector<10x1x128xf32> to vector<10x512x128xf32>
    %add3A_21 = arith.addf %add3A_19, %add3A_20 : vector<10x512x128xf32>
    %swap3A = arith.constant 0 : index
    %swap3A_22 = arith.constant 0 : index
    %swap3A_23 = arith.constant 0 : index
    %swap3A_24 = vector.load %arg5[%swap3A, %swap3A_22, %swap3A_23] : memref<10x512x128xf32, #tpu.memory_space<vmem>>, vector<10x512x128xf32>
    tpu.vector_store %arg5[%swap3A, %swap3A_22, %swap3A_23], %add3A_21 {strides = array<i32>} : memref<10x512x128xf32, #tpu.memory_space<vmem>>, vector<10x512x128xf32>,
    return
  }
}

</mosaic_0001>

<sc_bundles>
// kernel: kernel.4.cloned.1.call-start
scs
__scs_entry_jumppad:
0x0: {  	(pc) =	sbr.rel $0x88, $3  }
0x1: {  	(tag) =	ssettag $0x0;
	lr =	simm.s32 $0x1  }
0x2: {  	[smem:$0x3F9B] =	sst lr;
	_ =	strace $0xD0000000  }
0x3: {  	_ = 	snop  }
0x4: {  	_ = 	snop  }
0x5: {  	_ = 	snop  }
0x6: {  	_ = 	snop  }
0x7: {  	_ = 	snop  }
__scs_overlays_trampoline_lowered:
0x8: {  	[smem:$0x3FAA] =	sst s0  }
0x9: {  	[smem:$0x3FAB] =	sst s1  }
0xa: {  	[smem:$0x3FAC] =	sst s2  }
0xb: {  	[smem:$0x3FAD] =	sst s3  }
0xc: {  	[smem:$0x3FAE] =	sst s4  }
0xd: {  	[smem:$0x3FAF] =	sst s5  }
0xe: {  	[smem:$0x3FB0] =	sst s6  }
0xf: {  	[smem:$0x3FB1] =	sst s7  }
0x10: {  	[smem:$0x3FB2] =	sst s8  }
0x11: {  	[smem:$0x3FB3] =	sst s9;
	s0 =	simm.s32 @!p0 $0x0  }
0x12: {  	s1 =	sld [smem:$0x3F99];
	s0 =	simm.s32 @p0 $0x1  }
0x13: {  	[smem:$0x3FB4] =	sst s0;
	s0 =	simm.s32 @!p1 $0x0  }
0x14: {  	s2 =	sld [smem:$0x3F98];
	s0 =	simm.s32 @p1 $0x1  }
0x15: {  	[smem:$0x3FB5] =	sst s0;
	s0 =	simm.s32 @!p2 $0x0  }
0x16: {  	s3 =	sld [smem:$0x3FDB];
	s0 =	simm.s32 @p2 $0x1  }
0x17: {  	s4 =	simm.s32 $0x1BF5;
	[smem:$0x3FB7] =	sst s0  }
0x18: {  	s0 =	sld [smem:$0x3F9A];
	_ =	swait.ge [sflag:s4], $0x0  }
0x19: {  	s7 =	sld [smem:$0x3F9B]  }
0x1a: {  	s8 =	sadd.s32 $0xFFFFE003, lr  }
0x1b: {  	s9 =	sadd.s32 $0xFFFFFEF7, lr;
	s5 =	simm.s32 $0xFFFFFFFF;
	p2 =	slt.u32 s8, $0xFFFFF086  }
0x1c: {  	p1 =	slt.u32 s9, $0xF7A;
	s5 =	simm.s32 @!p2 $0x0  }
0x1d: {  	s5 =	simm.s32 @p1 $0x1;
	p0 =	seq.s32 s7, s2  }
0x1e: {  	s7 =	smul.u32 @!p0 $0xF7A, s2;
	p2 =	seq.s32 @!p0 s5, $0x0  }
0x1f: {  	s9 =	smul.u32 $0xF7A, s1;
	s8 =	simm.s32 @!p0 $0x1BF5;
	p2 =	por !p2, p0  }
0x20: {  	[sflag:s8] =	ssyncset.s32 @!p0 $0xFFFFF086;
	s6 =	sadd.s32 @!p0 s3, s7;
	s7 =	simm.s32 @!p0 $0x108  }
0x21: {  	s3 =	sadd.s32 s3, s9;
	s6 =	sadd.s32 @!p0 $0x88, s6;
	s7 =	simm.s32 @p2 $0x1082  }
0x22: {  	[simem:s7], [sflag:s8] =	dma.local @!p0 [hbm:s6], $0xF7A  }
0x23: {  	s9 =	sor.u32 $0xD0000000, s2;
	s6 =	simm.s32 $0x108;
	_ =	swait.ge @!p0 [sflag:s8], $0x0  }
0x24: {  	s3 =	sadd.s32 $0x88, s3;
	s6 =	simm.s32 @!p1 $0x1082;
	[sflag:s4] =	ssyncset.s32 $0xFFFFF086  }
0x25: {  	[simem:s6], [sflag:s4] =	dma.local [hbm:s3], $0xF7A  }
0x26: {  	[smem:$0x3F9B] =	sst s1;
	(tag) =	ssettag s2;
	_ =	strace s9  }
0x27: {  	s1 =	sld [smem:$0x3FAB]  }
0x28: {  	s2 =	sld [smem:$0x3FAC]  }
0x29: {  	s4 =	sld [smem:$0x3FAE]  }
0x2a: {  	p0 =	seq.s32 s5, $0x0;
	s5 =	sld [smem:$0x3FAF]  }
0x2b: {  	s6 =	sld [smem:$0x3FB0]  }
0x2c: {  	s7 =	sld [smem:$0x3FB1]  }
0x2d: {  	s3 =	simm.s32 $0x108;
	s8 =	sld [smem:$0x3FB2]  }
0x2e: {  	s3 =	simm.s32 @!p0 $0x1082;
	s9 =	sld [smem:$0x3FB3]  }
0x2f: {  	lr =	sadd.s32 s0, s3;
	s0 =	sld [smem:$0x3FAA]  }
0x30: {  	s3 =	sld [smem:$0x3FAD]  }
0x31: {  	[smem:$0x3FB6] =	sst s10  }
0x32: {  	s10 =	sld [smem:$0x3FB4];
	_ =	sdelay $0x3  }
0x33: {  	p0 =	seq.s32 s10, $0x1;
	s10 =	sld [smem:$0x3FB6];
	_ =	sdelay $0x3  }
0x34: {  	[smem:$0x3FB6] =	sst s10  }
0x35: {  	s10 =	sld [smem:$0x3FB5];
	_ =	sdelay $0x3  }
0x36: {  	p1 =	seq.s32 s10, $0x1;
	s10 =	sld [smem:$0x3FB6];
	_ =	sdelay $0x3  }
0x37: {  	[smem:$0x3FB6] =	sst s10  }
0x38: {  	s10 =	sld [smem:$0x3FB7]  }
0x39: {  	_ = 	snop;
	(pc) =	sbr.ind lr, $3  }
0x3a: {  	_ = 	snop  }
0x3b: {  	_ = 	snop  }
0x3c: {  	p2 =	seq.s32 s10, $0x1;
	s10 =	sld [smem:$0x3FB6]  }
0x3d: {  	_ =	shalt  }
0x3e: {  	_ =	shalt  }
0x3f: {  	_ =	shalt  }
0x40: {  	_ =	shalt  }
0x41: {  	_ =	shalt  }
0x42: {  	_ =	shalt  }
0x43: {  	_ =	shalt  }
0x44: {  	_ =	shalt  }
0x45: {  	_ =	shalt  }
0x46: {  	_ =	shalt  }
0x47: {  	_ =	shalt  }
0x48: {  	_ =	shalt  }
0x49: {  	_ =	shalt  }
0x4a: {  	_ =	shalt  }
0x4b: {  	_ =	shalt  }
0x4c: {  	_ =	shalt  }
0x4d: {  	_ =	shalt  }
0x4e: {  	_ =	shalt  }
0x4f: {  	_ =	shalt  }
0x50: {  	_ =	shalt  }
0x51: {  	_ =	shalt  }
0x52: {  	_ =	shalt  }
0x53: {  	_ =	shalt  }
0x54: {  	_ =	shalt  }
0x55: {  	_ =	shalt  }
0x56: {  	_ =	shalt  }
0x57: {  	_ =	shalt  }
0x58: {  	_ =	shalt  }
0x59: {  	_ =	shalt  }
0x5a: {  	_ =	shalt  }
0x5b: {  	_ =	shalt  }
0x5c: {  	_ =	shalt  }
0x5d: {  	_ =	shalt  }
0x5e: {  	_ =	shalt  }
0x5f: {  	_ =	shalt  }
0x60: {  	_ =	shalt  }
0x61: {  	_ =	shalt  }
0x62: {  	_ =	shalt  }
0x63: {  	_ =	shalt  }
0x64: {  	_ =	shalt  }
0x65: {  	_ =	shalt  }
0x66: {  	_ =	shalt  }
0x67: {  	_ =	shalt  }
0x68: {  	_ =	shalt  }
0x69: {  	_ =	shalt  }
0x6a: {  	_ =	shalt  }
0x6b: {  	_ =	shalt  }
0x6c: {  	_ =	shalt  }
0x6d: {  	_ =	shalt  }
0x6e: {  	_ =	shalt  }
0x6f: {  	_ =	shalt  }
0x70: {  	_ =	shalt  }
0x71: {  	_ =	shalt  }
0x72: {  	_ =	shalt  }
0x73: {  	_ =	shalt  }
0x74: {  	_ =	shalt  }
0x75: {  	_ =	shalt  }
0x76: {  	_ =	shalt  }
0x77: {  	_ =	shalt  }
0x78: {  	_ =	shalt  }
0x79: {  	_ =	shalt  }
0x7a: {  	_ =	shalt  }
0x7b: {  	_ =	shalt  }
0x7c: {  	_ =	shalt  }
0x7d: {  	_ =	shalt  }
0x7e: {  	_ =	shalt  }
0x7f: {  	_ =	shalt  }
0x80: {  	_ =	shalt  }
0x81: {  	_ =	shalt  }
0x82: {  	_ =	shalt  }
0x83: {  	_ =	shalt  }
0x84: {  	_ =	shalt  }
0x85: {  	_ =	shalt  }
0x86: {  	_ =	shalt  }
0x87: {  	_ =	shalt  }
.Lfunc_end0:
.L_simem_size_0:
called_computation_lowered:
.L_overlay_start_0:
0x88: {  	s2 =	sld [smem:$0x3FD9]  }
0x89: {  	s3 =	sld [smem:$0x3FFE];
	_ =	sdelay $0x1  }
0x8a: {  	s1 =	srdreg.scid  }
0x8b: {  	s0 =	sand.u32 $0x1, s1  }
0x8c: {  	s17 =	sshll.u32 s0, $0xA;
	s2 =	sadd.s32 s3, s2  }
0x8d: {  	s2 =	sadd.s32 s2, s17  }
0x8e: {  	[smem:$0x3FC2] =	sst s2  }
0x8f: {  	_ = 	snop  }
0x90: {  	s2 =	sld [smem:$0x3FC8]  }
0x91: {  	s18 =	sld [smem:$0x3FD0];
	(tm) =	ssettm $0x1  }
0x92: {  	s4 =	sld [smem:$0x3FFB];
	_ =	sdelay $0x3  }
0x93: {  	_ =	strace s4  }
0x94: {  	s4 =	sld [smem:$0x3FFC];
	_ =	sdelay $0x3  }
0x95: {  	_ =	strace s4  }
0x96: {  	s4 =	sld [smem:$0x3FFD];
	_ =	sdelay $0x3  }
0x97: {  	_ =	strace s4  }
0x98: {  	_ =	strace $0x8FFFFFFF  }
0x99: {  	s19 =	sld [smem:$0x3FDB];
	_ =	sdelay $0x1  }
0x9a: {  	s5 =	simm.s32 $_scs_section_size  }
0x9b: {  	s6 =	simm.s32 $_size__tile_overlayer_lowered;
	s7 =	simm.s32 $_tile_overlayer_lowered  }
0x9c: {  	s22 =	simm.s32 $0x1BFF;
	s21 =	sshll.u32 s7, $0x1;
	s4 =	sadd.s32 s5, s19  }
0x9d: {  	s8 =	simm.s32 $0x0;
	s20 =	sshll.u32 s6, $0x1;
	s6 =	sadd.s32 s21, s4  }
0x9e: {  	[timem:s8], [sflag:s22] =	dma.local [hbm:s6], s20  }
0x9f: {  	_ =	swait.ge [sflag:s22], s20  }
0xa0: {  	s5 =	ssub.s32 $0x0, s20;
	[sflag:s22] =	ssyncset.done $0x0  }
0xa1: {  	[sflag:s22] =	ssyncadd.s32 s5;
	_ =	sdelay $0x1  }
0xa2: {  	s23 =	simm.s32 $0x1B8B  }
0xa3: {  	_ =	swait.ge [sflag:s23], $0x1  }
0xa4: {  	[sflag:s23] =	ssyncset.done $0x0  }
0xa5: {  	s25 =	simm.s32 $0x1B8E;
	s24 =	sld [smem:$0x3FFE];
	[sflag:s23] =	ssyncadd.s32 $0xFFFFFFFF  }
0xa6: {  	s26 =	simm.s32 $execute0_lowered;
	[smem:$0x3FD2] =	sst s25  }
0xa7: {  	s6 =	sshll.u32 s26, $0x1;
	_ =	strace $0x80000046;
	[dreg:$0x1] =	wrdreg $0xFFFFFFFF  }
0xa8: {  	s28 =	simm.s32 $_size_execute0_lowered;
	s4 =	sadd.s32 s4, s6;
	[dreg:$0x0] =	wrdreg $0x0  }
0xa9: {  	s6 =	sshll.u32 s28, $0x1;
	[dreg:$0x2] =	wrdreg s4  }
0xaa: {  	[dreg:$0x3] =	wrdreg s6  }
0xab: {  	[dreg:$0x4] =	wrdreg $0xC0  }
0xac: {  	_ =	task [dreg:s8], $0x5FFFF  }
0xad: {  	[dreg:$0x1] =	wrdreg $0xFFFFFFFF  }
0xae: {  	[dreg:$0x0] =	wrdreg $0x60  }
0xaf: {  	[dreg:$0x2] =	wrdreg s24  }
0xb0: {  	[dreg:$0x3] =	wrdreg s2  }
0xb1: {  	[dreg:$0x4] =	wrdreg s18  }
0xb2: {  	[dreg:$0x5] =	wrdreg $0x134800  }
0xb3: {  	[dreg:$0x6] =	wrdreg $0x9  }
0xb4: {  	_ =	task.clear_ibuf [dreg:s8], $0x7FFFF;
	_ =	strace $0x90000046  }
0xb5: {  	s29 =	simm.s32 $0x9;
	_ =	strace $0x80000048  }
0xb6: {  	_ =	swait.ge [sflag:s29], $0x1  }
0xb7: {  	[sflag:s29] =	ssyncadd.s32 $0xFFFFFFFF  }
0xb8: {  	_ =	strace $0x90000048  }
0xb9: {  	_ =	sfence  }
0xba: {  	s30 =	sld [smem:$0x0];
	_ =	sdelay $0x2  }
0xbb: {  	s31 =	sshll.u32 s1, $0xD;
	s1 =	sshrl.u32 s1, $0x2  }
0xbc: {  	s3 =	sand.u32 $0x4000, s31;
	s1 =	sadd.s32 s1, s30  }
0xbd: {  	s0 =	sor.u32 s3, s0;
	s1 =	sshll.u32 s1, $0x11  }
0xbe: {  	s0 =	sor.u32 s1, s0  }
0xbf: {  	s0 =	sadd.s32 $0x8F2B, s0  }
0xc0: {  	[sflag:s0] =	ssyncadd.remote.s32 $0x1  }
0xc1: {  	_ =	sfence.sel $0xFFFF  }
0xc2: {  	[dreg:$0x0] =	wrdreg $0xFFFFFFFF;
	(pc) =	sbr.abs _section_cstart, $3  }
0xc3: {  	[dreg:$0x1] =	wrdreg $0xFFFFFFFF  }
0xc4: {  	_ =	task.clear_ibuf [dreg:s8], $0x2FFFF;
	_ =	strace $0x9FFFFFFF  }
0xc5: {  	(tm) =	ssettm $0x7FFFFFFF  }
tec
execute0_lowered:
.L_overlay_start_1:
0x0: {  	(tag) =	ssettag $0x1  }
0x1: {  	s0 =	rddreg [dreg:$0x0]  }
0x2: {  	s1 =	rddreg [dreg:$0x1]  }
0x3: {  	s4 =	rddreg [dreg:$0x2]  }
0x4: {  	s2 =	rddreg [dreg:$0x3]  }
0x5: {  	s14 =	stileid.u32;
	s5 =	srdreg.scid  }
0x6: {  	s3 =	simm.s32 $0x0;
	s30 =	simm.s32 $0x4;
	s31 =	simm.s32 $0x2  }
0x7: {  	s28 =	simm.s32 $0x100;
	s29 =	simm.s32 $0x300;
	s7 =	smul.u32 $0x1400, s14  }
0x8: {  	s5 =	sand.u32 $0x1, s5;
	s6 =	sshll.u32 s14, $0x1;
	s13 =	smul.u32 $0x28000, s14  }
0x9: {  	[smem:$0x7FF] =	sst s3;
	s25 =	smul.u32 $0x32000, s14;
	s6 =	sor.u32 s5, s6  }
0xa: {  	_ =	strace $0x80000047;
	s8 =	ssub.s32 $0x2, s5;
	s9 =	smul.u32 $0x19000, s6  }
0xb: {  	s7 =	sadd.s32 s7, s0;
	s0 =	sadd.s32 $0xA00, s0;
	s20 =	smul.u32 $0x190000, s6  }
0xc: {  	s10 =	sshrl.u32 s8, $0x1;
	s12 =	sshll.u32 s6, $0x6;
	s6 =	smul.u32 $0xC80000, s6  }
0xd: {  	s18 =	sshrl.u32 s13, $0x2;
	s1 =	sadd.s32 s1, s12;
	s12 =	smul.u32 $0x19000, s5  }
0xe: {  	s8 =	ssub.s32 s8, s10;
	s7 =	sadd.s32 $0x64A00, s7;
	s5 =	smul.u32 $0x190000, s5  }
0xf: {  	s10 =	simm.s32 $0xCE00;
	s11 =	sshrl.u32 s9, $0x3;
	[dreg:$0x9] =	wrdreg s1  }
0x10: {  	s19 =	sor.u32 $0xC8, s9;
	s1 =	sadd.s32 s18, s2;
	[dreg:$0xa] =	wrdreg s7  }
0x11: {  	s22 =	sadd.s32 s4, s20;
	s26 =	sadd.s32 $0x18F38, s9;
	s6 =	sshrl.u32 s6, $0x3  }
0x12: {  	s20 =	smax.u32 s8, $0x1;
	s8 =	simm.s32 $0x3;
	s15 =	sadd.s32 s0, s11  }
0x13: {  	s21 =	sshrl.u32 s19, $0x3;
	[dreg:$0xc] =	wrdreg s22;
	s24 =	sshll.u32 s19, $0x4  }
0x14: {  	s6 =	sadd.s32 s4, s6;
	s9 =	sadd.s32 s12, s25;
	[dreg:$0x14] =	wrdreg s20  }
0x15: {  	s12 =	simm.s32 $0x10200;
	s7 =	sadd.s32 s0, s21;
	s23 =	sadd.s32 $0x32, s15  }
0x16: {  	[dreg:$0x8] =	wrdreg s15;
	s13 =	sadd.s32 $0x4B, s15;
	s15 =	sshrl.u32 s26, $0x3  }
0x17: {  	s16 =	sadd.s32 $0x18DA80, s6;
	s17 =	sor.u32 $0x4B0, s9;
	[dreg:$0xb] =	wrdreg s7  }
0x18: {  	s6 =	sadd.s32 $0x18E700, s6;
	s21 =	smul.u32 $0x320000, s14;
	[dreg:$0xd] =	wrdreg s23  }
0x19: {  	s22 =	sor.u32 $0x3E8, s9;
	s14 =	simm.s32 $0x6;
	[dreg:$0xf] =	wrdreg s13  }
0x1a: {  	s7 =	sadd.s32 s4, s24;
	s11 =	sadd.s32 s0, s15;
	[dreg:$0x11] =	wrdreg s16  }
0x1b: {  	[dreg:$0x12] =	wrdreg s6;
	s19 =	sshrl.u32 s17, $0x3;
	s23 =	sor.u32 $0x320, s9  }
0x1c: {  	s13 =	simm.s32 $0x7;
	s15 =	simm.s32 $0x8;
	[dreg:$0xe] =	wrdreg s7  }
0x1d: {  	s16 =	simm.s32 $0x9;
	[dreg:$0x10] =	wrdreg s11;
	s7 =	sshll.u32 s26, $0x4  }
0x1e: {  	s6 =	sadd.s32 s19, s0;
	s25 =	sshrl.u32 s23, $0x3;
	s26 =	sshrl.u32 s1, $0x3  }
0x1f: {  	s23 =	simm.s32 $0x68;
	s1 =	simm.s32 $0x6A00;
	s11 =	simm.s32 $0x9E00  }
0x20: {  	s18 =	sadd.s32 s4, s7;
	[dreg:$0x5] =	wrdreg s6;
	s4 =	sadd.s32 s21, s4  }
0x21: {  	s6 =	sshrl.u32 s22, $0x3;
	[dreg:$0x16] =	wrdreg s26;
	s21 =	simm.s32 $0x1  }
0x22: {  	s26 =	simm.s32 $0x60;
	s7 =	simm.s32 $0x5;
	[dreg:$0x13] =	wrdreg s18  }
0x23: {  	s4 =	sadd.s32 s5, s4;
	s24 =	sadd.s32 s6, s0;
	s0 =	sadd.s32 s25, s0  }
0x24: {  	s25 =	simm.s32 $0x600;
	s5 =	simm.s32 $0x0;
	[dreg:$0x6] =	wrdreg s24  }
0x25: {  	s18 =	simm.s32 $0x3A00;
	s4 =	sadd.s32 $0x1900, s4;
	[dreg:$0x7] =	wrdreg s0  }
0x26: {  	s6 =	simm.s32 $0x400;
	s0 =	simm.s32 $0x200;
	[dreg:$0x15] =	wrdreg s4  }
.LBB2_1:
0x27: {  	s4 =	rddreg [dreg:$0x8]  }
0x28: {  	[tilespmem:s3], [sflag:$0x1] =	stream.linear.gather [hbm4b:s4+s3], $0xC8, $0x38;
	[tilespmem:$0x1D480] =	vst v63  }
0x29: {  	s19 =	rddreg [dreg:$0x9];
	s17 =	simm.s32 $0x13200  }
0x2a: {  	[tilespmem:s17], [sflag:$0xA] =	stream.linear.gather [hbm4b:s19+s3], $0x200, $0x38;
	[tilespmem:$0x1D480] =	vst v63  }
0x2b: {  	[dreg:$0x17] =	wrdreg s5;
	s19 =	simm.s32 $0xA  }
0x2c: {  	s20 =	stileid.u32;
	_ =	swait.ge [sflag:s19], $0x200  }
0x2d: {  	s4 =	sshll.u32 s20, $0x6;
	[sflag:s19] =	ssyncset.done $0x0;
	s22 =	rddreg [dreg:$0xa]  }
0x2e: {  	s4 =	sor.u32 $0x1C0A, s4;
	s20 =	rddreg [dreg:$0x16];
	[sflag:s19] =	ssyncadd.s32 $0xFFFFFE00  }
0x2f: {  	[spmem:s20], [sflag:s4] =	dma.local [hbm:s22], $0x1400  }
0x30: {  	_ =	swait.ge [sflag:s19], $0x1400  }
0x31: {  	[sflag:s19] =	ssyncset.done $0x0  }
0x32: {  	[sflag:s19] =	ssyncadd.s32 $0xFFFFEC00  }
0x33: {  	[bflag:$0x0] =	sbarrier.arrive $0xFFFF  }
0x34: {  	_ =	swait.ge [sflag:s21], $0xC8  }
0x35: {  	[sflag:s21] =	ssyncset.done $0x0  }
0x36: {  	s19 =	simm.s32 $0x100;
	s24 =	rddreg [dreg:$0xb];
	[sflag:s21] =	ssyncadd.s32 $0xFFFFFF38  }
0x37: {  	[tilespmem:s19], [sflag:$0x2] =	stream.linear.gather [hbm4b:s24+s3], $0xC8, $0x38;
	[tilespmem:$0x1D480] =	vst v63  }
0x38: {  	v0 =	vld [tilespmem:$0x13200];
	_ =	sdelay $0x4  }
0x39: {  	(v2sf) =	vpush v0, $0x0;
	_ =	sdelay $0xb  }
0x3a: {  	v12 =	vld [tilespmem:$0x0]  }
0x3b: {  	v1 =	vld [tilespmem:$0x10]  }
0x3c: {  	v2 =	vld [tilespmem:$0x20]  }
0x3d: {  	v3 =	vld [tilespmem:$0x30];
	s5 =	spop (v2sf)  }
0x3e: {  	v4 =	vld [tilespmem:$0x40];
	s4 =	sshll.u32 s5, $0x9  }
0x3f: {  	v5 =	vld [tilespmem:$0x50];
	v0 =	vadd.s32 s4, v12  }
0x40: {  	v14 =	vld [tilespmem:$0x60];
	v13 =	vadd.s32 s4, v1;
	[tilespmem:$0x300] =	vst v0  }
0x41: {  	v16 =	vld [tilespmem:$0x70];
	v15 =	vadd.s32 s4, v2;
	[tilespmem:$0x310] =	vst v13  }
0x42: {  	v18 =	vld [tilespmem:$0x80];
	v17 =	vadd.s32 s4, v3;
	[tilespmem:$0x320] =	vst v15  }
0x43: {  	v20 =	vld [tilespmem:$0x90];
	v19 =	vadd.s32 s4, v4;
	[tilespmem:$0x330] =	vst v17  }
0x44: {  	v22 =	vld [tilespmem:$0xA0];
	v21 =	vadd.s32 s4, v5;
	[tilespmem:$0x340] =	vst v19  }
0x45: {  	v24 =	vld [tilespmem:$0xB0];
	v23 =	vadd.s32 s4, v14;
	[tilespmem:$0x350] =	vst v21  }
0x46: {  	v26 =	vld [tilespmem:$0xC0];
	v25 =	vadd.s32 s4, v16;
	[tilespmem:$0x360] =	vst v23  }
0x47: {  	v27 =	vadd.s32 s4, v18;
	[tilespmem:$0x370] =	vst v25  }
0x48: {  	v28 =	vadd.s32 s4, v20;
	[tilespmem:$0x380] =	vst v27  }
0x49: {  	v29 =	vadd.s32 s4, v22;
	[tilespmem:$0x390] =	vst v28  }
0x4a: {  	v30 =	vadd.s32 s4, v24;
	[tilespmem:$0x3A0] =	vst v29  }
0x4b: {  	v31 =	vadd.s32 s4, v26;
	[tilespmem:$0x3B0] =	vst v30  }
0x4c: {  	s20 =	simm.s32 $0x300;
	[tilespmem:$0x3C0] =	vst v31  }
0x4d: {  	[tilespmem:s25], [sflag:$0x4] =	stream.indirect.gather [spmem:s2], $0x80, s20, s23, $0xb8;
	[tilespmem:$0x1D480] =	vst v63  }
0x4e: {  	s22 =	simm.s32 $0x368;
	s24 =	simm.s32 $0x3A00  }
0x4f: {  	[tilespmem:s24], [sflag:$0x4] =	stream.indirect.gather [spmem:s2], $0x80, s22, s26, $0xb8;
	[tilespmem:$0x1D480] =	vst v63  }
0x50: {  	_ =	swait.ge [sflag:s30], $0x6400  }
0x51: {  	[sflag:s30] =	ssyncset.done $0x0  }
0x52: {  	s9 =	rddreg [dreg:$0xc];
	[sflag:s30] =	ssyncadd.s32 $0xFFFF9C00  }
0x53: {  	[hbm4b:s9+s3] =	stream.linear.scatter [tilespmem:s25], [sflag:$0x7], $0x6400, $0x38;
	[tilespmem:$0x1D480] =	vst v63  }
0x54: {  	_ =	swait.ge [sflag:s31], $0xC8  }
0x55: {  	[sflag:s31] =	ssyncset.done $0x0  }
0x56: {  	s17 =	rddreg [dreg:$0xd];
	[sflag:s31] =	ssyncadd.s32 $0xFFFFFF38  }
0x57: {  	[tilespmem:s0], [sflag:$0x3] =	stream.linear.gather [hbm4b:s17+s3], $0xC8, $0x38;
	[tilespmem:$0x1D480] =	vst v63  }
0x58: {  	v32 =	vld [tilespmem:$0x13201];
	_ =	sdelay $0x4  }
0x59: {  	(v2sf) =	vpush v32, $0x0;
	_ =	sdelay $0xb  }
0x5a: {  	v33 =	vld [tilespmem:$0x100]  }
0x5b: {  	v34 =	vld [tilespmem:$0x110]  }
0x5c: {  	v35 =	vld [tilespmem:$0x120]  }
0x5d: {  	v36 =	vld [tilespmem:$0x130];
	s0 =	spop (v2sf)  }
0x5e: {  	v37 =	vld [tilespmem:$0x140];
	s4 =	sshll.u32 s0, $0x9  }
0x5f: {  	v38 =	vld [tilespmem:$0x150];
	v0 =	vadd.s32 s4, v33  }
0x60: {  	v40 =	vld [tilespmem:$0x160];
	v39 =	vadd.s32 s4, v34;
	[tilespmem:$0x400] =	vst v0  }
0x61: {  	v42 =	vld [tilespmem:$0x170];
	v41 =	vadd.s32 s4, v35;
	[tilespmem:$0x410] =	vst v39  }
0x62: {  	v44 =	vld [tilespmem:$0x180];
	v43 =	vadd.s32 s4, v36;
	[tilespmem:$0x420] =	vst v41  }
0x63: {  	v46 =	vld [tilespmem:$0x190];
	v45 =	vadd.s32 s4, v37;
	[tilespmem:$0x430] =	vst v43  }
0x64: {  	v48 =	vld [tilespmem:$0x1A0];
	v47 =	vadd.s32 s4, v38;
	[tilespmem:$0x440] =	vst v45  }
0x65: {  	v50 =	vld [tilespmem:$0x1B0];
	v49 =	vadd.s32 s4, v40;
	[tilespmem:$0x450] =	vst v47  }
0x66: {  	v52 =	vld [tilespmem:$0x1C0];
	v51 =	vadd.s32 s4, v42;
	[tilespmem:$0x460] =	vst v49  }
0x67: {  	v53 =	vadd.s32 s4, v44;
	[tilespmem:$0x470] =	vst v51  }
0x68: {  	v54 =	vadd.s32 s4, v46;
	[tilespmem:$0x480] =	vst v53  }
0x69: {  	v55 =	vadd.s32 s4, v48;
	[tilespmem:$0x490] =	vst v54  }
0x6a: {  	v56 =	vadd.s32 s4, v50;
	[tilespmem:$0x4A0] =	vst v55  }
0x6b: {  	v57 =	vadd.s32 s4, v52;
	[tilespmem:$0x4B0] =	vst v56  }
0x6c: {  	s9 =	simm.s32 $0x400;
	[tilespmem:$0x4C0] =	vst v57  }
0x6d: {  	[tilespmem:s1], [sflag:$0x5] =	stream.indirect.gather [spmem:s2], $0x80, s9, s23, $0xb8;
	[tilespmem:$0x1D480] =	vst v63  }
0x6e: {  	s5 =	simm.s32 $0x9E00;
	s4 =	simm.s32 $0x468  }
0x6f: {  	[tilespmem:s5], [sflag:$0x5] =	stream.indirect.gather [spmem:s2], $0x80, s4, s26, $0xb8;
	[tilespmem:$0x1D480] =	vst v63  }
0x70: {  	_ =	swait.ge [sflag:s7], $0x6400  }
0x71: {  	[sflag:s7] =	ssyncset.done $0x0  }
0x72: {  	s17 =	rddreg [dreg:$0xe];
	[sflag:s7] =	ssyncadd.s32 $0xFFFF9C00  }
0x73: {  	[hbm4b:s17+s3] =	stream.linear.scatter [tilespmem:s1], [sflag:$0x8], $0x6400, $0x38;
	[tilespmem:$0x1D480] =	vst v63  }
0x74: {  	_ =	swait.ge [sflag:s8], $0xC8  }
0x75: {  	[sflag:s8] =	ssyncset.done $0x0  }
0x76: {  	s0 =	rddreg [dreg:$0xf];
	[sflag:s8] =	ssyncadd.s32 $0xFFFFFF38  }
0x77: {  	[tilespmem:s3], [sflag:$0x1] =	stream.linear.gather [hbm4b:s0+s3], $0xC8, $0x38;
	[tilespmem:$0x1D480] =	vst v63  }
0x78: {  	v58 =	vld [tilespmem:$0x13202];
	_ =	sdelay $0x4  }
0x79: {  	(v2sf) =	vpush v58, $0x0;
	_ =	sdelay $0xb  }
0x7a: {  	v59 =	vld [tilespmem:$0x200]  }
0x7b: {  	v60 =	vld [tilespmem:$0x210]  }
0x7c: {  	v61 =	vld [tilespmem:$0x220]  }
0x7d: {  	v62 =	vld [tilespmem:$0x230];
	s5 =	spop (v2sf)  }
0x7e: {  	v63 =	vld [tilespmem:$0x240];
	s4 =	sshll.u32 s5, $0x9  }
0x7f: {  	v8 =	vld [tilespmem:$0x250];
	v0 =	vadd.s32 s4, v59  }
0x80: {  	v10 =	vld [tilespmem:$0x260];
	v9 =	vadd.s32 s4, v60;
	[tilespmem:$0x500] =	vst v0  }
0x81: {  	v12 =	vld [tilespmem:$0x270];
	v11 =	vadd.s32 s4, v61;
	[tilespmem:$0x510] =	vst v9  }
0x82: {  	v14 =	vld [tilespmem:$0x280];
	v13 =	vadd.s32 s4, v62;
	[tilespmem:$0x520] =	vst v11  }
0x83: {  	v16 =	vld [tilespmem:$0x290];
	v15 =	vadd.s32 s4, v63;
	[tilespmem:$0x530] =	vst v13  }
0x84: {  	v18 =	vld [tilespmem:$0x2A0];
	v17 =	vadd.s32 s4, v8;
	[tilespmem:$0x540] =	vst v15  }
0x85: {  	v20 =	vld [tilespmem:$0x2B0];
	v19 =	vadd.s32 s4, v10;
	[tilespmem:$0x550] =	vst v17  }
0x86: {  	v22 =	vld [tilespmem:$0x2C0];
	v21 =	vadd.s32 s4, v12;
	[tilespmem:$0x560] =	vst v19  }
0x87: {  	v23 =	vadd.s32 s4, v14;
	[tilespmem:$0x570] =	vst v21  }
0x88: {  	v24 =	vadd.s32 s4, v16;
	[tilespmem:$0x580] =	vst v23  }
0x89: {  	v25 =	vadd.s32 s4, v18;
	[tilespmem:$0x590] =	vst v24  }
0x8a: {  	v26 =	vadd.s32 s4, v20;
	[tilespmem:$0x5A0] =	vst v25  }
0x8b: {  	v27 =	vadd.s32 s4, v22;
	[tilespmem:$0x5B0] =	vst v26  }
0x8c: {  	s17 =	simm.s32 $0x500;
	[tilespmem:$0x5C0] =	vst v27  }
0x8d: {  	[tilespmem:s10], [sflag:$0x6] =	stream.indirect.gather [spmem:s2], $0x80, s17, s23, $0xb8;
	[tilespmem:$0x1D480] =	vst v63  }
0x8e: {  	s4 =	simm.s32 $0x568  }
0x8f: {  	[tilespmem:s12], [sflag:$0x6] =	stream.indirect.gather [spmem:s2], $0x80, s4, s26, $0xb8;
	[tilespmem:$0x1D480] =	vst v63  }
0x90: {  	_ =	swait.ge [sflag:s13], $0x6400  }
0x91: {  	[sflag:s13] =	ssyncset.done $0x0  }
0x92: {  	[sflag:s13] =	ssyncadd.s32 $0xFFFF9C00  }
0x93: {  	_ =	swait.ge [sflag:s21], $0xC8  }
0x94: {  	s5 =	rddreg [dreg:$0x7];
	[sflag:s21] =	ssyncset.done $0x0  }
0x95: {  	s4 =	simm.s32 $0x13205;
	[sflag:s21] =	ssyncadd.s32 $0xFFFFFF38;
	s17 =	sadd.s32 $0x0, s5  }
0x96: {  	[tilespmem:s19], [sflag:$0x2] =	stream.linear.gather [hbm4b:s17+s3], $0xC8, $0x38;
	[tilespmem:$0x1D480] =	vst v63  }
0x97: {  	v28 =	vld [tilespmem:s4+$0xFFFFFFFE];
	_ =	sdelay $0x4  }
0x98: {  	(v2sf) =	vpush v28, $0x0;
	_ =	sdelay $0xb  }
0x99: {  	v29 =	vld [tilespmem:$0xC0]  }
0x9a: {  	v30 =	vld [tilespmem:$0x0]  }
0x9b: {  	v31 =	vld [tilespmem:$0x10]  }
0x9c: {  	v32 =	vld [tilespmem:$0x80];
	s19 =	spop (v2sf)  }
0x9d: {  	v33 =	vld [tilespmem:$0xB0];
	s17 =	sshll.u32 s19, $0x9  }
0x9e: {  	v34 =	vld [tilespmem:$0x50];
	v0 =	vadd.s32 s17, v29  }
0x9f: {  	v6 =	vld [tilespmem:$0x60];
	v1 =	vadd.s32 s17, v30;
	[tilespmem:$0x3C0] =	vst v0  }
0xa0: {  	v37 =	vld [tilespmem:$0x40];
	v2 =	vadd.s32 s17, v31;
	[tilespmem:$0x300] =	vst v1  }
0xa1: {  	v38 =	vld [tilespmem:$0x90];
	v3 =	vadd.s32 s17, v32;
	[tilespmem:$0x310] =	vst v2  }
0xa2: {  	v39 =	vld [tilespmem:$0x20];
	v4 =	vadd.s32 s17, v33;
	[tilespmem:$0x380] =	vst v3  }
0xa3: {  	v40 =	vld [tilespmem:$0x70];
	v5 =	vadd.s32 s17, v34;
	[tilespmem:$0x3B0] =	vst v4  }
0xa4: {  	v35 =	vld [tilespmem:$0xA0];
	v6 =	vadd.s32 s17, v6;
	[tilespmem:$0x350] =	vst v5  }
0xa5: {  	v36 =	vld [tilespmem:$0x30];
	v41 =	vadd.s32 s17, v37;
	[tilespmem:$0x360] =	vst v6  }
0xa6: {  	v42 =	vadd.s32 s17, v38;
	[tilespmem:$0x340] =	vst v41  }
0xa7: {  	v43 =	vadd.s32 s17, v39;
	[tilespmem:$0x390] =	vst v42  }
0xa8: {  	v44 =	vadd.s32 s17, v40;
	[tilespmem:$0x320] =	vst v43  }
0xa9: {  	v0 =	vadd.s32 s17, v35;
	[tilespmem:$0x370] =	vst v44  }
0xaa: {  	v1 =	vadd.s32 s17, v36;
	[tilespmem:$0x3A0] =	vst v0  }
0xab: {  	[tilespmem:$0x330] =	vst v1  }
0xac: {  	[tilespmem:s25], [sflag:$0x4] =	stream.indirect.gather [spmem:s2], $0x80, s20, s23, $0xb8;
	[tilespmem:$0x1D480] =	vst v63  }
0xad: {  	_ = 	snop  }
0xae: {  	[tilespmem:s24], [sflag:$0x4] =	stream.indirect.gather [spmem:s2], $0x80, s22, s26, $0xb8;
	[tilespmem:$0x1D480] =	vst v63  }
0xaf: {  	_ =	swait.ge [sflag:s14], $0x6400  }
0xb0: {  	[sflag:s14] =	ssyncset.done $0x0  }
0xb1: {  	s22 =	rddreg [dreg:$0x15];
	[sflag:s14] =	ssyncadd.s32 $0xFFFF9C00  }
0xb2: {  	[hbm4b:s22+s3] =	stream.linear.scatter [tilespmem:s10], [sflag:$0x9], $0x6400, $0x38;
	[tilespmem:$0x1D480] =	vst v63  }
0xb3: {  	_ =	swait.ge [sflag:s15], $0x6400  }
0xb4: {  	[sflag:s15] =	ssyncset.done $0x0  }
0xb5: {  	[sflag:s15] =	ssyncadd.s32 $0xFFFF9C00  }
0xb6: {  	_ =	swait.ge [sflag:s31], $0xC8  }
0xb7: {  	s24 =	rddreg [dreg:$0x6];
	[sflag:s31] =	ssyncset.done $0x0  }
0xb8: {  	s5 =	simm.s32 $0x200;
	[sflag:s31] =	ssyncadd.s32 $0xFFFFFF38;
	s17 =	sadd.s32 $0x0, s24  }
0xb9: {  	[tilespmem:s5], [sflag:$0x3] =	stream.linear.gather [hbm4b:s17+s3], $0xC8, $0x38;
	[tilespmem:$0x1D480] =	vst v63  }
0xba: {  	v45 =	vld [tilespmem:s4+$0xFFFFFFFF];
	_ =	sdelay $0x4  }
0xbb: {  	(v2sf) =	vpush v45, $0x0;
	_ =	sdelay $0xb  }
0xbc: {  	v46 =	vld [tilespmem:$0x1C0]  }
0xbd: {  	v47 =	vld [tilespmem:$0x100]  }
0xbe: {  	v48 =	vld [tilespmem:$0x110]  }
0xbf: {  	v49 =	vld [tilespmem:$0x130];
	s19 =	spop (v2sf)  }
0xc0: {  	v50 =	vld [tilespmem:$0x150];
	s17 =	sshll.u32 s19, $0x9  }
0xc1: {  	v51 =	vld [tilespmem:$0x190];
	v0 =	vadd.s32 s17, v46  }
0xc2: {  	v52 =	vld [tilespmem:$0x140];
	v1 =	vadd.s32 s17, v47;
	[tilespmem:$0x4C0] =	vst v0  }
0xc3: {  	v55 =	vld [tilespmem:$0x1B0];
	v2 =	vadd.s32 s17, v48;
	[tilespmem:$0x400] =	vst v1  }
0xc4: {  	v56 =	vld [tilespmem:$0x180];
	v3 =	vadd.s32 s17, v49;
	[tilespmem:$0x410] =	vst v2  }
0xc5: {  	v57 =	vld [tilespmem:$0x170];
	v4 =	vadd.s32 s17, v50;
	[tilespmem:$0x430] =	vst v3  }
0xc6: {  	v58 =	vld [tilespmem:$0x160];
	v5 =	vadd.s32 s17, v51;
	[tilespmem:$0x450] =	vst v4  }
0xc7: {  	v53 =	vld [tilespmem:$0x1A0];
	v6 =	vadd.s32 s17, v52;
	[tilespmem:$0x490] =	vst v5  }
0xc8: {  	v54 =	vld [tilespmem:$0x120];
	v59 =	vadd.s32 s17, v55;
	[tilespmem:$0x440] =	vst v6  }
0xc9: {  	v60 =	vadd.s32 s17, v56;
	[tilespmem:$0x4B0] =	vst v59  }
0xca: {  	v61 =	vadd.s32 s17, v57;
	[tilespmem:$0x480] =	vst v60  }
0xcb: {  	v62 =	vadd.s32 s17, v58;
	[tilespmem:$0x470] =	vst v61  }
0xcc: {  	v0 =	vadd.s32 s17, v53;
	[tilespmem:$0x460] =	vst v62  }
0xcd: {  	v1 =	vadd.s32 s17, v54;
	[tilespmem:$0x4A0] =	vst v0  }
0xce: {  	[tilespmem:$0x420] =	vst v1  }
0xcf: {  	[tilespmem:s1], [sflag:$0x5] =	stream.indirect.gather [spmem:s2], $0x80, s9, s23, $0xb8;
	[tilespmem:$0x1D480] =	vst v63  }
0xd0: {  	s20 =	simm.s32 $0x9E00;
	s24 =	simm.s32 $0x468  }
0xd1: {  	[tilespmem:s20], [sflag:$0x5] =	stream.indirect.gather [spmem:s2], $0x80, s24, s26, $0xb8;
	[tilespmem:$0x1D480] =	vst v63  }
0xd2: {  	_ =	swait.ge [sflag:s30], $0x6400  }
0xd3: {  	[sflag:s30] =	ssyncset.done $0x0  }
0xd4: {  	s20 =	sadd.s32 $0xC80, s22;
	[sflag:s30] =	ssyncadd.s32 $0xFFFF9C00  }
0xd5: {  	[hbm4b:s20+s3] =	stream.linear.scatter [tilespmem:s25], [sflag:$0x7], $0x6400, $0x38;
	[tilespmem:$0x1D480] =	vst v63  }
0xd6: {  	_ =	swait.ge [sflag:s16], $0x6400  }
0xd7: {  	[sflag:s16] =	ssyncset.done $0x0  }
0xd8: {  	[sflag:s16] =	ssyncadd.s32 $0xFFFF9C00  }
0xd9: {  	_ =	swait.ge [sflag:s8], $0xC8  }
0xda: {  	s24 =	rddreg [dreg:$0x5];
	[sflag:s8] =	ssyncset.done $0x0  }
0xdb: {  	[sflag:s8] =	ssyncadd.s32 $0xFFFFFF38;
	s17 =	sadd.s32 $0x0, s24  }
0xdc: {  	[tilespmem:s3], [sflag:$0x1] =	stream.linear.gather [hbm4b:s17+s3], $0xC8, $0x38;
	[tilespmem:$0x1D480] =	vst v63  }
0xdd: {  	v63 =	vld [tilespmem:s4+$0x0];
	_ =	sdelay $0x3  }
0xde: {  	s0 =	simm.s32 $0x368;
	s19 =	simm.s32 $0x4B  }
0xdf: {  	s9 =	simm.s32 $0x468;
	s20 =	smov.u32 s22;
	s17 =	smov.u32 s22;
	(v2sf) =	vpush v63, $0x0  }
.LBB2_2:
0xe0: {  	_ =	sdelay $0xa  }
0xe1: {  	v8 =	vld [tilespmem:$0x200]  }
0xe2: {  	v6 =	vld [tilespmem:$0x220]  }
0xe3: {  	v4 =	vld [tilespmem:$0x250]  }
0xe4: {  	v7 =	vld [tilespmem:$0x210];
	s24 =	spop (v2sf)  }
0xe5: {  	v3 =	vld [tilespmem:$0x270];
	s24 =	sshll.u32 s24, $0x9  }
0xe6: {  	v9 =	vld [tilespmem:$0x230];
	v8 =	vadd.s32 s24, v8  }
0xe7: {  	v1 =	vld [tilespmem:$0x2A0];
	v6 =	vadd.s32 s24, v6;
	[tilespmem:$0x500] =	vst v8  }
0xe8: {  	v5 =	vld [tilespmem:$0x240];
	v4 =	vadd.s32 s24, v4;
	[tilespmem:$0x520] =	vst v6  }
0xe9: {  	v2 =	vld [tilespmem:$0x280];
	v7 =	vadd.s32 s24, v7;
	[tilespmem:$0x550] =	vst v4  }
0xea: {  	v0 =	vld [tilespmem:$0x2B0];
	v3 =	vadd.s32 s24, v3;
	[tilespmem:$0x510] =	vst v7  }
0xeb: {  	v11 =	vld [tilespmem:$0x290];
	v25 =	vadd.s32 s24, v9;
	[tilespmem:$0x570] =	vst v3  }
0xec: {  	v12 =	vld [tilespmem:$0x2C0];
	v1 =	vadd.s32 s24, v1;
	[tilespmem:$0x530] =	vst v25  }
0xed: {  	v10 =	vld [tilespmem:$0x260];
	v5 =	vadd.s32 s24, v5;
	[tilespmem:$0x5A0] =	vst v1  }
0xee: {  	v2 =	vadd.s32 s24, v2;
	[tilespmem:$0x540] =	vst v5  }
0xef: {  	v0 =	vadd.s32 s24, v0;
	[tilespmem:$0x580] =	vst v2  }
0xf0: {  	v27 =	vadd.s32 s24, v11;
	[tilespmem:$0x5B0] =	vst v0  }
0xf1: {  	v28 =	vadd.s32 s24, v12;
	[tilespmem:$0x590] =	vst v27  }
0xf2: {  	v26 =	vadd.s32 s24, v10;
	[tilespmem:$0x5C0] =	vst v28  }
0xf3: {  	s24 =	simm.s32 $0x500;
	[tilespmem:$0x560] =	vst v26  }
0xf4: {  	[tilespmem:s10], [sflag:$0x6] =	stream.indirect.gather [spmem:s2], $0x80, s24, s23, $0xb8;
	[tilespmem:$0x1D480] =	vst v63  }
0xf5: {  	s24 =	simm.s32 $0x568  }
0xf6: {  	[tilespmem:s12], [sflag:$0x6] =	stream.indirect.gather [spmem:s2], $0x80, s24, s26, $0xb8;
	[tilespmem:$0x1D480] =	vst v63  }
0xf7: {  	_ =	swait.ge [sflag:s7], $0x6400  }
0xf8: {  	[sflag:s7] =	ssyncset.done $0x0  }
0xf9: {  	s24 =	sadd.s32 $0x1900, s17;
	[sflag:s7] =	ssyncadd.s32 $0xFFFF9C00  }
0xfa: {  	[hbm4b:s24+s3] =	stream.linear.scatter [tilespmem:s1], [sflag:$0x8], $0x6400, $0x38;
	[tilespmem:$0x1D480] =	vst v63  }
0xfb: {  	_ =	swait.ge [sflag:s13], $0x6400  }
0xfc: {  	[sflag:s13] =	ssyncset.done $0x0  }
0xfd: {  	[sflag:s13] =	ssyncadd.s32 $0xFFFF9C00  }
0xfe: {  	_ =	swait.ge [sflag:s21], $0xC8  }
0xff: {  	s22 =	smov.u32 s19;
	s24 =	rddreg [dreg:$0x7];
	[sflag:s21] =	ssyncset.done $0x0  }
0x100: {  	s4 =	sadd.s32 $0x3, s4;
	[sflag:s21] =	ssyncadd.s32 $0xFFFFFF38;
	s24 =	sadd.s32 s22, s24  }
0x101: {  	[tilespmem:s28], [sflag:$0x2] =	stream.linear.gather [hbm4b:s24+s3], $0xC8, $0x38;
	[tilespmem:$0x1D480] =	vst v63  }
0x102: {  	v29 =	vld [tilespmem:s4+$0xFFFFFFFE];
	_ =	sdelay $0x4  }
0x103: {  	(v2sf) =	vpush v29, $0x0;
	_ =	sdelay $0xb  }
0x104: {  	v36 =	vld [tilespmem:$0xC0]  }
0x105: {  	v38 =	vld [tilespmem:$0x0]  }
0x106: {  	v37 =	vld [tilespmem:$0x10]  }
0x107: {  	v34 =	vld [tilespmem:$0x80];
	s24 =	spop (v2sf)  }
0x108: {  	v32 =	vld [tilespmem:$0xB0];
	s24 =	sshll.u32 s24, $0x9  }
0x109: {  	v40 =	vld [tilespmem:$0x50];
	v6 =	vadd.s32 s24, v36  }
0x10a: {  	v41 =	vld [tilespmem:$0x60];
	v8 =	vadd.s32 s24, v38;
	[tilespmem:$0x3C0] =	vst v6  }
0x10b: {  	v30 =	vld [tilespmem:$0xA0];
	v7 =	vadd.s32 s24, v37;
	[tilespmem:$0x300] =	vst v8  }
0x10c: {  	v35 =	vld [tilespmem:$0x30];
	v4 =	vadd.s32 s24, v34;
	[tilespmem:$0x310] =	vst v7  }
0x10d: {  	v42 =	vld [tilespmem:$0x40];
	v2 =	vadd.s32 s24, v32;
	[tilespmem:$0x380] =	vst v4  }
0x10e: {  	v31 =	vld [tilespmem:$0x90];
	v43 =	vadd.s32 s24, v40;
	[tilespmem:$0x3B0] =	vst v2  }
0x10f: {  	v39 =	vld [tilespmem:$0x20];
	v44 =	vadd.s32 s24, v41;
	[tilespmem:$0x350] =	vst v43  }
0x110: {  	v33 =	vld [tilespmem:$0x70];
	v0 =	vadd.s32 s24, v30;
	[tilespmem:$0x360] =	vst v44  }
0x111: {  	v5 =	vadd.s32 s24, v35;
	[tilespmem:$0x3A0] =	vst v0  }
0x112: {  	v45 =	vadd.s32 s24, v42;
	[tilespmem:$0x330] =	vst v5  }
0x113: {  	v1 =	vadd.s32 s24, v31;
	[tilespmem:$0x340] =	vst v45  }
0x114: {  	v9 =	vadd.s32 s24, v39;
	[tilespmem:$0x390] =	vst v1  }
0x115: {  	v3 =	vadd.s32 s24, v33;
	[tilespmem:$0x320] =	vst v9  }
0x116: {  	[tilespmem:$0x370] =	vst v3  }
0x117: {  	[tilespmem:s25], [sflag:$0x4] =	stream.indirect.gather [spmem:s2], $0x80, s29, s23, $0xb8;
	[tilespmem:$0x1D480] =	vst v63  }
0x118: {  	_ = 	snop  }
0x119: {  	[tilespmem:s18], [sflag:$0x4] =	stream.indirect.gather [spmem:s2], $0x80, s0, s26, $0xb8;
	[tilespmem:$0x1D480] =	vst v63  }
0x11a: {  	_ =	swait.ge [sflag:s14], $0x6400  }
0x11b: {  	[sflag:s14] =	ssyncset.done $0x0  }
0x11c: {  	s20 =	sadd.s32 $0x2580, s20;
	[sflag:s14] =	ssyncadd.s32 $0xFFFF9C00  }
0x11d: {  	[hbm4b:s20+s3] =	stream.linear.scatter [tilespmem:s10], [sflag:$0x9], $0x6400, $0x38;
	[tilespmem:$0x1D480] =	vst v63  }
0x11e: {  	_ =	swait.ge [sflag:s15], $0x6400  }
0x11f: {  	[sflag:s15] =	ssyncset.done $0x0  }
0x120: {  	[sflag:s15] =	ssyncadd.s32 $0xFFFF9C00  }
0x121: {  	_ =	swait.ge [sflag:s31], $0xC8  }
0x122: {  	s24 =	rddreg [dreg:$0x6];
	[sflag:s31] =	ssyncset.done $0x0  }
0x123: {  	[sflag:s31] =	ssyncadd.s32 $0xFFFFFF38;
	s24 =	sadd.s32 s22, s24  }
0x124: {  	[tilespmem:s5], [sflag:$0x3] =	stream.linear.gather [hbm4b:s24+s3], $0xC8, $0x38;
	[tilespmem:$0x1D480] =	vst v63  }
0x125: {  	v46 =	vld [tilespmem:s4+$0xFFFFFFFF];
	_ =	sdelay $0x4  }
0x126: {  	(v2sf) =	vpush v46, $0x0;
	_ =	sdelay $0xb  }
0x127: {  	v53 =	vld [tilespmem:$0x1C0]  }
0x128: {  	v55 =	vld [tilespmem:$0x100]  }
0x129: {  	v54 =	vld [tilespmem:$0x110]  }
0x12a: {  	v56 =	vld [tilespmem:$0x130];
	s24 =	spop (v2sf)  }
0x12b: {  	v51 =	vld [tilespmem:$0x150];
	s24 =	sshll.u32 s24, $0x9  }
0x12c: {  	v47 =	vld [tilespmem:$0x190];
	v6 =	vadd.s32 s24, v53  }
0x12d: {  	v52 =	vld [tilespmem:$0x140];
	v8 =	vadd.s32 s24, v55;
	[tilespmem:$0x4C0] =	vst v6  }
0x12e: {  	v59 =	vld [tilespmem:$0x1A0];
	v7 =	vadd.s32 s24, v54;
	[tilespmem:$0x400] =	vst v8  }
0x12f: {  	v58 =	vld [tilespmem:$0x120];
	v9 =	vadd.s32 s24, v56;
	[tilespmem:$0x410] =	vst v7  }
0x130: {  	v49 =	vld [tilespmem:$0x1B0];
	v4 =	vadd.s32 s24, v51;
	[tilespmem:$0x430] =	vst v9  }
0x131: {  	v48 =	vld [tilespmem:$0x180];
	v0 =	vadd.s32 s24, v47;
	[tilespmem:$0x450] =	vst v4  }
0x132: {  	v50 =	vld [tilespmem:$0x170];
	v5 =	vadd.s32 s24, v52;
	[tilespmem:$0x490] =	vst v0  }
0x133: {  	v57 =	vld [tilespmem:$0x160];
	v62 =	vadd.s32 s24, v59;
	[tilespmem:$0x440] =	vst v5  }
0x134: {  	v61 =	vadd.s32 s24, v58;
	[tilespmem:$0x4A0] =	vst v62  }
0x135: {  	v2 =	vadd.s32 s24, v49;
	[tilespmem:$0x420] =	vst v61  }
0x136: {  	v1 =	vadd.s32 s24, v48;
	[tilespmem:$0x4B0] =	vst v2  }
0x137: {  	v3 =	vadd.s32 s24, v50;
	[tilespmem:$0x480] =	vst v1  }
0x138: {  	v60 =	vadd.s32 s24, v57;
	[tilespmem:$0x470] =	vst v3  }
0x139: {  	[tilespmem:$0x460] =	vst v60  }
0x13a: {  	[tilespmem:s1], [sflag:$0x5] =	stream.indirect.gather [spmem:s2], $0x80, s6, s23, $0xb8;
	[tilespmem:$0x1D480] =	vst v63  }
0x13b: {  	_ = 	snop  }
0x13c: {  	[tilespmem:s11], [sflag:$0x5] =	stream.indirect.gather [spmem:s2], $0x80, s9, s26, $0xb8;
	[tilespmem:$0x1D480] =	vst v63  }
0x13d: {  	_ =	swait.ge [sflag:s30], $0x6400  }
0x13e: {  	[sflag:s30] =	ssyncset.done $0x0  }
0x13f: {  	s24 =	sadd.s32 $0xC80, s20;
	[sflag:s30] =	ssyncadd.s32 $0xFFFF9C00  }
0x140: {  	[hbm4b:s24+s3] =	stream.linear.scatter [tilespmem:s25], [sflag:$0x7], $0x6400, $0x38;
	[tilespmem:$0x1D480] =	vst v63  }
0x141: {  	_ =	swait.ge [sflag:s16], $0x6400  }
0x142: {  	[sflag:s16] =	ssyncset.done $0x0  }
0x143: {  	[sflag:s16] =	ssyncadd.s32 $0xFFFF9C00  }
0x144: {  	_ =	swait.ge [sflag:s8], $0xC8  }
0x145: {  	s24 =	rddreg [dreg:$0x5];
	[sflag:s8] =	ssyncset.done $0x0  }
0x146: {  	[sflag:s8] =	ssyncadd.s32 $0xFFFFFF38;
	s22 =	sadd.s32 s22, s24  }
0x147: {  	[tilespmem:s3], [sflag:$0x1] =	stream.linear.gather [hbm4b:s22+s3], $0xC8, $0x38;
	[tilespmem:$0x1D480] =	vst v63  }
0x148: {  	p0 =	sne.s32 s19, $0x3138;
	v63 =	vld [tilespmem:s4+$0x0]  }
.Ltmp0:
0x149: {  	_ = 	snop;
	(pc) =	sbr.rel @p0 .LBB2_2-.Ltmp0, $2  }
0x14a: {  	_ =	sdelay $0x2  }
0x14b: {  	s19 =	sadd.s32 $0x4B, s19;
	s17 =	smov.u32 s20;
	(v2sf) =	vpush v63, $0x0  }
0x14c: {  	_ =	sdelay $0xa  }
0x14d: {  	v0 =	vld [tilespmem:$0x200]  }
0x14e: {  	v1 =	vld [tilespmem:$0x220]  }
0x14f: {  	v2 =	vld [tilespmem:$0x250]  }
0x150: {  	v3 =	vld [tilespmem:$0x210];
	s4 =	spop (v2sf)  }
0x151: {  	v4 =	vld [tilespmem:$0x270];
	s4 =	sshll.u32 s4, $0x9  }
0x152: {  	v5 =	vld [tilespmem:$0x230];
	v0 =	vadd.s32 s4, v0  }
0x153: {  	v6 =	vld [tilespmem:$0x2A0];
	v1 =	vadd.s32 s4, v1;
	[tilespmem:$0x500] =	vst v0  }
0x154: {  	v60 =	vld [tilespmem:$0x2B0];
	v2 =	vadd.s32 s4, v2;
	[tilespmem:$0x520] =	vst v1  }
0x155: {  	v61 =	vld [tilespmem:$0x290];
	v3 =	vadd.s32 s4, v3;
	[tilespmem:$0x550] =	vst v2  }
0x156: {  	v62 =	vld [tilespmem:$0x2C0];
	v4 =	vadd.s32 s4, v4;
	[tilespmem:$0x510] =	vst v3  }
0x157: {  	v63 =	vld [tilespmem:$0x260];
	v5 =	vadd.s32 s4, v5;
	[tilespmem:$0x570] =	vst v4  }
0x158: {  	v58 =	vld [tilespmem:$0x240];
	v6 =	vadd.s32 s4, v6;
	[tilespmem:$0x530] =	vst v5  }
0x159: {  	v59 =	vld [tilespmem:$0x280];
	v8 =	vadd.s32 s4, v60;
	[tilespmem:$0x5A0] =	vst v6  }
0x15a: {  	v9 =	vadd.s32 s4, v61;
	[tilespmem:$0x5B0] =	vst v8  }
0x15b: {  	v10 =	vadd.s32 s4, v62;
	[tilespmem:$0x590] =	vst v9  }
0x15c: {  	v11 =	vadd.s32 s4, v63;
	[tilespmem:$0x5C0] =	vst v10  }
0x15d: {  	v0 =	vadd.s32 s4, v58;
	[tilespmem:$0x560] =	vst v11  }
0x15e: {  	v1 =	vadd.s32 s4, v59;
	[tilespmem:$0x540] =	vst v0  }
0x15f: {  	s19 =	simm.s32 $0x500;
	[tilespmem:$0x580] =	vst v1  }
0x160: {  	[tilespmem:s10], [sflag:$0x6] =	stream.indirect.gather [spmem:s2], $0x80, s19, s23, $0xb8;
	[tilespmem:$0x1D480] =	vst v63  }
0x161: {  	s20 =	simm.s32 $0x568  }
0x162: {  	[tilespmem:s12], [sflag:$0x6] =	stream.indirect.gather [spmem:s2], $0x80, s20, s26, $0xb8;
	[tilespmem:$0x1D480] =	vst v63  }
0x163: {  	_ =	swait.ge [sflag:s7], $0x6400  }
0x164: {  	[sflag:s7] =	ssyncset.done $0x0  }
0x165: {  	s22 =	sadd.s32 $0x1900, s17;
	[sflag:s7] =	ssyncadd.s32 $0xFFFF9C00  }
0x166: {  	[hbm4b:s22+s3] =	stream.linear.scatter [tilespmem:s1], [sflag:$0x8], $0x6400, $0x38;
	[tilespmem:$0x1D480] =	vst v63  }
0x167: {  	_ =	swait.ge [sflag:s13], $0x6400  }
0x168: {  	[sflag:s13] =	ssyncset.done $0x0  }
0x169: {  	[sflag:s13] =	ssyncadd.s32 $0xFFFF9C00  }
0x16a: {  	_ =	swait.ge [sflag:s21], $0xC8  }
0x16b: {  	[sflag:s21] =	ssyncset.done $0x0  }
0x16c: {  	s24 =	rddreg [dreg:$0x10];
	[sflag:s21] =	ssyncadd.s32 $0xFFFFFF38  }
0x16d: {  	[tilespmem:s28], [sflag:$0x2] =	stream.linear.gather [hbm4b:s24+s3], $0xC8, $0x38;
	[tilespmem:$0x1D480] =	vst v63  }
0x16e: {  	v12 =	vld [tilespmem:$0x133FE];
	_ =	sdelay $0x4  }
0x16f: {  	(v2sf) =	vpush v12, $0x0;
	_ =	sdelay $0xb  }
0x170: {  	v13 =	vld [tilespmem:$0x0]  }
0x171: {  	v14 =	vld [tilespmem:$0x10]  }
0x172: {  	v15 =	vld [tilespmem:$0x20]  }
0x173: {  	v16 =	vld [tilespmem:$0x30];
	s5 =	spop (v2sf)  }
0x174: {  	v17 =	vld [tilespmem:$0x40];
	s4 =	sshll.u32 s5, $0x9  }
0x175: {  	v18 =	vld [tilespmem:$0x50];
	v0 =	vadd.s32 s4, v13  }
0x176: {  	v20 =	vld [tilespmem:$0x60];
	v19 =	vadd.s32 s4, v14;
	[tilespmem:$0x300] =	vst v0  }
0x177: {  	v22 =	vld [tilespmem:$0x70];
	v21 =	vadd.s32 s4, v15;
	[tilespmem:$0x310] =	vst v19  }
0x178: {  	v24 =	vld [tilespmem:$0x80];
	v23 =	vadd.s32 s4, v16;
	[tilespmem:$0x320] =	vst v21  }
0x179: {  	v26 =	vld [tilespmem:$0x90];
	v25 =	vadd.s32 s4, v17;
	[tilespmem:$0x330] =	vst v23  }
0x17a: {  	v28 =	vld [tilespmem:$0xA0];
	v27 =	vadd.s32 s4, v18;
	[tilespmem:$0x340] =	vst v25  }
0x17b: {  	v30 =	vld [tilespmem:$0xB0];
	v29 =	vadd.s32 s4, v20;
	[tilespmem:$0x350] =	vst v27  }
0x17c: {  	v32 =	vld [tilespmem:$0xC0];
	v31 =	vadd.s32 s4, v22;
	[tilespmem:$0x360] =	vst v29  }
0x17d: {  	v33 =	vadd.s32 s4, v24;
	[tilespmem:$0x370] =	vst v31  }
0x17e: {  	v34 =	vadd.s32 s4, v26;
	[tilespmem:$0x380] =	vst v33  }
0x17f: {  	v35 =	vadd.s32 s4, v28;
	[tilespmem:$0x390] =	vst v34  }
0x180: {  	v36 =	vadd.s32 s4, v30;
	[tilespmem:$0x3A0] =	vst v35  }
0x181: {  	v37 =	vadd.s32 s4, v32;
	[tilespmem:$0x3B0] =	vst v36  }
0x182: {  	[tilespmem:$0x3C0] =	vst v37  }
0x183: {  	[tilespmem:s25], [sflag:$0x4] =	stream.indirect.gather [spmem:s2], $0x80, s29, s23, $0xb8;
	[tilespmem:$0x1D480] =	vst v63  }
0x184: {  	_ = 	snop  }
0x185: {  	[tilespmem:s18], [sflag:$0x4] =	stream.indirect.gather [spmem:s2], $0x80, s0, s26, $0xb8;
	[tilespmem:$0x1D480] =	vst v63  }
0x186: {  	_ =	swait.ge [sflag:s14], $0x6400  }
0x187: {  	[sflag:s14] =	ssyncset.done $0x0  }
0x188: {  	s17 =	rddreg [dreg:$0x11];
	[sflag:s14] =	ssyncadd.s32 $0xFFFF9C00  }
0x189: {  	[hbm4b:s17+s3] =	stream.linear.scatter [tilespmem:s10], [sflag:$0x9], $0x6400, $0x38;
	[tilespmem:$0x1D480] =	vst v63  }
0x18a: {  	_ =	swait.ge [sflag:s15], $0x6400  }
0x18b: {  	[sflag:s15] =	ssyncset.done $0x0  }
0x18c: {  	[sflag:s15] =	ssyncadd.s32 $0xFFFF9C00  }
0x18d: {  	_ =	swait.ge [sflag:s31], $0xC8  }
0x18e: {  	[sflag:s31] =	ssyncset.done $0x0  }
0x18f: {  	[sflag:s31] =	ssyncadd.s32 $0xFFFFFF38  }
0x190: {  	v38 =	vld [tilespmem:$0x133FF];
	_ =	sdelay $0x4  }
0x191: {  	(v2sf) =	vpush v38, $0x0;
	_ =	sdelay $0xb  }
0x192: {  	v39 =	vld [tilespmem:$0x100]  }
0x193: {  	v40 =	vld [tilespmem:$0x110]  }
0x194: {  	v41 =	vld [tilespmem:$0x120]  }
0x195: {  	v42 =	vld [tilespmem:$0x130];
	s19 =	spop (v2sf)  }
0x196: {  	v43 =	vld [tilespmem:$0x140];
	s4 =	sshll.u32 s19, $0x9  }
0x197: {  	v44 =	vld [tilespmem:$0x150];
	v0 =	vadd.s32 s4, v39  }
0x198: {  	v46 =	vld [tilespmem:$0x160];
	v45 =	vadd.s32 s4, v40;
	[tilespmem:$0x400] =	vst v0  }
0x199: {  	v48 =	vld [tilespmem:$0x170];
	v47 =	vadd.s32 s4, v41;
	[tilespmem:$0x410] =	vst v45  }
0x19a: {  	v50 =	vld [tilespmem:$0x180];
	v49 =	vadd.s32 s4, v42;
	[tilespmem:$0x420] =	vst v47  }
0x19b: {  	v52 =	vld [tilespmem:$0x190];
	v51 =	vadd.s32 s4, v43;
	[tilespmem:$0x430] =	vst v49  }
0x19c: {  	v54 =	vld [tilespmem:$0x1A0];
	v53 =	vadd.s32 s4, v44;
	[tilespmem:$0x440] =	vst v51  }
0x19d: {  	v56 =	vld [tilespmem:$0x1B0];
	v55 =	vadd.s32 s4, v46;
	[tilespmem:$0x450] =	vst v53  }
0x19e: {  	v58 =	vld [tilespmem:$0x1C0];
	v57 =	vadd.s32 s4, v48;
	[tilespmem:$0x460] =	vst v55  }
0x19f: {  	v59 =	vadd.s32 s4, v50;
	[tilespmem:$0x470] =	vst v57  }
0x1a0: {  	v60 =	vadd.s32 s4, v52;
	[tilespmem:$0x480] =	vst v59  }
0x1a1: {  	v61 =	vadd.s32 s4, v54;
	[tilespmem:$0x490] =	vst v60  }
0x1a2: {  	v62 =	vadd.s32 s4, v56;
	[tilespmem:$0x4A0] =	vst v61  }
0x1a3: {  	v63 =	vadd.s32 s4, v58;
	[tilespmem:$0x4B0] =	vst v62  }
0x1a4: {  	[tilespmem:$0x4C0] =	vst v63  }
0x1a5: {  	[tilespmem:s1], [sflag:$0x5] =	stream.indirect.gather [spmem:s2], $0x80, s6, s23, $0xb8;
	[tilespmem:$0x1D480] =	vst v63  }
0x1a6: {  	_ = 	snop  }
0x1a7: {  	[tilespmem:s11], [sflag:$0x5] =	stream.indirect.gather [spmem:s2], $0x80, s9, s26, $0xb8;
	[tilespmem:$0x1D480] =	vst v63  }
0x1a8: {  	_ =	swait.ge [sflag:s30], $0x6400  }
0x1a9: {  	[sflag:s30] =	ssyncset.done $0x0  }
0x1aa: {  	s20 =	rddreg [dreg:$0x12];
	[sflag:s30] =	ssyncadd.s32 $0xFFFF9C00  }
0x1ab: {  	[hbm4b:s20+s3] =	stream.linear.scatter [tilespmem:s25], [sflag:$0x7], $0x6400, $0x38;
	[tilespmem:$0x1D480] =	vst v63  }
0x1ac: {  	_ =	swait.ge [sflag:s7], $0x6400  }
0x1ad: {  	[sflag:s7] =	ssyncset.done $0x0  }
0x1ae: {  	s22 =	rddreg [dreg:$0x13];
	[sflag:s7] =	ssyncadd.s32 $0xFFFF9C00  }
0x1af: {  	[hbm4b:s22+s3] =	stream.linear.scatter [tilespmem:s1], [sflag:$0x8], $0x6400, $0x38;
	[tilespmem:$0x1D480] =	vst v63  }
0x1b0: {  	_ =	swait.ge [sflag:s16], $0x6400  }
0x1b1: {  	[sflag:s16] =	ssyncset.done $0x0  }
0x1b2: {  	[sflag:s16] =	ssyncadd.s32 $0xFFFF9C00  }
0x1b3: {  	_ =	swait.ge [sflag:s13], $0x6400  }
0x1b4: {  	[sflag:s13] =	ssyncset.done $0x0  }
0x1b5: {  	[sflag:s13] =	ssyncadd.s32 $0xFFFF9C00  }
0x1b6: {  	_ =	swait.ge [sflag:s15], $0x6400  }
0x1b7: {  	s5 =	rddreg [dreg:$0x17]  }
0x1b8: {  	s24 =	rddreg [dreg:$0x14];
	s5 =	sadd.s32 $0x1, s5  }
0x1b9: {  	p0 =	sne.s32 s5, s24  }
.Ltmp1:
0x1ba: {  	_ = 	snop;
	(pc) =	sbr.rel @p0 .LBB2_1-.Ltmp1, $3  }
0x1bb: {  	_ =	sdelay $0x1  }
0x1bc: {  	[sflag:s15] =	ssyncset.done $0x0  }
0x1bd: {  	s0 =	simm.s32 $0x200;
	[sflag:s15] =	ssyncadd.s32 $0xFFFF9C00  }
0x1be: {  	_ =	sfence.sel $0x180000  }
0x1bf: {  	[bflag:$0x0] =	sbarrier.arrive $0xFFFF  }
0x1c0: {  	_ =	strace $0x90000047  }
0x1c1: {  	s0 =	stileid.u32;
	[bflag:$0x2] =	sbarrier.arrive $0xFFFF  }
0x1c2: {  	p0 =	sne.s32 s0, $0x0;
	s0 =	rddreg [dreg:$0x4]  }
0x1c3: {  	s0 =	sadd.s32 @!p0 $0x100000, s0  }
0x1c4: {  	[sflag:s0] =	ssyncadd.tile.s32 @!p0 $0x1;
	_ =	shalt  }
.Lfunc_end2:
_tile_overlayer_lowered:
.L_overlay_start_2:
0x1c5: {  	(tag) =	ssettag $0x2  }
0x1c6: {  	s0 =	rddreg [dreg:$0x0];
	s2 =	stileid.u32  }
0x1c7: {  	s1 =	rddreg [dreg:$0x1];
	p0 =	sne.s32 s2, $0x0  }
0x1c8: {  	s3 =	rddreg [dreg:$0x2];
	[bflag:$0x3] =	sbarrier.arrive $0xFFFF;
	s2 =	simm.s32 @!p0 $0x1C0A  }
0x1c9: {  	[timem:s3], [sflag:s2] =	dma.local @!p0 [hbm:s0], s1  }
0x1ca: {  	s0 =	simm.s32 @!p0 $0xA  }
0x1cb: {  	_ =	swait.ge @!p0 [sflag:s0], s1  }
0x1cc: {  	s1 =	ssub.s32 @!p0 $0x0, s1;
	[sflag:s0] =	ssyncset.done @!p0 $0x0  }
0x1cd: {  	[sflag:s0] =	ssyncadd.s32 @!p0 s1  }
0x1ce: {  	[bflag:$0x3] =	sbarrier.arrive $0xFFFF  }
0x1cf: {  	_ =	shalt  }

</sc_bundles>
